<compile_context>
chip_gen: v7x
topology: tpu7x:2x2x1
jax: 0.10.2.dev20260603
libtpu: 0.0.44.dev20260713+nightly
codegen_flags: <defaults>
</compile_context>

<pallas_src>
import functools

import jax
import jax.numpy as jnp
from jax import lax
from jax.experimental import pallas as pl
from jax.experimental.pallas import tpu as pltpu
from jax.experimental.pallas import tpu_sc as plsc

N = 10000
E = 10000
NNZ = 320000
DF = 128

NCORES = 2
NSUB = 16
NW = NCORES * NSUB
CHUNK = 128
TOTCH = NNZ // CHUNK
CH = 80
NHALF = 40
SEG = 10240
SEG_T = SEG // NSUB


def _tile_chunks(wid):
    base = wid * CH
    nch = jnp.minimum(TOTCH - base, CH)
    nst = jnp.where(nch > NHALF, 2, 1)
    return base, nch, nst


def _stage_window(base, nch, s):
    start = base + s * NHALF
    cnt = jnp.minimum(nch - s * NHALF, NHALF)
    return start, cnt


def _zero_rows(buf):
    def _zrow(i, c):
        def _zcol(g, c2):
            buf[i, pl.ds(g * 16, 16)] = jnp.zeros((16,), jnp.float32)
            return c2
        return lax.fori_loop(0, DF // 16, _zcol, c)
    lax.fori_loop(0, CHUNK, _zrow, 0)


def _fill_vec(buf, n, value):
    def _zb(g, c):
        buf[pl.ds(g * 16, 16)] = jnp.full((16,), value, jnp.float32)
        return c
    lax.fori_loop(0, n // 16, _zb, 0)


def _zero_acc(acc, buf0, sid):
    def _zacc(j, c):
        pltpu.sync_copy(buf0, acc.at[pl.ds(sid * SEG_T + j * CHUNK, CHUNK)])
        return c
    lax.fori_loop(0, SEG_T // CHUNK, _zacc, 0)


def _write_rows(acc, out_hbm, cid, sid):
    def _wout(j, c):
        r = sid * SEG_T + j * CHUNK
        pltpu.sync_copy(acc.at[pl.ds(r, CHUNK)],
                        out_hbm.at[cid, pl.ds(r, CHUNK)])
        return c
    lax.fori_loop(0, SEG_T // CHUNK, _wout, 0)


def _sc_pass1_body(idx_hbm, src_hbm, wvec_hbm,
                   out_hbm, outb_hbm, outd_hbm,
                   gidx_v, sidx_v, buf0, buf1, val0, val1, ones_v, zbuf,
                   acc, saccb, saccd,
                   semr0, semr1, sems0, sems1,
                   semvr0, semvr1, semvs0, semvs1, semb):
    cid = lax.axis_index("c")
    sid = lax.axis_index("s")
    wid = cid * NSUB + sid
    base, nch, nst = _tile_chunks(wid)

    _zero_rows(buf0)
    _fill_vec(zbuf, SEG_T, 0.0)
    _fill_vec(ones_v, CHUNK, 1.0)
    _zero_acc(acc, buf0, sid)
    pltpu.sync_copy(zbuf, saccb.at[pl.ds(sid * SEG_T, SEG_T)])
    pltpu.sync_copy(zbuf, saccd.at[pl.ds(sid * SEG_T, SEG_T)])
    plsc.subcore_barrier()

    def _issue_g(j, buf, val, semr, semvr):
        pltpu.async_copy(src_hbm.at[gidx_v.at[j]], buf, semr)
        pltpu.async_copy(wvec_hbm.at[sidx_v.at[j]], val, semvr)

    def _stage(s, c0):
        start, cnt = _stage_window(base, nch, s)
        pltpu.sync_copy(idx_hbm.at[0, pl.ds(start, NHALF)], gidx_v)
        pltpu.sync_copy(idx_hbm.at[1, pl.ds(start, NHALF)], sidx_v)
        _issue_g(0, buf0, val0, semr0, semvr0)
        _issue_g(1, buf1, val1, semr1, semvr1)

        def _body(i, c):
            j = 2 * i
            pltpu.make_async_copy(src_hbm.at[gidx_v.at[0]], buf0,
                                  semr0).wait()
            pltpu.make_async_copy(wvec_hbm.at[sidx_v.at[0]], val0,
                                  semvr0).wait()
            pltpu.async_copy(buf0, acc.at[sidx_v.at[j]], sems0,
                             add=True)
            pltpu.async_copy(val0, saccd.at[gidx_v.at[j]], semvs0,
                             add=True)
            pltpu.async_copy(ones_v, saccb.at[sidx_v.at[j]], semb,
                             add=True)
            pltpu.make_async_copy(src_hbm.at[gidx_v.at[0]], buf1,
                                  semr1).wait()
            pltpu.make_async_copy(wvec_hbm.at[sidx_v.at[0]], val1,
                                  semvr1).wait()
            pltpu.async_copy(buf1, acc.at[sidx_v.at[j + 1]], sems1,
                             add=True)
            pltpu.async_copy(val1, saccd.at[gidx_v.at[j + 1]], semvs1,
                             add=True)
            pltpu.async_copy(ones_v, saccb.at[sidx_v.at[j + 1]], semb,
                             add=True)
            pltpu.make_async_copy(buf0, acc.at[sidx_v.at[0]], sems0).wait()
            pltpu.make_async_copy(val0, saccd.at[gidx_v.at[0]],
                                  semvs0).wait()
            _issue_g(jnp.minimum(j + 2, cnt - 1), buf0, val0,
                     semr0, semvr0)
            pltpu.make_async_copy(buf1, acc.at[sidx_v.at[0]], sems1).wait()
            pltpu.make_async_copy(val1, saccd.at[gidx_v.at[0]],
                                  semvs1).wait()
            _issue_g(jnp.minimum(j + 3, cnt - 1), buf1, val1,
                     semr1, semvr1)
            pltpu.make_async_copy(ones_v, saccb.at[sidx_v.at[0]],
                                  semb).wait()
            pltpu.make_async_copy(ones_v, saccb.at[sidx_v.at[0]],
                                  semb).wait()
            return c
        lax.fori_loop(0, cnt // 2, _body, 0)
        pltpu.make_async_copy(src_hbm.at[gidx_v.at[0]], buf0, semr0).wait()
        pltpu.make_async_copy(wvec_hbm.at[sidx_v.at[0]], val0, semvr0).wait()
        pltpu.make_async_copy(src_hbm.at[gidx_v.at[0]], buf1, semr1).wait()
        pltpu.make_async_copy(wvec_hbm.at[sidx_v.at[0]], val1, semvr1).wait()
        return c0
    lax.fori_loop(0, nst, _stage, 0)
    plsc.subcore_barrier()

    _write_rows(acc, out_hbm, cid, sid)
    pltpu.sync_copy(saccb.at[pl.ds(sid * SEG_T, SEG_T)],
                    outb_hbm.at[cid, pl.ds(sid * SEG_T, SEG_T)])
    pltpu.sync_copy(saccd.at[pl.ds(sid * SEG_T, SEG_T)],
                    outd_hbm.at[cid, pl.ds(sid * SEG_T, SEG_T)])


_sc_pass1 = functools.partial(
    pl.kernel,
    out_type=(jax.ShapeDtypeStruct((NCORES, SEG, DF), jnp.float32),
              jax.ShapeDtypeStruct((NCORES, SEG), jnp.float32),
              jax.ShapeDtypeStruct((NCORES, SEG), jnp.float32)),
    mesh=plsc.VectorSubcoreMesh(core_axis_name="c", subcore_axis_name="s"),
    compiler_params=pltpu.CompilerParams(needs_layout_passes=False),
    scratch_types=[
        pltpu.VMEM((NHALF, CHUNK), jnp.int32),
        pltpu.VMEM((NHALF, CHUNK), jnp.int32),
        pltpu.VMEM((CHUNK, DF), jnp.float32),
        pltpu.VMEM((CHUNK, DF), jnp.float32),
        pltpu.VMEM((CHUNK,), jnp.float32),
        pltpu.VMEM((CHUNK,), jnp.float32),
        pltpu.VMEM((CHUNK,), jnp.float32),
        pltpu.VMEM((SEG_T,), jnp.float32),
        pltpu.VMEM_SHARED((SEG, DF), jnp.float32),
        pltpu.VMEM_SHARED((SEG,), jnp.float32),
        pltpu.VMEM_SHARED((SEG,), jnp.float32),
    ] + [pltpu.SemaphoreType.DMA] * 9,
)(_sc_pass1_body)


def _sc_pass2_body(idx_hbm, src_hbm, out_hbm,
                   gidx_v, sidx_v, buf0, buf1,
                   acc, semr0, semr1, sems0, sems1):
    cid = lax.axis_index("c")
    sid = lax.axis_index("s")
    wid = cid * NSUB + sid
    base, nch, nst = _tile_chunks(wid)

    _zero_rows(buf0)
    _zero_acc(acc, buf0, sid)
    plsc.subcore_barrier()

    def _stage(s, c0):
        start, cnt = _stage_window(base, nch, s)
        pltpu.sync_copy(idx_hbm.at[1, pl.ds(start, NHALF)], gidx_v)
        pltpu.sync_copy(idx_hbm.at[0, pl.ds(start, NHALF)], sidx_v)
        pltpu.async_copy(src_hbm.at[gidx_v.at[0]], buf0, semr0)
        pltpu.async_copy(src_hbm.at[gidx_v.at[1]], buf1, semr1)

        def _body(i, c):
            j = 2 * i
            pltpu.make_async_copy(src_hbm.at[gidx_v.at[0]], buf0,
                                  semr0).wait()
            pltpu.async_copy(buf0, acc.at[sidx_v.at[j]], sems0,
                             add=True)
            pltpu.make_async_copy(src_hbm.at[gidx_v.at[0]], buf1,
                                  semr1).wait()
            pltpu.async_copy(buf1, acc.at[sidx_v.at[j + 1]], sems1,
                             add=True)
            pltpu.make_async_copy(buf0, acc.at[sidx_v.at[0]], sems0).wait()
            pltpu.async_copy(
                src_hbm.at[gidx_v.at[jnp.minimum(j + 2, cnt - 1)]],
                buf0, semr0)
            pltpu.make_async_copy(buf1, acc.at[sidx_v.at[0]], sems1).wait()
            pltpu.async_copy(
                src_hbm.at[gidx_v.at[jnp.minimum(j + 3, cnt - 1)]],
                buf1, semr1)
            return c
        lax.fori_loop(0, cnt // 2, _body, 0)
        pltpu.make_async_copy(src_hbm.at[gidx_v.at[0]], buf0, semr0).wait()
        pltpu.make_async_copy(src_hbm.at[gidx_v.at[0]], buf1, semr1).wait()
        return c0
    lax.fori_loop(0, nst, _stage, 0)
    plsc.subcore_barrier()

    _write_rows(acc, out_hbm, cid, sid)


_sc_pass2 = functools.partial(
    pl.kernel,
    out_type=jax.ShapeDtypeStruct((NCORES, SEG, DF), jnp.float32),
    mesh=plsc.VectorSubcoreMesh(core_axis_name="c", subcore_axis_name="s"),
    compiler_params=pltpu.CompilerParams(needs_layout_passes=False),
    scratch_types=[
        pltpu.VMEM((NHALF, CHUNK), jnp.int32),
        pltpu.VMEM((NHALF, CHUNK), jnp.int32),
        pltpu.VMEM((CHUNK, DF), jnp.float32),
        pltpu.VMEM((CHUNK, DF), jnp.float32),
        pltpu.VMEM_SHARED((SEG, DF), jnp.float32),
    ] + [pltpu.SemaphoreType.DMA] * 4,
)(_sc_pass2_body)


_CBLK = 2048


def _col_from_tile(s16):
    t = lax.broadcast_in_dim(s16, (16, 128, 128), (0, 2))
    t2 = t.reshape(_CBLK, 128)
    lane = lax.broadcasted_iota(jnp.int32, (_CBLK, 128), 1)
    row = lax.broadcasted_iota(jnp.int32, (_CBLK, 128), 0)
    return jnp.sum(jnp.where(lane == row % 128, t2, 0.0), axis=1,
                   keepdims=True)


def _combine_kernel(p_ref, q_ref, w_ref, w1_ref, b1_ref, o_ref):
    xsum = p_ref[0] + p_ref[1]
    cnt = _col_from_tile(q_ref[0] + q_ref[1])
    binv = jnp.where(cnt > 0, 1.0 / cnt, 0.0)
    mm = jnp.dot(xsum, w1_ref[...], preferred_element_type=jnp.float32)
    o_ref[...] = (mm + cnt * b1_ref[...]) * (binv * w_ref[...])


def _combine(p, q3, w2d, W1, b1):
    return pl.pallas_call(
        _combine_kernel,
        grid=(SEG // _CBLK,),
        in_specs=[pl.BlockSpec((NCORES, _CBLK, DF), lambda i: (0, i, 0)),
                  pl.BlockSpec((NCORES, _CBLK // 128, 128),
                               lambda i: (0, i, 0)),
                  pl.BlockSpec((_CBLK, 1), lambda i: (i, 0)),
                  pl.BlockSpec((DF, DF), lambda i: (0, 0)),
                  pl.BlockSpec((1, DF), lambda i: (0, 0))],
        out_specs=pl.BlockSpec((_CBLK, DF), lambda i: (i, 0)),
        out_shape=jax.ShapeDtypeStruct((SEG, DF), jnp.float32),
    )(p, q3, w2d, W1, b1)


def _final_kernel(p_ref, q_ref, x_ref, g_ref, b_ref, o_ref):
    osum = p_ref[0] + p_ref[1]
    d = _col_from_tile(q_ref[0] + q_ref[1])
    dinv = jnp.where(d > 0, 1.0 / d, 0.0)
    h = jnp.maximum(x_ref[...] + osum * dinv, 0.0)
    mu = jnp.mean(h, axis=1, keepdims=True)
    var = jnp.mean((h - mu) ** 2, axis=1, keepdims=True)
    o_ref[...] = (h - mu) * lax.rsqrt(var + 1e-5) * g_ref[...] + b_ref[...]


def _final(p, q3, x, gamma, beta):
    return pl.pallas_call(
        _final_kernel,
        grid=(SEG // _CBLK,),
        in_specs=[pl.BlockSpec((NCORES, _CBLK, DF), lambda i: (0, i, 0)),
                  pl.BlockSpec((NCORES, _CBLK // 128, 128),
                               lambda i: (0, i, 0)),
                  pl.BlockSpec((_CBLK, DF), lambda i: (i, 0)),
                  pl.BlockSpec((1, DF), lambda i: (0, 0)),
                  pl.BlockSpec((1, DF), lambda i: (0, 0))],
        out_specs=pl.BlockSpec((_CBLK, DF), lambda i: (i, 0)),
        out_shape=jax.ShapeDtypeStruct((N, DF), jnp.float32),
    )(p, q3, x, gamma, beta)


def kernel(x, hyperedge_index, hyperedge_weight, W1, b1, gamma, beta):
    idx3 = jnp.pad(hyperedge_index.reshape(2, TOTCH, CHUNK),
                   ((0, 0), (0, NW * CH - TOTCH), (0, 0)))
    wpad = jnp.concatenate([hyperedge_weight,
                            jnp.zeros((SEG - E,), jnp.float32)])

    p1, qb, qd = _sc_pass1(idx3, x, wpad)
    e = _combine(p1, qb.reshape(NCORES, SEG // 128, 128),
                 wpad.reshape(SEG, 1), W1, b1.reshape(1, DF))
    p2 = _sc_pass2(idx3, e)
    return _final(p2, qd.reshape(NCORES, SEG // 128, 128),
                  x, gamma.reshape(1, DF), beta.reshape(1, DF))

# --- scband reference (transcript-rebuilt; emitter-appended) ---
"""Pipeline reference for scband-hyper-gcnblock-27556510171434 (READ-ONLY COPY).

The authoritative reference and input builder live on the scoring server;
editing this copy changes nothing except your own understanding.
"""

import jax, jax.numpy as jnp
import numpy as np

N_NODES = 10000
N_HYPEREDGES = 10000
NNZ = 320000
D_FEAT = 128


def setup_inputs(seed: int = 0):
    key = jax.random.key(seed)
    ks = jax.random.split(key, 8)
    x = jax.random.normal(ks[0], (N_NODES, D_FEAT), dtype=jnp.float32)
    hyperedge_index = jax.random.randint(ks[1], (2, NNZ), 0, N_NODES, dtype=jnp.int32)
    hyperedge_weight = jax.random.uniform(ks[2], (N_HYPEREDGES,), dtype=jnp.float32)
    W1 = jax.random.normal(ks[3], (D_FEAT, D_FEAT), dtype=jnp.float32) * (1.0 / np.sqrt(D_FEAT))
    b1 = jnp.zeros((D_FEAT,), dtype=jnp.float32)
    gamma = jnp.ones((D_FEAT,), dtype=jnp.float32)
    beta = jnp.zeros((D_FEAT,), dtype=jnp.float32)
    return {"x": x, "hyperedge_index": hyperedge_index, "hyperedge_weight": hyperedge_weight,
            "W1": W1, "b1": b1, "gamma": gamma, "beta": beta}


def _hypergraph_conv(x, hyperedge_index, hyperedge_weight, W, b):
    # PyG-style HypergraphConv: X' = D^{-1} H W B^{-1} H^T (X Theta) + bias
    node_idx = hyperedge_index[0]
    edge_idx = hyperedge_index[1]
    xt = x @ W + b
    # node degrees weighted by hyperedge weight
    D = jax.ops.segment_sum(hyperedge_weight[edge_idx], node_idx, num_segments=N_NODES)
    Dinv = jnp.where(D > 0, 1.0 / D, 0.0)
    # hyperedge degrees
    B = jax.ops.segment_sum(jnp.ones((NNZ,), dtype=xt.dtype), edge_idx, num_segments=N_HYPEREDGES)
    Binv = jnp.where(B > 0, 1.0 / B, 0.0)
    # node -> hyperedge aggregation (B^{-1} H^T X Theta)
    e = jax.ops.segment_sum(xt[node_idx], edge_idx, num_segments=N_HYPEREDGES) * Binv[:, None]
    # apply hyperedge weights W
    e = e * hyperedge_weight[:, None]
    # hyperedge -> node aggregation (D^{-1} H ...)
    out = jax.ops.segment_sum(e[edge_idx], node_idx, num_segments=N_NODES) * Dinv[:, None]
    return out


def _layer_norm(h, gamma, beta, eps=1e-5):
    mu = jnp.mean(h, axis=-1, keepdims=True)
    var = jnp.var(h, axis=-1, keepdims=True)
    return (h - mu) / jnp.sqrt(var + eps) * gamma + beta


def reference(x, hyperedge_index, hyperedge_weight, W1, b1, gamma, beta):
    # residual_proj is Identity since in_c == out_c
    residual = x
    h = _hypergraph_conv(x, hyperedge_index, hyperedge_weight, W1, b1)
    h = jax.nn.relu(residual + h)
    h = _layer_norm(h, gamma, beta)
    # dropout(p=0.1) is identity at inference
    return h

if __name__ == "__main__":
    import jax
    _d = setup_inputs()
    print(jax.jit(kernel)(*tuple(_d.values())))

</pallas_src>

<mosaic_0001>
#map = affine_map<(d0, d1) -> (0, 0, 0)>
#map1 = affine_map<(d0, d1) -> (0, 0)>
module attributes {stable_mosaic.version = 14 : i64} {
  func.func @_sc_pass2_body(%arg0: i32, %arg1: i32, %arg2: memref<2x2560x128xi32, #tpu.memory_space<hbm>>, %arg3: memref<10240x128xf32, #tpu.memory_space<hbm>>, %arg4: memref<2x10240x128xf32, #tpu.memory_space<hbm>>, %arg5: memref<40x128xi32, #tpu.memory_space<vmem>>, %arg6: memref<40x128xi32, #tpu.memory_space<vmem>>, %arg7: memref<128x128xf32, #tpu.memory_space<vmem>>, %arg8: memref<128x128xf32, #tpu.memory_space<vmem>>, %arg9: memref<10240x128xf32, #tpu.memory_space<vmem_shared>>, %arg10: memref<!tpu.dma_semaphore, #tpu.memory_space<semaphore_mem>>, %arg11: memref<!tpu.dma_semaphore, #tpu.memory_space<semaphore_mem>>, %arg12: memref<!tpu.dma_semaphore, #tpu.memory_space<semaphore_mem>>, %arg13: memref<!tpu.dma_semaphore, #tpu.memory_space<semaphore_mem>>) attributes {dimension_semantics = [#tpu.dimension_semantics<core_parallel>, #tpu.dimension_semantics<subcore_parallel>], iteration_bounds = array<i64: 2, 16>, scalar_prefetch = 0 : i64, scratch_operands = 9 : i64, tpu.core_type = #tpu.core_type<sc_vector_subcore>, window_params = [{transform_indices = #map}, {transform_indices = #map1}, {transform_indices = #map}]} {
    %mul3A = arith.constant 16 : i32
    %mul3A_0 = arith.muli %arg0, %mul3A : i32
    %add3A = arith.addi %mul3A_0, %arg1 : i32
    %mul3A_1 = arith.constant 80 : i32
    %mul3A_2 = arith.muli %add3A, %mul3A_1 : i32
    %sub3A = arith.constant 2500 : i32
    %sub3A_3 = arith.subi %sub3A, %mul3A_2 : i32
    %min3A = arith.constant 80 : i32
    %min3A_4 = arith.minsi %sub3A_3, %min3A : i32
    %gt3A = arith.constant 40 : i32
    %gt3A_5 = arith.cmpi sgt, %min3A_4, %gt3A : i32
    %jit3A = arith.constant 2 : i32
    %jit3A_6 = arith.constant 1 : i32
    %select_n3A = arith.select %gt3A_5, %jit3A, %jit3A_6 : i32
    %scan3A = arith.constant 0 : i32
    %scan3A_7 = arith.constant 0 : i32
    %scan3A_8 = arith.constant 128 : i32
    %scan3A_9 = arith.addi %scan3A_7, %scan3A_8 : i32
    %scan3A_10 = arith.constant 1 : i32
    scf.for %scan3A_34 = %scan3A_7 to %scan3A_9 step %scan3A_10  : i32 {
      %scan3A_35 = arith.constant 0 : i32
      %scan3A_36 = arith.constant 8 : i32
      %scan3A_37 = arith.addi %scan3A_35, %scan3A_36 : i32
      %scan3A_38 = arith.constant 1 : i32
      scf.for %scan3A_40 = %scan3A_35 to %scan3A_37 step %scan3A_38  : i32 {
        %broadcast_in_dim3A = arith.constant 0.000000e+00 : f32
        %broadcast_in_dim3A_41 = vector.broadcast %broadcast_in_dim3A : f32 to vector<16xf32>
        %mul3A_42 = arith.constant 16 : i32
        %mul3A_43 = arith.muli %scan3A_40, %mul3A_42 : i32
        %swap3A = arith.index_cast %scan3A_34 : i32 to index
        %swap3A_44 = arith.index_cast %mul3A_43 : i32 to index
        %swap3A_45 = tpu.vector_load %arg7[%swap3A, %swap3A_44] {strides = array<i32>} : memref<128x128xf32, #tpu.memory_space<vmem>>, vector<16xf32>,
        tpu.vector_store %arg7[%swap3A, %swap3A_44], %broadcast_in_dim3A_41 {strides = array<i32>} : memref<128x128xf32, #tpu.memory_space<vmem>>, vector<16xf32>,
      }
      %scan3A_39 = arith.constant 8 : i32
    }
    %scan3A_11 = arith.constant 128 : i32
    %scan3A_12 = arith.constant 0 : i32
    %scan3A_13 = arith.constant 0 : i32
    %scan3A_14 = arith.constant 5 : i32
    %scan3A_15 = arith.addi %scan3A_13, %scan3A_14 : i32
    %scan3A_16 = arith.constant 1 : i32
    scf.for %scan3A_34 = %scan3A_13 to %scan3A_15 step %scan3A_16  : i32 {
      %mul3A_35 = arith.constant 640 : i32
      %mul3A_36 = arith.muli %arg1, %mul3A_35 : i32
      %mul3A_37 = arith.constant 128 : i32
      %mul3A_38 = arith.muli %scan3A_34, %mul3A_37 : i32
      %add3A_39 = arith.addi %mul3A_36, %mul3A_38 : i32
      "tpu.region"() ({
        %run_scoped3A = tpu.sem_alloc : memref<!tpu.dma_semaphore, #tpu.memory_space<semaphore_mem>>
        %dma_start3A = arith.constant 0 : i32
        %dma_start3A_40 = tpu.memref_slice %arg9[%add3A_39, %dma_start3A] : memref<10240x128xf32, #tpu.memory_space<vmem_shared>> -> memref<128x128xf32, #tpu.memory_space<vmem_shared>>
        %dma_start3A_41 = arith.constant 0 : i32
        %dma_start3A_42 = tpu.memref_slice %arg9[%add3A_39, %dma_start3A_41] : memref<10240x128xf32, #tpu.memory_space<vmem_shared>> -> memref<128x128xf32, #tpu.memory_space<vmem_shared>>
        tpu.enqueue_dma source(%arg7 : memref<128x128xf32, #tpu.memory_space<vmem>>) target(%dma_start3A_42 : memref<128x128xf32, #tpu.memory_space<vmem_shared>>) target_semaphore(%run_scoped3A : memref<!tpu.dma_semaphore, #tpu.memory_space<semaphore_mem>>)
        %dma_wait3A = arith.constant 0 : i32
        %dma_wait3A_43 = tpu.memref_slice %arg9[%add3A_39, %dma_wait3A] : memref<10240x128xf32, #tpu.memory_space<vmem_shared>> -> memref<128x128xf32, #tpu.memory_space<vmem_shared>>
        %dma_wait3A_44 = arith.constant 0 : i32
        %dma_wait3A_45 = tpu.memref_slice %arg9[%add3A_39, %dma_wait3A_44] : memref<10240x128xf32, #tpu.memory_space<vmem_shared>> -> memref<128x128xf32, #tpu.memory_space<vmem_shared>>
        tpu.wait_dma2 semaphore(%run_scoped3A : memref<!tpu.dma_semaphore, #tpu.memory_space<semaphore_mem>>) src(%arg7 : memref<128x128xf32, #tpu.memory_space<vmem>>) dst(%dma_wait3A_45 : memref<128x128xf32, #tpu.memory_space<vmem_shared>>)
        tpu.yield
      }) : () -> ()
    }
    %scan3A_17 = arith.constant 5 : i32
    %barrier3A = arith.constant 0 : index
    tpu.barrier barrier_id(%barrier3A)
    %while3A = arith.constant 0 : i32
    %while3A_18 = arith.constant 0 : i32
    %while3A_19 = arith.subi %select_n3A, %while3A_18 : i32
    %while3A_20 = arith.addi %while3A_18, %while3A_19 : i32
    %while3A_21 = arith.constant 1 : i32
    %while3A_22 = arith.divsi %while3A_19, %while3A_21 : i32
    %while3A_23 = arith.muli %while3A_22, %while3A_21 : i32
    %while3A_24 = arith.addi %while3A_18, %while3A_23 : i32
    %while3A_25 = arith.constant 1 : i32
    scf.for %while3A_34 = %while3A_18 to %while3A_24 step %while3A_25  : i32 {
      %mul3A_35 = arith.constant 40 : i32
      %mul3A_36 = arith.muli %while3A_34, %mul3A_35 : i32
      %add3A_37 = arith.addi %mul3A_2, %mul3A_36 : i32
      %mul3A_38 = arith.constant 40 : i32
      %mul3A_39 = arith.muli %while3A_34, %mul3A_38 : i32
      %sub3A_40 = arith.subi %min3A_4, %mul3A_39 : i32
      %min3A_41 = arith.constant 40 : i32
      %min3A_42 = arith.minsi %sub3A_40, %min3A_41 : i32
      %run_scoped3A = arith.constant 1 : i32
      "tpu.region"() ({
        %run_scoped3A_99 = tpu.sem_alloc : memref<!tpu.dma_semaphore, #tpu.memory_space<semaphore_mem>>
        %dma_start3A_100 = arith.constant 0 : i32
        %dma_start3A_101 = tpu.memref_slice %arg2[%run_scoped3A, %add3A_37, %dma_start3A_100] : memref<2x2560x128xi32, #tpu.memory_space<hbm>> -> memref<1x40x128xi32, #tpu.memory_space<hbm>>
        %dma_start3A_102 = tpu.memref_squeeze %dma_start3A_101 : memref<1x40x128xi32, #tpu.memory_space<hbm>> -> memref<40x128xi32, #tpu.memory_space<hbm>>
        %dma_start3A_103 = arith.constant 0 : i32
        %dma_start3A_104 = tpu.memref_slice %arg2[%run_scoped3A, %add3A_37, %dma_start3A_103] : memref<2x2560x128xi32, #tpu.memory_space<hbm>> -> memref<1x40x128xi32, #tpu.memory_space<hbm>>
        %dma_start3A_105 = tpu.memref_squeeze %dma_start3A_104 : memref<1x40x128xi32, #tpu.memory_space<hbm>> -> memref<40x128xi32, #tpu.memory_space<hbm>>
        tpu.enqueue_dma source(%dma_start3A_105 : memref<40x128xi32, #tpu.memory_space<hbm>>) target(%arg5 : memref<40x128xi32, #tpu.memory_space<vmem>>) target_semaphore(%run_scoped3A_99 : memref<!tpu.dma_semaphore, #tpu.memory_space<semaphore_mem>>)
        %dma_wait3A_106 = arith.constant 0 : i32
        %dma_wait3A_107 = tpu.memref_slice %arg2[%run_scoped3A, %add3A_37, %dma_wait3A_106] : memref<2x2560x128xi32, #tpu.memory_space<hbm>> -> memref<1x40x128xi32, #tpu.memory_space<hbm>>
        %dma_wait3A_108 = tpu.memref_squeeze %dma_wait3A_107 : memref<1x40x128xi32, #tpu.memory_space<hbm>> -> memref<40x128xi32, #tpu.memory_space<hbm>>
        %dma_wait3A_109 = arith.constant 0 : i32
        %dma_wait3A_110 = tpu.memref_slice %arg2[%run_scoped3A, %add3A_37, %dma_wait3A_109] : memref<2x2560x128xi32, #tpu.memory_space<hbm>> -> memref<1x40x128xi32, #tpu.memory_space<hbm>>
        %dma_wait3A_111 = tpu.memref_squeeze %dma_wait3A_110 : memref<1x40x128xi32, #tpu.memory_space<hbm>> -> memref<40x128xi32, #tpu.memory_space<hbm>>
        tpu.wait_dma2 semaphore(%run_scoped3A_99 : memref<!tpu.dma_semaphore, #tpu.memory_space<semaphore_mem>>) src(%dma_wait3A_111 : memref<40x128xi32, #tpu.memory_space<hbm>>) dst(%arg5 : memref<40x128xi32, #tpu.memory_space<vmem>>)
        tpu.yield
      }) : () -> ()
      %run_scoped3A_43 = arith.constant 0 : i32
      "tpu.region"() ({
        %run_scoped3A_99 = tpu.sem_alloc : memref<!tpu.dma_semaphore, #tpu.memory_space<semaphore_mem>>
        %dma_start3A_100 = arith.constant 0 : i32
        %dma_start3A_101 = tpu.memref_slice %arg2[%run_scoped3A_43, %add3A_37, %dma_start3A_100] : memref<2x2560x128xi32, #tpu.memory_space<hbm>> -> memref<1x40x128xi32, #tpu.memory_space<hbm>>
        %dma_start3A_102 = tpu.memref_squeeze %dma_start3A_101 : memref<1x40x128xi32, #tpu.memory_space<hbm>> -> memref<40x128xi32, #tpu.memory_space<hbm>>
        %dma_start3A_103 = arith.constant 0 : i32
        %dma_start3A_104 = tpu.memref_slice %arg2[%run_scoped3A_43, %add3A_37, %dma_start3A_103] : memref<2x2560x128xi32, #tpu.memory_space<hbm>> -> memref<1x40x128xi32, #tpu.memory_space<hbm>>
        %dma_start3A_105 = tpu.memref_squeeze %dma_start3A_104 : memref<1x40x128xi32, #tpu.memory_space<hbm>> -> memref<40x128xi32, #tpu.memory_space<hbm>>
        tpu.enqueue_dma source(%dma_start3A_105 : memref<40x128xi32, #tpu.memory_space<hbm>>) target(%arg6 : memref<40x128xi32, #tpu.memory_space<vmem>>) target_semaphore(%run_scoped3A_99 : memref<!tpu.dma_semaphore, #tpu.memory_space<semaphore_mem>>)
        %dma_wait3A_106 = arith.constant 0 : i32
        %dma_wait3A_107 = tpu.memref_slice %arg2[%run_scoped3A_43, %add3A_37, %dma_wait3A_106] : memref<2x2560x128xi32, #tpu.memory_space<hbm>> -> memref<1x40x128xi32, #tpu.memory_space<hbm>>
        %dma_wait3A_108 = tpu.memref_squeeze %dma_wait3A_107 : memref<1x40x128xi32, #tpu.memory_space<hbm>> -> memref<40x128xi32, #tpu.memory_space<hbm>>
        %dma_wait3A_109 = arith.constant 0 : i32
        %dma_wait3A_110 = tpu.memref_slice %arg2[%run_scoped3A_43, %add3A_37, %dma_wait3A_109] : memref<2x2560x128xi32, #tpu.memory_space<hbm>> -> memref<1x40x128xi32, #tpu.memory_space<hbm>>
        %dma_wait3A_111 = tpu.memref_squeeze %dma_wait3A_110 : memref<1x40x128xi32, #tpu.memory_space<hbm>> -> memref<40x128xi32, #tpu.memory_space<hbm>>
        tpu.wait_dma2 semaphore(%run_scoped3A_99 : memref<!tpu.dma_semaphore, #tpu.memory_space<semaphore_mem>>) src(%dma_wait3A_111 : memref<40x128xi32, #tpu.memory_space<hbm>>) dst(%arg6 : memref<40x128xi32, #tpu.memory_space<vmem>>)
        tpu.yield
      }) : () -> ()
      %dma_start3A = arith.constant 0 : i32
      %dma_start3A_44 = arith.constant 0 : i32
      %dma_start3A_45 = tpu.memref_slice %arg5[%dma_start3A, %dma_start3A_44] : memref<40x128xi32, #tpu.memory_space<vmem>> -> memref<1x128xi32, #tpu.memory_space<vmem>>
      %dma_start3A_46 = tpu.memref_squeeze %dma_start3A_45 : memref<1x128xi32, #tpu.memory_space<vmem>> -> memref<128xi32, #tpu.memory_space<vmem>>
      %dma_start3A_47 = arith.constant 0 : i32
      %dma_start3A_48 = arith.constant 0 : i32
      %dma_start3A_49 = tpu.memref_slice %arg3[%dma_start3A_47, %dma_start3A_48] : memref<10240x128xf32, #tpu.memory_space<hbm>> -> memref<10240x128xf32, #tpu.memory_space<hbm>>
      tpu.enqueue_indirect_dma source(%dma_start3A_49 : memref<10240x128xf32, #tpu.memory_space<hbm>>) target(%arg7 : memref<128x128xf32, #tpu.memory_space<vmem>>) offsets(%dma_start3A_46 : memref<128xi32, #tpu.memory_space<vmem>>) semaphore(%arg10 : memref<!tpu.dma_semaphore, #tpu.memory_space<semaphore_mem>>)
      %dma_start3A_50 = arith.constant 1 : i32
      %dma_start3A_51 = arith.constant 0 : i32
      %dma_start3A_52 = tpu.memref_slice %arg5[%dma_start3A_50, %dma_start3A_51] : memref<40x128xi32, #tpu.memory_space<vmem>> -> memref<1x128xi32, #tpu.memory_space<vmem>>
      %dma_start3A_53 = tpu.memref_squeeze %dma_start3A_52 : memref<1x128xi32, #tpu.memory_space<vmem>> -> memref<128xi32, #tpu.memory_space<vmem>>
      %dma_start3A_54 = arith.constant 0 : i32
      %dma_start3A_55 = arith.constant 0 : i32
      %dma_start3A_56 = tpu.memref_slice %arg3[%dma_start3A_54, %dma_start3A_55] : memref<10240x128xf32, #tpu.memory_space<hbm>> -> memref<10240x128xf32, #tpu.memory_space<hbm>>
      tpu.enqueue_indirect_dma source(%dma_start3A_56 : memref<10240x128xf32, #tpu.memory_space<hbm>>) target(%arg8 : memref<128x128xf32, #tpu.memory_space<vmem>>) offsets(%dma_start3A_53 : memref<128xi32, #tpu.memory_space<vmem>>) semaphore(%arg11 : memref<!tpu.dma_semaphore, #tpu.memory_space<semaphore_mem>>)
      %jit3A_57 = arith.constant 2 : i32
      %div3A = arith.divsi %min3A_42, %jit3A_57 : i32
      %sign3A = arith.constant 0 : i32
      %sign3A_58 = arith.cmpi sgt, %min3A_42, %sign3A : i32
      %sign3A_59 = arith.extui %sign3A_58 : i1 to i32
      %sign3A_60 = arith.constant 0 : i32
      %sign3A_61 = arith.cmpi slt, %min3A_42, %sign3A_60 : i32
      %sign3A_62 = arith.extui %sign3A_61 : i1 to i32
      %sign3A_63 = arith.subi %sign3A_59, %sign3A_62 : i32
      %sign3A_64 = arith.constant 0 : i32
      %sign3A_65 = arith.cmpi sgt, %jit3A_57, %sign3A_64 : i32
      %sign3A_66 = arith.extui %sign3A_65 : i1 to i32
      %sign3A_67 = arith.constant 0 : i32
      %sign3A_68 = arith.cmpi slt, %jit3A_57, %sign3A_67 : i32
      %sign3A_69 = arith.extui %sign3A_68 : i1 to i32
      %sign3A_70 = arith.subi %sign3A_66, %sign3A_69 : i32
      %ne3A = arith.cmpi ne, %sign3A_63, %sign3A_70 : i32
      %rem3A = arith.remsi %min3A_42, %jit3A_57 : i32
      %ne3A_71 = arith.constant 0 : i32
      %ne3A_72 = arith.cmpi ne, %rem3A, %ne3A_71 : i32
      %and3A = arith.andi %ne3A, %ne3A_72 : i1
      %sub3A_73 = arith.constant 1 : i32
      %sub3A_74 = arith.subi %div3A, %sub3A_73 : i32
      %select_n3A_75 = arith.select %and3A, %sub3A_74, %div3A : i32
      %while3A_76 = arith.constant 0 : i32
      %while3A_77 = arith.constant 0 : i32
      %while3A_78 = arith.subi %select_n3A_75, %while3A_77 : i32
      %while3A_79 = arith.addi %while3A_77, %while3A_78 : i32
      %while3A_80 = arith.constant 1 : i32
      %while3A_81 = arith.divsi %while3A_78, %while3A_80 : i32
      %while3A_82 = arith.muli %while3A_81, %while3A_80 : i32
      %while3A_83 = arith.addi %while3A_77, %while3A_82 : i32
      %while3A_84 = arith.constant 1 : i32
      scf.for %while3A_99 = %while3A_77 to %while3A_83 step %while3A_84  : i32 {
        %mul3A_100 = arith.constant 2 : i32
        %mul3A_101 = arith.muli %mul3A_100, %while3A_99 : i32
        %dma_wait3A_102 = arith.constant 0 : i32
        %dma_wait3A_103 = arith.constant 0 : i32
        %dma_wait3A_104 = tpu.memref_slice %arg5[%dma_wait3A_102, %dma_wait3A_103] : memref<40x128xi32, #tpu.memory_space<vmem>> -> memref<1x128xi32, #tpu.memory_space<vmem>>
        %dma_wait3A_105 = tpu.memref_squeeze %dma_wait3A_104 : memref<1x128xi32, #tpu.memory_space<vmem>> -> memref<128xi32, #tpu.memory_space<vmem>>
        %dma_wait3A_106 = arith.constant 0 : i32
        %dma_wait3A_107 = arith.constant 0 : i32
        %dma_wait3A_108 = tpu.memref_slice %arg3[%dma_wait3A_106, %dma_wait3A_107] : memref<10240x128xf32, #tpu.memory_space<hbm>> -> memref<10240x128xf32, #tpu.memory_space<hbm>>
        tpu.wait_indirect_dma semaphore(%arg10 : memref<!tpu.dma_semaphore, #tpu.memory_space<semaphore_mem>>) src(%dma_wait3A_108 : memref<10240x128xf32, #tpu.memory_space<hbm>>) dst(%arg7 : memref<128x128xf32, #tpu.memory_space<vmem>>)
        %dma_start3A_109 = arith.constant 0 : i32
        %dma_start3A_110 = tpu.memref_slice %arg6[%mul3A_101, %dma_start3A_109] : memref<40x128xi32, #tpu.memory_space<vmem>> -> memref<1x128xi32, #tpu.memory_space<vmem>>
        %dma_start3A_111 = tpu.memref_squeeze %dma_start3A_110 : memref<1x128xi32, #tpu.memory_space<vmem>> -> memref<128xi32, #tpu.memory_space<vmem>>
        %dma_start3A_112 = arith.constant 0 : i32
        %dma_start3A_113 = arith.constant 0 : i32
        %dma_start3A_114 = tpu.memref_slice %arg9[%dma_start3A_112, %dma_start3A_113] : memref<10240x128xf32, #tpu.memory_space<vmem_shared>> -> memref<10240x128xf32, #tpu.memory_space<vmem_shared>>
        tpu.enqueue_indirect_dma source(%arg7 : memref<128x128xf32, #tpu.memory_space<vmem>>) target(%dma_start3A_114 : memref<10240x128xf32, #tpu.memory_space<vmem_shared>>) offsets(%dma_start3A_111 : memref<128xi32, #tpu.memory_space<vmem>>) semaphore(%arg12 : memref<!tpu.dma_semaphore, #tpu.memory_space<semaphore_mem>>) {add = true}
        %dma_wait3A_115 = arith.constant 0 : i32
        %dma_wait3A_116 = arith.constant 0 : i32
        %dma_wait3A_117 = tpu.memref_slice %arg5[%dma_wait3A_115, %dma_wait3A_116] : memref<40x128xi32, #tpu.memory_space<vmem>> -> memref<1x128xi32, #tpu.memory_space<vmem>>
        %dma_wait3A_118 = tpu.memref_squeeze %dma_wait3A_117 : memref<1x128xi32, #tpu.memory_space<vmem>> -> memref<128xi32, #tpu.memory_space<vmem>>
        %dma_wait3A_119 = arith.constant 0 : i32
        %dma_wait3A_120 = arith.constant 0 : i32
        %dma_wait3A_121 = tpu.memref_slice %arg3[%dma_wait3A_119, %dma_wait3A_120] : memref<10240x128xf32, #tpu.memory_space<hbm>> -> memref<10240x128xf32, #tpu.memory_space<hbm>>
        tpu.wait_indirect_dma semaphore(%arg11 : memref<!tpu.dma_semaphore, #tpu.memory_space<semaphore_mem>>) src(%dma_wait3A_121 : memref<10240x128xf32, #tpu.memory_space<hbm>>) dst(%arg8 : memref<128x128xf32, #tpu.memory_space<vmem>>)
        %add3A_122 = arith.constant 1 : i32
        %add3A_123 = arith.addi %mul3A_101, %add3A_122 : i32
        %dma_start3A_124 = arith.constant 0 : i32
        %dma_start3A_125 = tpu.memref_slice %arg6[%add3A_123, %dma_start3A_124] : memref<40x128xi32, #tpu.memory_space<vmem>> -> memref<1x128xi32, #tpu.memory_space<vmem>>
        %dma_start3A_126 = tpu.memref_squeeze %dma_start3A_125 : memref<1x128xi32, #tpu.memory_space<vmem>> -> memref<128xi32, #tpu.memory_space<vmem>>
        %dma_start3A_127 = arith.constant 0 : i32
        %dma_start3A_128 = arith.constant 0 : i32
        %dma_start3A_129 = tpu.memref_slice %arg9[%dma_start3A_127, %dma_start3A_128] : memref<10240x128xf32, #tpu.memory_space<vmem_shared>> -> memref<10240x128xf32, #tpu.memory_space<vmem_shared>>
        tpu.enqueue_indirect_dma source(%arg8 : memref<128x128xf32, #tpu.memory_space<vmem>>) target(%dma_start3A_129 : memref<10240x128xf32, #tpu.memory_space<vmem_shared>>) offsets(%dma_start3A_126 : memref<128xi32, #tpu.memory_space<vmem>>) semaphore(%arg13 : memref<!tpu.dma_semaphore, #tpu.memory_space<semaphore_mem>>) {add = true}
        %dma_wait3A_130 = arith.constant 0 : i32
        %dma_wait3A_131 = arith.constant 0 : i32
        %dma_wait3A_132 = tpu.memref_slice %arg6[%dma_wait3A_130, %dma_wait3A_131] : memref<40x128xi32, #tpu.memory_space<vmem>> -> memref<1x128xi32, #tpu.memory_space<vmem>>
        %dma_wait3A_133 = tpu.memref_squeeze %dma_wait3A_132 : memref<1x128xi32, #tpu.memory_space<vmem>> -> memref<128xi32, #tpu.memory_space<vmem>>
        %dma_wait3A_134 = arith.constant 0 : i32
        %dma_wait3A_135 = arith.constant 0 : i32
        %dma_wait3A_136 = tpu.memref_slice %arg9[%dma_wait3A_134, %dma_wait3A_135] : memref<10240x128xf32, #tpu.memory_space<vmem_shared>> -> memref<10240x128xf32, #tpu.memory_space<vmem_shared>>
        tpu.wait_indirect_dma semaphore(%arg12 : memref<!tpu.dma_semaphore, #tpu.memory_space<semaphore_mem>>) src(%arg7 : memref<128x128xf32, #tpu.memory_space<vmem>>) dst(%dma_wait3A_136 : memref<10240x128xf32, #tpu.memory_space<vmem_shared>>)
        %add3A_137 = arith.constant 2 : i32
        %add3A_138 = arith.addi %mul3A_101, %add3A_137 : i32
        %sub3A_139 = arith.constant 1 : i32
        %sub3A_140 = arith.subi %min3A_42, %sub3A_139 : i32
        %min3A_141 = arith.minsi %add3A_138, %sub3A_140 : i32
        %dma_start3A_142 = arith.constant 0 : i32
        %dma_start3A_143 = tpu.memref_slice %arg5[%min3A_141, %dma_start3A_142] : memref<40x128xi32, #tpu.memory_space<vmem>> -> memref<1x128xi32, #tpu.memory_space<vmem>>
        %dma_start3A_144 = tpu.memref_squeeze %dma_start3A_143 : memref<1x128xi32, #tpu.memory_space<vmem>> -> memref<128xi32, #tpu.memory_space<vmem>>
        %dma_start3A_145 = arith.constant 0 : i32
        %dma_start3A_146 = arith.constant 0 : i32
        %dma_start3A_147 = tpu.memref_slice %arg3[%dma_start3A_145, %dma_start3A_146] : memref<10240x128xf32, #tpu.memory_space<hbm>> -> memref<10240x128xf32, #tpu.memory_space<hbm>>
        tpu.enqueue_indirect_dma source(%dma_start3A_147 : memref<10240x128xf32, #tpu.memory_space<hbm>>) target(%arg7 : memref<128x128xf32, #tpu.memory_space<vmem>>) offsets(%dma_start3A_144 : memref<128xi32, #tpu.memory_space<vmem>>) semaphore(%arg10 : memref<!tpu.dma_semaphore, #tpu.memory_space<semaphore_mem>>)
        %dma_wait3A_148 = arith.constant 0 : i32
        %dma_wait3A_149 = arith.constant 0 : i32
        %dma_wait3A_150 = tpu.memref_slice %arg6[%dma_wait3A_148, %dma_wait3A_149] : memref<40x128xi32, #tpu.memory_space<vmem>> -> memref<1x128xi32, #tpu.memory_space<vmem>>
        %dma_wait3A_151 = tpu.memref_squeeze %dma_wait3A_150 : memref<1x128xi32, #tpu.memory_space<vmem>> -> memref<128xi32, #tpu.memory_space<vmem>>
        %dma_wait3A_152 = arith.constant 0 : i32
        %dma_wait3A_153 = arith.constant 0 : i32
        %dma_wait3A_154 = tpu.memref_slice %arg9[%dma_wait3A_152, %dma_wait3A_153] : memref<10240x128xf32, #tpu.memory_space<vmem_shared>> -> memref<10240x128xf32, #tpu.memory_space<vmem_shared>>
        tpu.wait_indirect_dma semaphore(%arg13 : memref<!tpu.dma_semaphore, #tpu.memory_space<semaphore_mem>>) src(%arg8 : memref<128x128xf32, #tpu.memory_space<vmem>>) dst(%dma_wait3A_154 : memref<10240x128xf32, #tpu.memory_space<vmem_shared>>)
        %add3A_155 = arith.constant 3 : i32
        %add3A_156 = arith.addi %mul3A_101, %add3A_155 : i32
        %sub3A_157 = arith.constant 1 : i32
        %sub3A_158 = arith.subi %min3A_42, %sub3A_157 : i32
        %min3A_159 = arith.minsi %add3A_156, %sub3A_158 : i32
        %dma_start3A_160 = arith.constant 0 : i32
        %dma_start3A_161 = tpu.memref_slice %arg5[%min3A_159, %dma_start3A_160] : memref<40x128xi32, #tpu.memory_space<vmem>> -> memref<1x128xi32, #tpu.memory_space<vmem>>
        %dma_start3A_162 = tpu.memref_squeeze %dma_start3A_161 : memref<1x128xi32, #tpu.memory_space<vmem>> -> memref<128xi32, #tpu.memory_space<vmem>>
        %dma_start3A_163 = arith.constant 0 : i32
        %dma_start3A_164 = arith.constant 0 : i32
        %dma_start3A_165 = tpu.memref_slice %arg3[%dma_start3A_163, %dma_start3A_164] : memref<10240x128xf32, #tpu.memory_space<hbm>> -> memref<10240x128xf32, #tpu.memory_space<hbm>>
        tpu.enqueue_indirect_dma source(%dma_start3A_165 : memref<10240x128xf32, #tpu.memory_space<hbm>>) target(%arg8 : memref<128x128xf32, #tpu.memory_space<vmem>>) offsets(%dma_start3A_162 : memref<128xi32, #tpu.memory_space<vmem>>) semaphore(%arg11 : memref<!tpu.dma_semaphore, #tpu.memory_space<semaphore_mem>>)
      }
      %while3A_85 = arith.constant 1 : i32
      scf.for %while3A_99 = %while3A_83 to %while3A_79 step %while3A_85  : i32 {
        %mul3A_100 = arith.constant 2 : i32
        %mul3A_101 = arith.muli %mul3A_100, %while3A_99 : i32
        %dma_wait3A_102 = arith.constant 0 : i32
        %dma_wait3A_103 = arith.constant 0 : i32
        %dma_wait3A_104 = tpu.memref_slice %arg5[%dma_wait3A_102, %dma_wait3A_103] : memref<40x128xi32, #tpu.memory_space<vmem>> -> memref<1x128xi32, #tpu.memory_space<vmem>>
        %dma_wait3A_105 = tpu.memref_squeeze %dma_wait3A_104 : memref<1x128xi32, #tpu.memory_space<vmem>> -> memref<128xi32, #tpu.memory_space<vmem>>
        %dma_wait3A_106 = arith.constant 0 : i32
        %dma_wait3A_107 = arith.constant 0 : i32
        %dma_wait3A_108 = tpu.memref_slice %arg3[%dma_wait3A_106, %dma_wait3A_107] : memref<10240x128xf32, #tpu.memory_space<hbm>> -> memref<10240x128xf32, #tpu.memory_space<hbm>>
        tpu.wait_indirect_dma semaphore(%arg10 : memref<!tpu.dma_semaphore, #tpu.memory_space<semaphore_mem>>) src(%dma_wait3A_108 : memref<10240x128xf32, #tpu.memory_space<hbm>>) dst(%arg7 : memref<128x128xf32, #tpu.memory_space<vmem>>)
        %dma_start3A_109 = arith.constant 0 : i32
        %dma_start3A_110 = tpu.memref_slice %arg6[%mul3A_101, %dma_start3A_109] : memref<40x128xi32, #tpu.memory_space<vmem>> -> memref<1x128xi32, #tpu.memory_space<vmem>>
        %dma_start3A_111 = tpu.memref_squeeze %dma_start3A_110 : memref<1x128xi32, #tpu.memory_space<vmem>> -> memref<128xi32, #tpu.memory_space<vmem>>
        %dma_start3A_112 = arith.constant 0 : i32
        %dma_start3A_113 = arith.constant 0 : i32
        %dma_start3A_114 = tpu.memref_slice %arg9[%dma_start3A_112, %dma_start3A_113] : memref<10240x128xf32, #tpu.memory_space<vmem_shared>> -> memref<10240x128xf32, #tpu.memory_space<vmem_shared>>
        tpu.enqueue_indirect_dma source(%arg7 : memref<128x128xf32, #tpu.memory_space<vmem>>) target(%dma_start3A_114 : memref<10240x128xf32, #tpu.memory_space<vmem_shared>>) offsets(%dma_start3A_111 : memref<128xi32, #tpu.memory_space<vmem>>) semaphore(%arg12 : memref<!tpu.dma_semaphore, #tpu.memory_space<semaphore_mem>>) {add = true}
        %dma_wait3A_115 = arith.constant 0 : i32
        %dma_wait3A_116 = arith.constant 0 : i32
        %dma_wait3A_117 = tpu.memref_slice %arg5[%dma_wait3A_115, %dma_wait3A_116] : memref<40x128xi32, #tpu.memory_space<vmem>> -> memref<1x128xi32, #tpu.memory_space<vmem>>
        %dma_wait3A_118 = tpu.memref_squeeze %dma_wait3A_117 : memref<1x128xi32, #tpu.memory_space<vmem>> -> memref<128xi32, #tpu.memory_space<vmem>>
        %dma_wait3A_119 = arith.constant 0 : i32
        %dma_wait3A_120 = arith.constant 0 : i32
        %dma_wait3A_121 = tpu.memref_slice %arg3[%dma_wait3A_119, %dma_wait3A_120] : memref<10240x128xf32, #tpu.memory_space<hbm>> -> memref<10240x128xf32, #tpu.memory_space<hbm>>
        tpu.wait_indirect_dma semaphore(%arg11 : memref<!tpu.dma_semaphore, #tpu.memory_space<semaphore_mem>>) src(%dma_wait3A_121 : memref<10240x128xf32, #tpu.memory_space<hbm>>) dst(%arg8 : memref<128x128xf32, #tpu.memory_space<vmem>>)
        %add3A_122 = arith.constant 1 : i32
        %add3A_123 = arith.addi %mul3A_101, %add3A_122 : i32
        %dma_start3A_124 = arith.constant 0 : i32
        %dma_start3A_125 = tpu.memref_slice %arg6[%add3A_123, %dma_start3A_124] : memref<40x128xi32, #tpu.memory_space<vmem>> -> memref<1x128xi32, #tpu.memory_space<vmem>>
        %dma_start3A_126 = tpu.memref_squeeze %dma_start3A_125 : memref<1x128xi32, #tpu.memory_space<vmem>> -> memref<128xi32, #tpu.memory_space<vmem>>
        %dma_start3A_127 = arith.constant 0 : i32
        %dma_start3A_128 = arith.constant 0 : i32
        %dma_start3A_129 = tpu.memref_slice %arg9[%dma_start3A_127, %dma_start3A_128] : memref<10240x128xf32, #tpu.memory_space<vmem_shared>> -> memref<10240x128xf32, #tpu.memory_space<vmem_shared>>
        tpu.enqueue_indirect_dma source(%arg8 : memref<128x128xf32, #tpu.memory_space<vmem>>) target(%dma_start3A_129 : memref<10240x128xf32, #tpu.memory_space<vmem_shared>>) offsets(%dma_start3A_126 : memref<128xi32, #tpu.memory_space<vmem>>) semaphore(%arg13 : memref<!tpu.dma_semaphore, #tpu.memory_space<semaphore_mem>>) {add = true}
        %dma_wait3A_130 = arith.constant 0 : i32
        %dma_wait3A_131 = arith.constant 0 : i32
        %dma_wait3A_132 = tpu.memref_slice %arg6[%dma_wait3A_130, %dma_wait3A_131] : memref<40x128xi32, #tpu.memory_space<vmem>> -> memref<1x128xi32, #tpu.memory_space<vmem>>
        %dma_wait3A_133 = tpu.memref_squeeze %dma_wait3A_132 : memref<1x128xi32, #tpu.memory_space<vmem>> -> memref<128xi32, #tpu.memory_space<vmem>>
        %dma_wait3A_134 = arith.constant 0 : i32
        %dma_wait3A_135 = arith.constant 0 : i32
        %dma_wait3A_136 = tpu.memref_slice %arg9[%dma_wait3A_134, %dma_wait3A_135] : memref<10240x128xf32, #tpu.memory_space<vmem_shared>> -> memref<10240x128xf32, #tpu.memory_space<vmem_shared>>
        tpu.wait_indirect_dma semaphore(%arg12 : memref<!tpu.dma_semaphore, #tpu.memory_space<semaphore_mem>>) src(%arg7 : memref<128x128xf32, #tpu.memory_space<vmem>>) dst(%dma_wait3A_136 : memref<10240x128xf32, #tpu.memory_space<vmem_shared>>)
        %add3A_137 = arith.constant 2 : i32
        %add3A_138 = arith.addi %mul3A_101, %add3A_137 : i32
        %sub3A_139 = arith.constant 1 : i32
        %sub3A_140 = arith.subi %min3A_42, %sub3A_139 : i32
        %min3A_141 = arith.minsi %add3A_138, %sub3A_140 : i32
        %dma_start3A_142 = arith.constant 0 : i32
        %dma_start3A_143 = tpu.memref_slice %arg5[%min3A_141, %dma_start3A_142] : memref<40x128xi32, #tpu.memory_space<vmem>> -> memref<1x128xi32, #tpu.memory_space<vmem>>
        %dma_start3A_144 = tpu.memref_squeeze %dma_start3A_143 : memref<1x128xi32, #tpu.memory_space<vmem>> -> memref<128xi32, #tpu.memory_space<vmem>>
        %dma_start3A_145 = arith.constant 0 : i32
        %dma_start3A_146 = arith.constant 0 : i32
        %dma_start3A_147 = tpu.memref_slice %arg3[%dma_start3A_145, %dma_start3A_146] : memref<10240x128xf32, #tpu.memory_space<hbm>> -> memref<10240x128xf32, #tpu.memory_space<hbm>>
        tpu.enqueue_indirect_dma source(%dma_start3A_147 : memref<10240x128xf32, #tpu.memory_space<hbm>>) target(%arg7 : memref<128x128xf32, #tpu.memory_space<vmem>>) offsets(%dma_start3A_144 : memref<128xi32, #tpu.memory_space<vmem>>) semaphore(%arg10 : memref<!tpu.dma_semaphore, #tpu.memory_space<semaphore_mem>>)
        %dma_wait3A_148 = arith.constant 0 : i32
        %dma_wait3A_149 = arith.constant 0 : i32
        %dma_wait3A_150 = tpu.memref_slice %arg6[%dma_wait3A_148, %dma_wait3A_149] : memref<40x128xi32, #tpu.memory_space<vmem>> -> memref<1x128xi32, #tpu.memory_space<vmem>>
        %dma_wait3A_151 = tpu.memref_squeeze %dma_wait3A_150 : memref<1x128xi32, #tpu.memory_space<vmem>> -> memref<128xi32, #tpu.memory_space<vmem>>
        %dma_wait3A_152 = arith.constant 0 : i32
        %dma_wait3A_153 = arith.constant 0 : i32
        %dma_wait3A_154 = tpu.memref_slice %arg9[%dma_wait3A_152, %dma_wait3A_153] : memref<10240x128xf32, #tpu.memory_space<vmem_shared>> -> memref<10240x128xf32, #tpu.memory_space<vmem_shared>>
        tpu.wait_indirect_dma semaphore(%arg13 : memref<!tpu.dma_semaphore, #tpu.memory_space<semaphore_mem>>) src(%arg8 : memref<128x128xf32, #tpu.memory_space<vmem>>) dst(%dma_wait3A_154 : memref<10240x128xf32, #tpu.memory_space<vmem_shared>>)
        %add3A_155 = arith.constant 3 : i32
        %add3A_156 = arith.addi %mul3A_101, %add3A_155 : i32
        %sub3A_157 = arith.constant 1 : i32
        %sub3A_158 = arith.subi %min3A_42, %sub3A_157 : i32
        %min3A_159 = arith.minsi %add3A_156, %sub3A_158 : i32
        %dma_start3A_160 = arith.constant 0 : i32
        %dma_start3A_161 = tpu.memref_slice %arg5[%min3A_159, %dma_start3A_160] : memref<40x128xi32, #tpu.memory_space<vmem>> -> memref<1x128xi32, #tpu.memory_space<vmem>>
        %dma_start3A_162 = tpu.memref_squeeze %dma_start3A_161 : memref<1x128xi32, #tpu.memory_space<vmem>> -> memref<128xi32, #tpu.memory_space<vmem>>
        %dma_start3A_163 = arith.constant 0 : i32
        %dma_start3A_164 = arith.constant 0 : i32
        %dma_start3A_165 = tpu.memref_slice %arg3[%dma_start3A_163, %dma_start3A_164] : memref<10240x128xf32, #tpu.memory_space<hbm>> -> memref<10240x128xf32, #tpu.memory_space<hbm>>
        tpu.enqueue_indirect_dma source(%dma_start3A_165 : memref<10240x128xf32, #tpu.memory_space<hbm>>) target(%arg8 : memref<128x128xf32, #tpu.memory_space<vmem>>) offsets(%dma_start3A_162 : memref<128xi32, #tpu.memory_space<vmem>>) semaphore(%arg11 : memref<!tpu.dma_semaphore, #tpu.memory_space<semaphore_mem>>)
      }
      %dma_wait3A = arith.constant 0 : i32
      %dma_wait3A_86 = arith.constant 0 : i32
      %dma_wait3A_87 = tpu.memref_slice %arg5[%dma_wait3A, %dma_wait3A_86] : memref<40x128xi32, #tpu.memory_space<vmem>> -> memref<1x128xi32, #tpu.memory_space<vmem>>
      %dma_wait3A_88 = tpu.memref_squeeze %dma_wait3A_87 : memref<1x128xi32, #tpu.memory_space<vmem>> -> memref<128xi32, #tpu.memory_space<vmem>>
      %dma_wait3A_89 = arith.constant 0 : i32
      %dma_wait3A_90 = arith.constant 0 : i32
      %dma_wait3A_91 = tpu.memref_slice %arg3[%dma_wait3A_89, %dma_wait3A_90] : memref<10240x128xf32, #tpu.memory_space<hbm>> -> memref<10240x128xf32, #tpu.memory_space<hbm>>
      tpu.wait_indirect_dma semaphore(%arg10 : memref<!tpu.dma_semaphore, #tpu.memory_space<semaphore_mem>>) src(%dma_wait3A_91 : memref<10240x128xf32, #tpu.memory_space<hbm>>) dst(%arg7 : memref<128x128xf32, #tpu.memory_space<vmem>>)
      %dma_wait3A_92 = arith.constant 0 : i32
      %dma_wait3A_93 = arith.constant 0 : i32
      %dma_wait3A_94 = tpu.memref_slice %arg5[%dma_wait3A_92, %dma_wait3A_93] : memref<40x128xi32, #tpu.memory_space<vmem>> -> memref<1x128xi32, #tpu.memory_space<vmem>>
      %dma_wait3A_95 = tpu.memref_squeeze %dma_wait3A_94 : memref<1x128xi32, #tpu.memory_space<vmem>> -> memref<128xi32, #tpu.memory_space<vmem>>
      %dma_wait3A_96 = arith.constant 0 : i32
      %dma_wait3A_97 = arith.constant 0 : i32
      %dma_wait3A_98 = tpu.memref_slice %arg3[%dma_wait3A_96, %dma_wait3A_97] : memref<10240x128xf32, #tpu.memory_space<hbm>> -> memref<10240x128xf32, #tpu.memory_space<hbm>>
      tpu.wait_indirect_dma semaphore(%arg11 : memref<!tpu.dma_semaphore, #tpu.memory_space<semaphore_mem>>) src(%dma_wait3A_98 : memref<10240x128xf32, #tpu.memory_space<hbm>>) dst(%arg8 : memref<128x128xf32, #tpu.memory_space<vmem>>)
    }
    %while3A_26 = arith.constant 1 : i32
    scf.for %while3A_34 = %while3A_24 to %while3A_20 step %while3A_26  : i32 {
      %mul3A_35 = arith.constant 40 : i32
      %mul3A_36 = arith.muli %while3A_34, %mul3A_35 : i32
      %add3A_37 = arith.addi %mul3A_2, %mul3A_36 : i32
      %mul3A_38 = arith.constant 40 : i32
      %mul3A_39 = arith.muli %while3A_34, %mul3A_38 : i32
      %sub3A_40 = arith.subi %min3A_4, %mul3A_39 : i32
      %min3A_41 = arith.constant 40 : i32
      %min3A_42 = arith.minsi %sub3A_40, %min3A_41 : i32
      %run_scoped3A = arith.constant 1 : i32
      "tpu.region"() ({
        %run_scoped3A_99 = tpu.sem_alloc : memref<!tpu.dma_semaphore, #tpu.memory_space<semaphore_mem>>
        %dma_start3A_100 = arith.constant 0 : i32
        %dma_start3A_101 = tpu.memref_slice %arg2[%run_scoped3A, %add3A_37, %dma_start3A_100] : memref<2x2560x128xi32, #tpu.memory_space<hbm>> -> memref<1x40x128xi32, #tpu.memory_space<hbm>>
        %dma_start3A_102 = tpu.memref_squeeze %dma_start3A_101 : memref<1x40x128xi32, #tpu.memory_space<hbm>> -> memref<40x128xi32, #tpu.memory_space<hbm>>
        %dma_start3A_103 = arith.constant 0 : i32
        %dma_start3A_104 = tpu.memref_slice %arg2[%run_scoped3A, %add3A_37, %dma_start3A_103] : memref<2x2560x128xi32, #tpu.memory_space<hbm>> -> memref<1x40x128xi32, #tpu.memory_space<hbm>>
        %dma_start3A_105 = tpu.memref_squeeze %dma_start3A_104 : memref<1x40x128xi32, #tpu.memory_space<hbm>> -> memref<40x128xi32, #tpu.memory_space<hbm>>
        tpu.enqueue_dma source(%dma_start3A_105 : memref<40x128xi32, #tpu.memory_space<hbm>>) target(%arg5 : memref<40x128xi32, #tpu.memory_space<vmem>>) target_semaphore(%run_scoped3A_99 : memref<!tpu.dma_semaphore, #tpu.memory_space<semaphore_mem>>)
        %dma_wait3A_106 = arith.constant 0 : i32
        %dma_wait3A_107 = tpu.memref_slice %arg2[%run_scoped3A, %add3A_37, %dma_wait3A_106] : memref<2x2560x128xi32, #tpu.memory_space<hbm>> -> memref<1x40x128xi32, #tpu.memory_space<hbm>>
        %dma_wait3A_108 = tpu.memref_squeeze %dma_wait3A_107 : memref<1x40x128xi32, #tpu.memory_space<hbm>> -> memref<40x128xi32, #tpu.memory_space<hbm>>
        %dma_wait3A_109 = arith.constant 0 : i32
        %dma_wait3A_110 = tpu.memref_slice %arg2[%run_scoped3A, %add3A_37, %dma_wait3A_109] : memref<2x2560x128xi32, #tpu.memory_space<hbm>> -> memref<1x40x128xi32, #tpu.memory_space<hbm>>
        %dma_wait3A_111 = tpu.memref_squeeze %dma_wait3A_110 : memref<1x40x128xi32, #tpu.memory_space<hbm>> -> memref<40x128xi32, #tpu.memory_space<hbm>>
        tpu.wait_dma2 semaphore(%run_scoped3A_99 : memref<!tpu.dma_semaphore, #tpu.memory_space<semaphore_mem>>) src(%dma_wait3A_111 : memref<40x128xi32, #tpu.memory_space<hbm>>) dst(%arg5 : memref<40x128xi32, #tpu.memory_space<vmem>>)
        tpu.yield
      }) : () -> ()
      %run_scoped3A_43 = arith.constant 0 : i32
      "tpu.region"() ({
        %run_scoped3A_99 = tpu.sem_alloc : memref<!tpu.dma_semaphore, #tpu.memory_space<semaphore_mem>>
        %dma_start3A_100 = arith.constant 0 : i32
        %dma_start3A_101 = tpu.memref_slice %arg2[%run_scoped3A_43, %add3A_37, %dma_start3A_100] : memref<2x2560x128xi32, #tpu.memory_space<hbm>> -> memref<1x40x128xi32, #tpu.memory_space<hbm>>
        %dma_start3A_102 = tpu.memref_squeeze %dma_start3A_101 : memref<1x40x128xi32, #tpu.memory_space<hbm>> -> memref<40x128xi32, #tpu.memory_space<hbm>>
        %dma_start3A_103 = arith.constant 0 : i32
        %dma_start3A_104 = tpu.memref_slice %arg2[%run_scoped3A_43, %add3A_37, %dma_start3A_103] : memref<2x2560x128xi32, #tpu.memory_space<hbm>> -> memref<1x40x128xi32, #tpu.memory_space<hbm>>
        %dma_start3A_105 = tpu.memref_squeeze %dma_start3A_104 : memref<1x40x128xi32, #tpu.memory_space<hbm>> -> memref<40x128xi32, #tpu.memory_space<hbm>>
        tpu.enqueue_dma source(%dma_start3A_105 : memref<40x128xi32, #tpu.memory_space<hbm>>) target(%arg6 : memref<40x128xi32, #tpu.memory_space<vmem>>) target_semaphore(%run_scoped3A_99 : memref<!tpu.dma_semaphore, #tpu.memory_space<semaphore_mem>>)
        %dma_wait3A_106 = arith.constant 0 : i32
        %dma_wait3A_107 = tpu.memref_slice %arg2[%run_scoped3A_43, %add3A_37, %dma_wait3A_106] : memref<2x2560x128xi32, #tpu.memory_space<hbm>> -> memref<1x40x128xi32, #tpu.memory_space<hbm>>
        %dma_wait3A_108 = tpu.memref_squeeze %dma_wait3A_107 : memref<1x40x128xi32, #tpu.memory_space<hbm>> -> memref<40x128xi32, #tpu.memory_space<hbm>>
        %dma_wait3A_109 = arith.constant 0 : i32
        %dma_wait3A_110 = tpu.memref_slice %arg2[%run_scoped3A_43, %add3A_37, %dma_wait3A_109] : memref<2x2560x128xi32, #tpu.memory_space<hbm>> -> memref<1x40x128xi32, #tpu.memory_space<hbm>>
        %dma_wait3A_111 = tpu.memref_squeeze %dma_wait3A_110 : memref<1x40x128xi32, #tpu.memory_space<hbm>> -> memref<40x128xi32, #tpu.memory_space<hbm>>
        tpu.wait_dma2 semaphore(%run_scoped3A_99 : memref<!tpu.dma_semaphore, #tpu.memory_space<semaphore_mem>>) src(%dma_wait3A_111 : memref<40x128xi32, #tpu.memory_space<hbm>>) dst(%arg6 : memref<40x128xi32, #tpu.memory_space<vmem>>)
        tpu.yield
      }) : () -> ()
      %dma_start3A = arith.constant 0 : i32
      %dma_start3A_44 = arith.constant 0 : i32
      %dma_start3A_45 = tpu.memref_slice %arg5[%dma_start3A, %dma_start3A_44] : memref<40x128xi32, #tpu.memory_space<vmem>> -> memref<1x128xi32, #tpu.memory_space<vmem>>
      %dma_start3A_46 = tpu.memref_squeeze %dma_start3A_45 : memref<1x128xi32, #tpu.memory_space<vmem>> -> memref<128xi32, #tpu.memory_space<vmem>>
      %dma_start3A_47 = arith.constant 0 : i32
      %dma_start3A_48 = arith.constant 0 : i32
      %dma_start3A_49 = tpu.memref_slice %arg3[%dma_start3A_47, %dma_start3A_48] : memref<10240x128xf32, #tpu.memory_space<hbm>> -> memref<10240x128xf32, #tpu.memory_space<hbm>>
      tpu.enqueue_indirect_dma source(%dma_start3A_49 : memref<10240x128xf32, #tpu.memory_space<hbm>>) target(%arg7 : memref<128x128xf32, #tpu.memory_space<vmem>>) offsets(%dma_start3A_46 : memref<128xi32, #tpu.memory_space<vmem>>) semaphore(%arg10 : memref<!tpu.dma_semaphore, #tpu.memory_space<semaphore_mem>>)
      %dma_start3A_50 = arith.constant 1 : i32
      %dma_start3A_51 = arith.constant 0 : i32
      %dma_start3A_52 = tpu.memref_slice %arg5[%dma_start3A_50, %dma_start3A_51] : memref<40x128xi32, #tpu.memory_space<vmem>> -> memref<1x128xi32, #tpu.memory_space<vmem>>
      %dma_start3A_53 = tpu.memref_squeeze %dma_start3A_52 : memref<1x128xi32, #tpu.memory_space<vmem>> -> memref<128xi32, #tpu.memory_space<vmem>>
      %dma_start3A_54 = arith.constant 0 : i32
      %dma_start3A_55 = arith.constant 0 : i32
      %dma_start3A_56 = tpu.memref_slice %arg3[%dma_start3A_54, %dma_start3A_55] : memref<10240x128xf32, #tpu.memory_space<hbm>> -> memref<10240x128xf32, #tpu.memory_space<hbm>>
      tpu.enqueue_indirect_dma source(%dma_start3A_56 : memref<10240x128xf32, #tpu.memory_space<hbm>>) target(%arg8 : memref<128x128xf32, #tpu.memory_space<vmem>>) offsets(%dma_start3A_53 : memref<128xi32, #tpu.memory_space<vmem>>) semaphore(%arg11 : memref<!tpu.dma_semaphore, #tpu.memory_space<semaphore_mem>>)
      %jit3A_57 = arith.constant 2 : i32
      %div3A = arith.divsi %min3A_42, %jit3A_57 : i32
      %sign3A = arith.constant 0 : i32
      %sign3A_58 = arith.cmpi sgt, %min3A_42, %sign3A : i32
      %sign3A_59 = arith.extui %sign3A_58 : i1 to i32
      %sign3A_60 = arith.constant 0 : i32
      %sign3A_61 = arith.cmpi slt, %min3A_42, %sign3A_60 : i32
      %sign3A_62 = arith.extui %sign3A_61 : i1 to i32
      %sign3A_63 = arith.subi %sign3A_59, %sign3A_62 : i32
      %sign3A_64 = arith.constant 0 : i32
      %sign3A_65 = arith.cmpi sgt, %jit3A_57, %sign3A_64 : i32
      %sign3A_66 = arith.extui %sign3A_65 : i1 to i32
      %sign3A_67 = arith.constant 0 : i32
      %sign3A_68 = arith.cmpi slt, %jit3A_57, %sign3A_67 : i32
      %sign3A_69 = arith.extui %sign3A_68 : i1 to i32
      %sign3A_70 = arith.subi %sign3A_66, %sign3A_69 : i32
      %ne3A = arith.cmpi ne, %sign3A_63, %sign3A_70 : i32
      %rem3A = arith.remsi %min3A_42, %jit3A_57 : i32
      %ne3A_71 = arith.constant 0 : i32
      %ne3A_72 = arith.cmpi ne, %rem3A, %ne3A_71 : i32
      %and3A = arith.andi %ne3A, %ne3A_72 : i1
      %sub3A_73 = arith.constant 1 : i32
      %sub3A_74 = arith.subi %div3A, %sub3A_73 : i32
      %select_n3A_75 = arith.select %and3A, %sub3A_74, %div3A : i32
      %while3A_76 = arith.constant 0 : i32
      %while3A_77 = arith.constant 0 : i32
      %while3A_78 = arith.subi %select_n3A_75, %while3A_77 : i32
      %while3A_79 = arith.addi %while3A_77, %while3A_78 : i32
      %while3A_80 = arith.constant 1 : i32
      %while3A_81 = arith.divsi %while3A_78, %while3A_80 : i32
      %while3A_82 = arith.muli %while3A_81, %while3A_80 : i32
      %while3A_83 = arith.addi %while3A_77, %while3A_82 : i32
      %while3A_84 = arith.constant 1 : i32
      scf.for %while3A_99 = %while3A_77 to %while3A_83 step %while3A_84  : i32 {
        %mul3A_100 = arith.constant 2 : i32
        %mul3A_101 = arith.muli %mul3A_100, %while3A_99 : i32
        %dma_wait3A_102 = arith.constant 0 : i32
        %dma_wait3A_103 = arith.constant 0 : i32
        %dma_wait3A_104 = tpu.memref_slice %arg5[%dma_wait3A_102, %dma_wait3A_103] : memref<40x128xi32, #tpu.memory_space<vmem>> -> memref<1x128xi32, #tpu.memory_space<vmem>>
        %dma_wait3A_105 = tpu.memref_squeeze %dma_wait3A_104 : memref<1x128xi32, #tpu.memory_space<vmem>> -> memref<128xi32, #tpu.memory_space<vmem>>
        %dma_wait3A_106 = arith.constant 0 : i32
        %dma_wait3A_107 = arith.constant 0 : i32
        %dma_wait3A_108 = tpu.memref_slice %arg3[%dma_wait3A_106, %dma_wait3A_107] : memref<10240x128xf32, #tpu.memory_space<hbm>> -> memref<10240x128xf32, #tpu.memory_space<hbm>>
        tpu.wait_indirect_dma semaphore(%arg10 : memref<!tpu.dma_semaphore, #tpu.memory_space<semaphore_mem>>) src(%dma_wait3A_108 : memref<10240x128xf32, #tpu.memory_space<hbm>>) dst(%arg7 : memref<128x128xf32, #tpu.memory_space<vmem>>)
        %dma_start3A_109 = arith.constant 0 : i32
        %dma_start3A_110 = tpu.memref_slice %arg6[%mul3A_101, %dma_start3A_109] : memref<40x128xi32, #tpu.memory_space<vmem>> -> memref<1x128xi32, #tpu.memory_space<vmem>>
        %dma_start3A_111 = tpu.memref_squeeze %dma_start3A_110 : memref<1x128xi32, #tpu.memory_space<vmem>> -> memref<128xi32, #tpu.memory_space<vmem>>
        %dma_start3A_112 = arith.constant 0 : i32
        %dma_start3A_113 = arith.constant 0 : i32
        %dma_start3A_114 = tpu.memref_slice %arg9[%dma_start3A_112, %dma_start3A_113] : memref<10240x128xf32, #tpu.memory_space<vmem_shared>> -> memref<10240x128xf32, #tpu.memory_space<vmem_shared>>
        tpu.enqueue_indirect_dma source(%arg7 : memref<128x128xf32, #tpu.memory_space<vmem>>) target(%dma_start3A_114 : memref<10240x128xf32, #tpu.memory_space<vmem_shared>>) offsets(%dma_start3A_111 : memref<128xi32, #tpu.memory_space<vmem>>) semaphore(%arg12 : memref<!tpu.dma_semaphore, #tpu.memory_space<semaphore_mem>>) {add = true}
        %dma_wait3A_115 = arith.constant 0 : i32
        %dma_wait3A_116 = arith.constant 0 : i32
        %dma_wait3A_117 = tpu.memref_slice %arg5[%dma_wait3A_115, %dma_wait3A_116] : memref<40x128xi32, #tpu.memory_space<vmem>> -> memref<1x128xi32, #tpu.memory_space<vmem>>
        %dma_wait3A_118 = tpu.memref_squeeze %dma_wait3A_117 : memref<1x128xi32, #tpu.memory_space<vmem>> -> memref<128xi32, #tpu.memory_space<vmem>>
        %dma_wait3A_119 = arith.constant 0 : i32
        %dma_wait3A_120 = arith.constant 0 : i32
        %dma_wait3A_121 = tpu.memref_slice %arg3[%dma_wait3A_119, %dma_wait3A_120] : memref<10240x128xf32, #tpu.memory_space<hbm>> -> memref<10240x128xf32, #tpu.memory_space<hbm>>
        tpu.wait_indirect_dma semaphore(%arg11 : memref<!tpu.dma_semaphore, #tpu.memory_space<semaphore_mem>>) src(%dma_wait3A_121 : memref<10240x128xf32, #tpu.memory_space<hbm>>) dst(%arg8 : memref<128x128xf32, #tpu.memory_space<vmem>>)
        %add3A_122 = arith.constant 1 : i32
        %add3A_123 = arith.addi %mul3A_101, %add3A_122 : i32
        %dma_start3A_124 = arith.constant 0 : i32
        %dma_start3A_125 = tpu.memref_slice %arg6[%add3A_123, %dma_start3A_124] : memref<40x128xi32, #tpu.memory_space<vmem>> -> memref<1x128xi32, #tpu.memory_space<vmem>>
        %dma_start3A_126 = tpu.memref_squeeze %dma_start3A_125 : memref<1x128xi32, #tpu.memory_space<vmem>> -> memref<128xi32, #tpu.memory_space<vmem>>
        %dma_start3A_127 = arith.constant 0 : i32
        %dma_start3A_128 = arith.constant 0 : i32
        %dma_start3A_129 = tpu.memref_slice %arg9[%dma_start3A_127, %dma_start3A_128] : memref<10240x128xf32, #tpu.memory_space<vmem_shared>> -> memref<10240x128xf32, #tpu.memory_space<vmem_shared>>
        tpu.enqueue_indirect_dma source(%arg8 : memref<128x128xf32, #tpu.memory_space<vmem>>) target(%dma_start3A_129 : memref<10240x128xf32, #tpu.memory_space<vmem_shared>>) offsets(%dma_start3A_126 : memref<128xi32, #tpu.memory_space<vmem>>) semaphore(%arg13 : memref<!tpu.dma_semaphore, #tpu.memory_space<semaphore_mem>>) {add = true}
        %dma_wait3A_130 = arith.constant 0 : i32
        %dma_wait3A_131 = arith.constant 0 : i32
        %dma_wait3A_132 = tpu.memref_slice %arg6[%dma_wait3A_130, %dma_wait3A_131] : memref<40x128xi32, #tpu.memory_space<vmem>> -> memref<1x128xi32, #tpu.memory_space<vmem>>
        %dma_wait3A_133 = tpu.memref_squeeze %dma_wait3A_132 : memref<1x128xi32, #tpu.memory_space<vmem>> -> memref<128xi32, #tpu.memory_space<vmem>>
        %dma_wait3A_134 = arith.constant 0 : i32
        %dma_wait3A_135 = arith.constant 0 : i32
        %dma_wait3A_136 = tpu.memref_slice %arg9[%dma_wait3A_134, %dma_wait3A_135] : memref<10240x128xf32, #tpu.memory_space<vmem_shared>> -> memref<10240x128xf32, #tpu.memory_space<vmem_shared>>
        tpu.wait_indirect_dma semaphore(%arg12 : memref<!tpu.dma_semaphore, #tpu.memory_space<semaphore_mem>>) src(%arg7 : memref<128x128xf32, #tpu.memory_space<vmem>>) dst(%dma_wait3A_136 : memref<10240x128xf32, #tpu.memory_space<vmem_shared>>)
        %add3A_137 = arith.constant 2 : i32
        %add3A_138 = arith.addi %mul3A_101, %add3A_137 : i32
        %sub3A_139 = arith.constant 1 : i32
        %sub3A_140 = arith.subi %min3A_42, %sub3A_139 : i32
        %min3A_141 = arith.minsi %add3A_138, %sub3A_140 : i32
        %dma_start3A_142 = arith.constant 0 : i32
        %dma_start3A_143 = tpu.memref_slice %arg5[%min3A_141, %dma_start3A_142] : memref<40x128xi32, #tpu.memory_space<vmem>> -> memref<1x128xi32, #tpu.memory_space<vmem>>
        %dma_start3A_144 = tpu.memref_squeeze %dma_start3A_143 : memref<1x128xi32, #tpu.memory_space<vmem>> -> memref<128xi32, #tpu.memory_space<vmem>>
        %dma_start3A_145 = arith.constant 0 : i32
        %dma_start3A_146 = arith.constant 0 : i32
        %dma_start3A_147 = tpu.memref_slice %arg3[%dma_start3A_145, %dma_start3A_146] : memref<10240x128xf32, #tpu.memory_space<hbm>> -> memref<10240x128xf32, #tpu.memory_space<hbm>>
        tpu.enqueue_indirect_dma source(%dma_start3A_147 : memref<10240x128xf32, #tpu.memory_space<hbm>>) target(%arg7 : memref<128x128xf32, #tpu.memory_space<vmem>>) offsets(%dma_start3A_144 : memref<128xi32, #tpu.memory_space<vmem>>) semaphore(%arg10 : memref<!tpu.dma_semaphore, #tpu.memory_space<semaphore_mem>>)
        %dma_wait3A_148 = arith.constant 0 : i32
        %dma_wait3A_149 = arith.constant 0 : i32
        %dma_wait3A_150 = tpu.memref_slice %arg6[%dma_wait3A_148, %dma_wait3A_149] : memref<40x128xi32, #tpu.memory_space<vmem>> -> memref<1x128xi32, #tpu.memory_space<vmem>>
        %dma_wait3A_151 = tpu.memref_squeeze %dma_wait3A_150 : memref<1x128xi32, #tpu.memory_space<vmem>> -> memref<128xi32, #tpu.memory_space<vmem>>
        %dma_wait3A_152 = arith.constant 0 : i32
        %dma_wait3A_153 = arith.constant 0 : i32
        %dma_wait3A_154 = tpu.memref_slice %arg9[%dma_wait3A_152, %dma_wait3A_153] : memref<10240x128xf32, #tpu.memory_space<vmem_shared>> -> memref<10240x128xf32, #tpu.memory_space<vmem_shared>>
        tpu.wait_indirect_dma semaphore(%arg13 : memref<!tpu.dma_semaphore, #tpu.memory_space<semaphore_mem>>) src(%arg8 : memref<128x128xf32, #tpu.memory_space<vmem>>) dst(%dma_wait3A_154 : memref<10240x128xf32, #tpu.memory_space<vmem_shared>>)
        %add3A_155 = arith.constant 3 : i32
        %add3A_156 = arith.addi %mul3A_101, %add3A_155 : i32
        %sub3A_157 = arith.constant 1 : i32
        %sub3A_158 = arith.subi %min3A_42, %sub3A_157 : i32
        %min3A_159 = arith.minsi %add3A_156, %sub3A_158 : i32
        %dma_start3A_160 = arith.constant 0 : i32
        %dma_start3A_161 = tpu.memref_slice %arg5[%min3A_159, %dma_start3A_160] : memref<40x128xi32, #tpu.memory_space<vmem>> -> memref<1x128xi32, #tpu.memory_space<vmem>>
        %dma_start3A_162 = tpu.memref_squeeze %dma_start3A_161 : memref<1x128xi32, #tpu.memory_space<vmem>> -> memref<128xi32, #tpu.memory_space<vmem>>
        %dma_start3A_163 = arith.constant 0 : i32
        %dma_start3A_164 = arith.constant 0 : i32
        %dma_start3A_165 = tpu.memref_slice %arg3[%dma_start3A_163, %dma_start3A_164] : memref<10240x128xf32, #tpu.memory_space<hbm>> -> memref<10240x128xf32, #tpu.memory_space<hbm>>
        tpu.enqueue_indirect_dma source(%dma_start3A_165 : memref<10240x128xf32, #tpu.memory_space<hbm>>) target(%arg8 : memref<128x128xf32, #tpu.memory_space<vmem>>) offsets(%dma_start3A_162 : memref<128xi32, #tpu.memory_space<vmem>>) semaphore(%arg11 : memref<!tpu.dma_semaphore, #tpu.memory_space<semaphore_mem>>)
      }
      %while3A_85 = arith.constant 1 : i32
      scf.for %while3A_99 = %while3A_83 to %while3A_79 step %while3A_85  : i32 {
        %mul3A_100 = arith.constant 2 : i32
        %mul3A_101 = arith.muli %mul3A_100, %while3A_99 : i32
        %dma_wait3A_102 = arith.constant 0 : i32
        %dma_wait3A_103 = arith.constant 0 : i32
        %dma_wait3A_104 = tpu.memref_slice %arg5[%dma_wait3A_102, %dma_wait3A_103] : memref<40x128xi32, #tpu.memory_space<vmem>> -> memref<1x128xi32, #tpu.memory_space<vmem>>
        %dma_wait3A_105 = tpu.memref_squeeze %dma_wait3A_104 : memref<1x128xi32, #tpu.memory_space<vmem>> -> memref<128xi32, #tpu.memory_space<vmem>>
        %dma_wait3A_106 = arith.constant 0 : i32
        %dma_wait3A_107 = arith.constant 0 : i32
        %dma_wait3A_108 = tpu.memref_slice %arg3[%dma_wait3A_106, %dma_wait3A_107] : memref<10240x128xf32, #tpu.memory_space<hbm>> -> memref<10240x128xf32, #tpu.memory_space<hbm>>
        tpu.wait_indirect_dma semaphore(%arg10 : memref<!tpu.dma_semaphore, #tpu.memory_space<semaphore_mem>>) src(%dma_wait3A_108 : memref<10240x128xf32, #tpu.memory_space<hbm>>) dst(%arg7 : memref<128x128xf32, #tpu.memory_space<vmem>>)
        %dma_start3A_109 = arith.constant 0 : i32
        %dma_start3A_110 = tpu.memref_slice %arg6[%mul3A_101, %dma_start3A_109] : memref<40x128xi32, #tpu.memory_space<vmem>> -> memref<1x128xi32, #tpu.memory_space<vmem>>
        %dma_start3A_111 = tpu.memref_squeeze %dma_start3A_110 : memref<1x128xi32, #tpu.memory_space<vmem>> -> memref<128xi32, #tpu.memory_space<vmem>>
        %dma_start3A_112 = arith.constant 0 : i32
        %dma_start3A_113 = arith.constant 0 : i32
        %dma_start3A_114 = tpu.memref_slice %arg9[%dma_start3A_112, %dma_start3A_113] : memref<10240x128xf32, #tpu.memory_space<vmem_shared>> -> memref<10240x128xf32, #tpu.memory_space<vmem_shared>>
        tpu.enqueue_indirect_dma source(%arg7 : memref<128x128xf32, #tpu.memory_space<vmem>>) target(%dma_start3A_114 : memref<10240x128xf32, #tpu.memory_space<vmem_shared>>) offsets(%dma_start3A_111 : memref<128xi32, #tpu.memory_space<vmem>>) semaphore(%arg12 : memref<!tpu.dma_semaphore, #tpu.memory_space<semaphore_mem>>) {add = true}
        %dma_wait3A_115 = arith.constant 0 : i32
        %dma_wait3A_116 = arith.constant 0 : i32
        %dma_wait3A_117 = tpu.memref_slice %arg5[%dma_wait3A_115, %dma_wait3A_116] : memref<40x128xi32, #tpu.memory_space<vmem>> -> memref<1x128xi32, #tpu.memory_space<vmem>>
        %dma_wait3A_118 = tpu.memref_squeeze %dma_wait3A_117 : memref<1x128xi32, #tpu.memory_space<vmem>> -> memref<128xi32, #tpu.memory_space<vmem>>
        %dma_wait3A_119 = arith.constant 0 : i32
        %dma_wait3A_120 = arith.constant 0 : i32
        %dma_wait3A_121 = tpu.memref_slice %arg3[%dma_wait3A_119, %dma_wait3A_120] : memref<10240x128xf32, #tpu.memory_space<hbm>> -> memref<10240x128xf32, #tpu.memory_space<hbm>>
        tpu.wait_indirect_dma semaphore(%arg11 : memref<!tpu.dma_semaphore, #tpu.memory_space<semaphore_mem>>) src(%dma_wait3A_121 : memref<10240x128xf32, #tpu.memory_space<hbm>>) dst(%arg8 : memref<128x128xf32, #tpu.memory_space<vmem>>)
        %add3A_122 = arith.constant 1 : i32
        %add3A_123 = arith.addi %mul3A_101, %add3A_122 : i32
        %dma_start3A_124 = arith.constant 0 : i32
        %dma_start3A_125 = tpu.memref_slice %arg6[%add3A_123, %dma_start3A_124] : memref<40x128xi32, #tpu.memory_space<vmem>> -> memref<1x128xi32, #tpu.memory_space<vmem>>
        %dma_start3A_126 = tpu.memref_squeeze %dma_start3A_125 : memref<1x128xi32, #tpu.memory_space<vmem>> -> memref<128xi32, #tpu.memory_space<vmem>>
        %dma_start3A_127 = arith.constant 0 : i32
        %dma_start3A_128 = arith.constant 0 : i32
        %dma_start3A_129 = tpu.memref_slice %arg9[%dma_start3A_127, %dma_start3A_128] : memref<10240x128xf32, #tpu.memory_space<vmem_shared>> -> memref<10240x128xf32, #tpu.memory_space<vmem_shared>>
        tpu.enqueue_indirect_dma source(%arg8 : memref<128x128xf32, #tpu.memory_space<vmem>>) target(%dma_start3A_129 : memref<10240x128xf32, #tpu.memory_space<vmem_shared>>) offsets(%dma_start3A_126 : memref<128xi32, #tpu.memory_space<vmem>>) semaphore(%arg13 : memref<!tpu.dma_semaphore, #tpu.memory_space<semaphore_mem>>) {add = true}
        %dma_wait3A_130 = arith.constant 0 : i32
        %dma_wait3A_131 = arith.constant 0 : i32
        %dma_wait3A_132 = tpu.memref_slice %arg6[%dma_wait3A_130, %dma_wait3A_131] : memref<40x128xi32, #tpu.memory_space<vmem>> -> memref<1x128xi32, #tpu.memory_space<vmem>>
        %dma_wait3A_133 = tpu.memref_squeeze %dma_wait3A_132 : memref<1x128xi32, #tpu.memory_space<vmem>> -> memref<128xi32, #tpu.memory_space<vmem>>
        %dma_wait3A_134 = arith.constant 0 : i32
        %dma_wait3A_135 = arith.constant 0 : i32
        %dma_wait3A_136 = tpu.memref_slice %arg9[%dma_wait3A_134, %dma_wait3A_135] : memref<10240x128xf32, #tpu.memory_space<vmem_shared>> -> memref<10240x128xf32, #tpu.memory_space<vmem_shared>>
        tpu.wait_indirect_dma semaphore(%arg12 : memref<!tpu.dma_semaphore, #tpu.memory_space<semaphore_mem>>) src(%arg7 : memref<128x128xf32, #tpu.memory_space<vmem>>) dst(%dma_wait3A_136 : memref<10240x128xf32, #tpu.memory_space<vmem_shared>>)
        %add3A_137 = arith.constant 2 : i32
        %add3A_138 = arith.addi %mul3A_101, %add3A_137 : i32
        %sub3A_139 = arith.constant 1 : i32
        %sub3A_140 = arith.subi %min3A_42, %sub3A_139 : i32
        %min3A_141 = arith.minsi %add3A_138, %sub3A_140 : i32
        %dma_start3A_142 = arith.constant 0 : i32
        %dma_start3A_143 = tpu.memref_slice %arg5[%min3A_141, %dma_start3A_142] : memref<40x128xi32, #tpu.memory_space<vmem>> -> memref<1x128xi32, #tpu.memory_space<vmem>>
        %dma_start3A_144 = tpu.memref_squeeze %dma_start3A_143 : memref<1x128xi32, #tpu.memory_space<vmem>> -> memref<128xi32, #tpu.memory_space<vmem>>
        %dma_start3A_145 = arith.constant 0 : i32
        %dma_start3A_146 = arith.constant 0 : i32
        %dma_start3A_147 = tpu.memref_slice %arg3[%dma_start3A_145, %dma_start3A_146] : memref<10240x128xf32, #tpu.memory_space<hbm>> -> memref<10240x128xf32, #tpu.memory_space<hbm>>
        tpu.enqueue_indirect_dma source(%dma_start3A_147 : memref<10240x128xf32, #tpu.memory_space<hbm>>) target(%arg7 : memref<128x128xf32, #tpu.memory_space<vmem>>) offsets(%dma_start3A_144 : memref<128xi32, #tpu.memory_space<vmem>>) semaphore(%arg10 : memref<!tpu.dma_semaphore, #tpu.memory_space<semaphore_mem>>)
        %dma_wait3A_148 = arith.constant 0 : i32
        %dma_wait3A_149 = arith.constant 0 : i32
        %dma_wait3A_150 = tpu.memref_slice %arg6[%dma_wait3A_148, %dma_wait3A_149] : memref<40x128xi32, #tpu.memory_space<vmem>> -> memref<1x128xi32, #tpu.memory_space<vmem>>
        %dma_wait3A_151 = tpu.memref_squeeze %dma_wait3A_150 : memref<1x128xi32, #tpu.memory_space<vmem>> -> memref<128xi32, #tpu.memory_space<vmem>>
        %dma_wait3A_152 = arith.constant 0 : i32
        %dma_wait3A_153 = arith.constant 0 : i32
        %dma_wait3A_154 = tpu.memref_slice %arg9[%dma_wait3A_152, %dma_wait3A_153] : memref<10240x128xf32, #tpu.memory_space<vmem_shared>> -> memref<10240x128xf32, #tpu.memory_space<vmem_shared>>
        tpu.wait_indirect_dma semaphore(%arg13 : memref<!tpu.dma_semaphore, #tpu.memory_space<semaphore_mem>>) src(%arg8 : memref<128x128xf32, #tpu.memory_space<vmem>>) dst(%dma_wait3A_154 : memref<10240x128xf32, #tpu.memory_space<vmem_shared>>)
        %add3A_155 = arith.constant 3 : i32
        %add3A_156 = arith.addi %mul3A_101, %add3A_155 : i32
        %sub3A_157 = arith.constant 1 : i32
        %sub3A_158 = arith.subi %min3A_42, %sub3A_157 : i32
        %min3A_159 = arith.minsi %add3A_156, %sub3A_158 : i32
        %dma_start3A_160 = arith.constant 0 : i32
        %dma_start3A_161 = tpu.memref_slice %arg5[%min3A_159, %dma_start3A_160] : memref<40x128xi32, #tpu.memory_space<vmem>> -> memref<1x128xi32, #tpu.memory_space<vmem>>
        %dma_start3A_162 = tpu.memref_squeeze %dma_start3A_161 : memref<1x128xi32, #tpu.memory_space<vmem>> -> memref<128xi32, #tpu.memory_space<vmem>>
        %dma_start3A_163 = arith.constant 0 : i32
        %dma_start3A_164 = arith.constant 0 : i32
        %dma_start3A_165 = tpu.memref_slice %arg3[%dma_start3A_163, %dma_start3A_164] : memref<10240x128xf32, #tpu.memory_space<hbm>> -> memref<10240x128xf32, #tpu.memory_space<hbm>>
        tpu.enqueue_indirect_dma source(%dma_start3A_165 : memref<10240x128xf32, #tpu.memory_space<hbm>>) target(%arg8 : memref<128x128xf32, #tpu.memory_space<vmem>>) offsets(%dma_start3A_162 : memref<128xi32, #tpu.memory_space<vmem>>) semaphore(%arg11 : memref<!tpu.dma_semaphore, #tpu.memory_space<semaphore_mem>>)
      }
      %dma_wait3A = arith.constant 0 : i32
      %dma_wait3A_86 = arith.constant 0 : i32
      %dma_wait3A_87 = tpu.memref_slice %arg5[%dma_wait3A, %dma_wait3A_86] : memref<40x128xi32, #tpu.memory_space<vmem>> -> memref<1x128xi32, #tpu.memory_space<vmem>>
      %dma_wait3A_88 = tpu.memref_squeeze %dma_wait3A_87 : memref<1x128xi32, #tpu.memory_space<vmem>> -> memref<128xi32, #tpu.memory_space<vmem>>
      %dma_wait3A_89 = arith.constant 0 : i32
      %dma_wait3A_90 = arith.constant 0 : i32
      %dma_wait3A_91 = tpu.memref_slice %arg3[%dma_wait3A_89, %dma_wait3A_90] : memref<10240x128xf32, #tpu.memory_space<hbm>> -> memref<10240x128xf32, #tpu.memory_space<hbm>>
      tpu.wait_indirect_dma semaphore(%arg10 : memref<!tpu.dma_semaphore, #tpu.memory_space<semaphore_mem>>) src(%dma_wait3A_91 : memref<10240x128xf32, #tpu.memory_space<hbm>>) dst(%arg7 : memref<128x128xf32, #tpu.memory_space<vmem>>)
      %dma_wait3A_92 = arith.constant 0 : i32
      %dma_wait3A_93 = arith.constant 0 : i32
      %dma_wait3A_94 = tpu.memref_slice %arg5[%dma_wait3A_92, %dma_wait3A_93] : memref<40x128xi32, #tpu.memory_space<vmem>> -> memref<1x128xi32, #tpu.memory_space<vmem>>
      %dma_wait3A_95 = tpu.memref_squeeze %dma_wait3A_94 : memref<1x128xi32, #tpu.memory_space<vmem>> -> memref<128xi32, #tpu.memory_space<vmem>>
      %dma_wait3A_96 = arith.constant 0 : i32
      %dma_wait3A_97 = arith.constant 0 : i32
      %dma_wait3A_98 = tpu.memref_slice %arg3[%dma_wait3A_96, %dma_wait3A_97] : memref<10240x128xf32, #tpu.memory_space<hbm>> -> memref<10240x128xf32, #tpu.memory_space<hbm>>
      tpu.wait_indirect_dma semaphore(%arg11 : memref<!tpu.dma_semaphore, #tpu.memory_space<semaphore_mem>>) src(%dma_wait3A_98 : memref<10240x128xf32, #tpu.memory_space<hbm>>) dst(%arg8 : memref<128x128xf32, #tpu.memory_space<vmem>>)
    }
    %barrier3A_27 = arith.constant 0 : index
    tpu.barrier barrier_id(%barrier3A_27)
    %scan3A_28 = arith.constant 0 : i32
    %scan3A_29 = arith.constant 0 : i32
    %scan3A_30 = arith.constant 5 : i32
    %scan3A_31 = arith.addi %scan3A_29, %scan3A_30 : i32
    %scan3A_32 = arith.constant 1 : i32
    scf.for %scan3A_34 = %scan3A_29 to %scan3A_31 step %scan3A_32  : i32 {
      %mul3A_35 = arith.constant 640 : i32
      %mul3A_36 = arith.muli %arg1, %mul3A_35 : i32
      %mul3A_37 = arith.constant 128 : i32
      %mul3A_38 = arith.muli %scan3A_34, %mul3A_37 : i32
      %add3A_39 = arith.addi %mul3A_36, %mul3A_38 : i32
      "tpu.region"() ({
        %run_scoped3A = tpu.sem_alloc : memref<!tpu.dma_semaphore, #tpu.memory_space<semaphore_mem>>
        %dma_start3A = arith.constant 0 : i32
        %dma_start3A_40 = tpu.memref_slice %arg4[%arg0, %add3A_39, %dma_start3A] : memref<2x10240x128xf32, #tpu.memory_space<hbm>> -> memref<1x128x128xf32, #tpu.memory_space<hbm>>
        %dma_start3A_41 = tpu.memref_squeeze %dma_start3A_40 : memref<1x128x128xf32, #tpu.memory_space<hbm>> -> memref<128x128xf32, #tpu.memory_space<hbm>>
        %dma_start3A_42 = arith.constant 0 : i32
        %dma_start3A_43 = tpu.memref_slice %arg9[%add3A_39, %dma_start3A_42] : memref<10240x128xf32, #tpu.memory_space<vmem_shared>> -> memref<128x128xf32, #tpu.memory_space<vmem_shared>>
        tpu.enqueue_dma source(%dma_start3A_43 : memref<128x128xf32, #tpu.memory_space<vmem_shared>>) target(%dma_start3A_41 : memref<128x128xf32, #tpu.memory_space<hbm>>) target_semaphore(%run_scoped3A : memref<!tpu.dma_semaphore, #tpu.memory_space<semaphore_mem>>)
        %dma_wait3A = arith.constant 0 : i32
        %dma_wait3A_44 = tpu.memref_slice %arg4[%arg0, %add3A_39, %dma_wait3A] : memref<2x10240x128xf32, #tpu.memory_space<hbm>> -> memref<1x128x128xf32, #tpu.memory_space<hbm>>
        %dma_wait3A_45 = tpu.memref_squeeze %dma_wait3A_44 : memref<1x128x128xf32, #tpu.memory_space<hbm>> -> memref<128x128xf32, #tpu.memory_space<hbm>>
        %dma_wait3A_46 = arith.constant 0 : i32
        %dma_wait3A_47 = tpu.memref_slice %arg9[%add3A_39, %dma_wait3A_46] : memref<10240x128xf32, #tpu.memory_space<vmem_shared>> -> memref<128x128xf32, #tpu.memory_space<vmem_shared>>
        tpu.wait_dma2 semaphore(%run_scoped3A : memref<!tpu.dma_semaphore, #tpu.memory_space<semaphore_mem>>) src(%dma_wait3A_47 : memref<128x128xf32, #tpu.memory_space<vmem_shared>>) dst(%dma_wait3A_45 : memref<128x128xf32, #tpu.memory_space<hbm>>)
        tpu.yield
      }) : () -> ()
    }
    %scan3A_33 = arith.constant 5 : i32
    return
  }
}

#map = affine_map<(d0, d1) -> (0, 0, 0)>
#map1 = affine_map<(d0, d1) -> (0, 0)>
#map2 = affine_map<(d0, d1) -> (0)>
module attributes {stable_mosaic.version = 14 : i64} {
  func.func @_sc_pass1_body(%arg0: i32, %arg1: i32, %arg2: memref<2x2560x128xi32, #tpu.memory_space<hbm>>, %arg3: memref<10000x128xf32, #tpu.memory_space<hbm>>, %arg4: memref<10240xf32, #tpu.memory_space<hbm>>, %arg5: memref<2x10240x128xf32, #tpu.memory_space<hbm>>, %arg6: memref<2x10240xf32, #tpu.memory_space<hbm>>, %arg7: memref<2x10240xf32, #tpu.memory_space<hbm>>, %arg8: memref<40x128xi32, #tpu.memory_space<vmem>>, %arg9: memref<40x128xi32, #tpu.memory_space<vmem>>, %arg10: memref<128x128xf32, #tpu.memory_space<vmem>>, %arg11: memref<128x128xf32, #tpu.memory_space<vmem>>, %arg12: memref<128xf32, #tpu.memory_space<vmem>>, %arg13: memref<128xf32, #tpu.memory_space<vmem>>, %arg14: memref<128xf32, #tpu.memory_space<vmem>>, %arg15: memref<640xf32, #tpu.memory_space<vmem>>, %arg16: memref<10240x128xf32, #tpu.memory_space<vmem_shared>>, %arg17: memref<10240xf32, #tpu.memory_space<vmem_shared>>, %arg18: memref<10240xf32, #tpu.memory_space<vmem_shared>>, %arg19: memref<!tpu.dma_semaphore, #tpu.memory_space<semaphore_mem>>, %arg20: memref<!tpu.dma_semaphore, #tpu.memory_space<semaphore_mem>>, %arg21: memref<!tpu.dma_semaphore, #tpu.memory_space<semaphore_mem>>, %arg22: memref<!tpu.dma_semaphore, #tpu.memory_space<semaphore_mem>>, %arg23: memref<!tpu.dma_semaphore, #tpu.memory_space<semaphore_mem>>, %arg24: memref<!tpu.dma_semaphore, #tpu.memory_space<semaphore_mem>>, %arg25: memref<!tpu.dma_semaphore, #tpu.memory_space<semaphore_mem>>, %arg26: memref<!tpu.dma_semaphore, #tpu.memory_space<semaphore_mem>>, %arg27: memref<!tpu.dma_semaphore, #tpu.memory_space<semaphore_mem>>) attributes {dimension_semantics = [#tpu.dimension_semantics<core_parallel>, #tpu.dimension_semantics<subcore_parallel>], iteration_bounds = array<i64: 2, 16>, scalar_prefetch = 0 : i64, scratch_operands = 20 : i64, tpu.core_type = #tpu.core_type<sc_vector_subcore>, window_params = [{transform_indices = #map}, {transform_indices = #map1}, {transform_indices = #map2}, {transform_indices = #map}, {transform_indices = #map1}, {transform_indices = #map1}]} {
    %mul3A = arith.constant 16 : i32
    %mul3A_0 = arith.muli %arg0, %mul3A : i32
    %add3A = arith.addi %mul3A_0, %arg1 : i32
    %mul3A_1 = arith.constant 80 : i32
    %mul3A_2 = arith.muli %add3A, %mul3A_1 : i32
    %sub3A = arith.constant 2500 : i32
    %sub3A_3 = arith.subi %sub3A, %mul3A_2 : i32
    %min3A = arith.constant 80 : i32
    %min3A_4 = arith.minsi %sub3A_3, %min3A : i32
    %gt3A = arith.constant 40 : i32
    %gt3A_5 = arith.cmpi sgt, %min3A_4, %gt3A : i32
    %jit3A = arith.constant 2 : i32
    %jit3A_6 = arith.constant 1 : i32
    %select_n3A = arith.select %gt3A_5, %jit3A, %jit3A_6 : i32
    %scan3A = arith.constant 0 : i32
    %scan3A_7 = arith.constant 0 : i32
    %scan3A_8 = arith.constant 128 : i32
    %scan3A_9 = arith.addi %scan3A_7, %scan3A_8 : i32
    %scan3A_10 = arith.constant 1 : i32
    scf.for %scan3A_58 = %scan3A_7 to %scan3A_9 step %scan3A_10  : i32 {
      %scan3A_59 = arith.constant 0 : i32
      %scan3A_60 = arith.constant 8 : i32
      %scan3A_61 = arith.addi %scan3A_59, %scan3A_60 : i32
      %scan3A_62 = arith.constant 1 : i32
      scf.for %scan3A_64 = %scan3A_59 to %scan3A_61 step %scan3A_62  : i32 {
        %broadcast_in_dim3A = arith.constant 0.000000e+00 : f32
        %broadcast_in_dim3A_65 = vector.broadcast %broadcast_in_dim3A : f32 to vector<16xf32>
        %mul3A_66 = arith.constant 16 : i32
        %mul3A_67 = arith.muli %scan3A_64, %mul3A_66 : i32
        %swap3A = arith.index_cast %scan3A_58 : i32 to index
        %swap3A_68 = arith.index_cast %mul3A_67 : i32 to index
        %swap3A_69 = tpu.vector_load %arg10[%swap3A, %swap3A_68] {strides = array<i32>} : memref<128x128xf32, #tpu.memory_space<vmem>>, vector<16xf32>,
        tpu.vector_store %arg10[%swap3A, %swap3A_68], %broadcast_in_dim3A_65 {strides = array<i32>} : memref<128x128xf32, #tpu.memory_space<vmem>>, vector<16xf32>,
      }
      %scan3A_63 = arith.constant 8 : i32
    }
    %scan3A_11 = arith.constant 128 : i32
    %scan3A_12 = arith.constant 0 : i32
    %scan3A_13 = arith.constant 0 : i32
    %scan3A_14 = arith.constant 40 : i32
    %scan3A_15 = arith.addi %scan3A_13, %scan3A_14 : i32
    %scan3A_16 = arith.constant 1 : i32
    scf.for %scan3A_58 = %scan3A_13 to %scan3A_15 step %scan3A_16  : i32 {
      %broadcast_in_dim3A = arith.constant 0.000000e+00 : f32
      %broadcast_in_dim3A_59 = vector.broadcast %broadcast_in_dim3A : f32 to vector<16xf32>
      %mul3A_60 = arith.constant 16 : i32
      %mul3A_61 = arith.muli %scan3A_58, %mul3A_60 : i32
      %swap3A = arith.index_cast %mul3A_61 : i32 to index
      %swap3A_62 = tpu.vector_load %arg15[%swap3A] {strides = array<i32>} : memref<640xf32, #tpu.memory_space<vmem>>, vector<16xf32>,
      tpu.vector_store %arg15[%swap3A], %broadcast_in_dim3A_59 {strides = array<i32>} : memref<640xf32, #tpu.memory_space<vmem>>, vector<16xf32>,
    }
    %scan3A_17 = arith.constant 40 : i32
    %scan3A_18 = arith.constant 0 : i32
    %scan3A_19 = arith.constant 0 : i32
    %scan3A_20 = arith.constant 8 : i32
    %scan3A_21 = arith.addi %scan3A_19, %scan3A_20 : i32
    %scan3A_22 = arith.constant 1 : i32
    scf.for %scan3A_58 = %scan3A_19 to %scan3A_21 step %scan3A_22  : i32 {
      %broadcast_in_dim3A = arith.constant 1.000000e+00 : f32
      %broadcast_in_dim3A_59 = vector.broadcast %broadcast_in_dim3A : f32 to vector<16xf32>
      %mul3A_60 = arith.constant 16 : i32
      %mul3A_61 = arith.muli %scan3A_58, %mul3A_60 : i32
      %swap3A = arith.index_cast %mul3A_61 : i32 to index
      %swap3A_62 = tpu.vector_load %arg14[%swap3A] {strides = array<i32>} : memref<128xf32, #tpu.memory_space<vmem>>, vector<16xf32>,
      tpu.vector_store %arg14[%swap3A], %broadcast_in_dim3A_59 {strides = array<i32>} : memref<128xf32, #tpu.memory_space<vmem>>, vector<16xf32>,
    }
    %scan3A_23 = arith.constant 8 : i32
    %scan3A_24 = arith.constant 0 : i32
    %scan3A_25 = arith.constant 0 : i32
    %scan3A_26 = arith.constant 5 : i32
    %scan3A_27 = arith.addi %scan3A_25, %scan3A_26 : i32
    %scan3A_28 = arith.constant 1 : i32
    scf.for %scan3A_58 = %scan3A_25 to %scan3A_27 step %scan3A_28  : i32 {
      %mul3A_59 = arith.constant 640 : i32
      %mul3A_60 = arith.muli %arg1, %mul3A_59 : i32
      %mul3A_61 = arith.constant 128 : i32
      %mul3A_62 = arith.muli %scan3A_58, %mul3A_61 : i32
      %add3A_63 = arith.addi %mul3A_60, %mul3A_62 : i32
      "tpu.region"() ({
        %run_scoped3A = tpu.sem_alloc : memref<!tpu.dma_semaphore, #tpu.memory_space<semaphore_mem>>
        %dma_start3A = arith.constant 0 : i32
        %dma_start3A_64 = tpu.memref_slice %arg16[%add3A_63, %dma_start3A] : memref<10240x128xf32, #tpu.memory_space<vmem_shared>> -> memref<128x128xf32, #tpu.memory_space<vmem_shared>>
        %dma_start3A_65 = arith.constant 0 : i32
        %dma_start3A_66 = tpu.memref_slice %arg16[%add3A_63, %dma_start3A_65] : memref<10240x128xf32, #tpu.memory_space<vmem_shared>> -> memref<128x128xf32, #tpu.memory_space<vmem_shared>>
        tpu.enqueue_dma source(%arg10 : memref<128x128xf32, #tpu.memory_space<vmem>>) target(%dma_start3A_66 : memref<128x128xf32, #tpu.memory_space<vmem_shared>>) target_semaphore(%run_scoped3A : memref<!tpu.dma_semaphore, #tpu.memory_space<semaphore_mem>>)
        %dma_wait3A = arith.constant 0 : i32
        %dma_wait3A_67 = tpu.memref_slice %arg16[%add3A_63, %dma_wait3A] : memref<10240x128xf32, #tpu.memory_space<vmem_shared>> -> memref<128x128xf32, #tpu.memory_space<vmem_shared>>
        %dma_wait3A_68 = arith.constant 0 : i32
        %dma_wait3A_69 = tpu.memref_slice %arg16[%add3A_63, %dma_wait3A_68] : memref<10240x128xf32, #tpu.memory_space<vmem_shared>> -> memref<128x128xf32, #tpu.memory_space<vmem_shared>>
        tpu.wait_dma2 semaphore(%run_scoped3A : memref<!tpu.dma_semaphore, #tpu.memory_space<semaphore_mem>>) src(%arg10 : memref<128x128xf32, #tpu.memory_space<vmem>>) dst(%dma_wait3A_69 : memref<128x128xf32, #tpu.memory_space<vmem_shared>>)
        tpu.yield
      }) : () -> ()
    }
    %scan3A_29 = arith.constant 5 : i32
    %mul3A_30 = arith.constant 640 : i32
    %mul3A_31 = arith.muli %arg1, %mul3A_30 : i32
    "tpu.region"() ({
      %run_scoped3A = tpu.sem_alloc : memref<!tpu.dma_semaphore, #tpu.memory_space<semaphore_mem>>
      %dma_start3A = tpu.memref_slice %arg17[%mul3A_31] : memref<10240xf32, #tpu.memory_space<vmem_shared>> -> memref<640xf32, #tpu.memory_space<vmem_shared>>
      %dma_start3A_58 = tpu.memref_slice %arg17[%mul3A_31] : memref<10240xf32, #tpu.memory_space<vmem_shared>> -> memref<640xf32, #tpu.memory_space<vmem_shared>>
      tpu.enqueue_dma source(%arg15 : memref<640xf32, #tpu.memory_space<vmem>>) target(%dma_start3A_58 : memref<640xf32, #tpu.memory_space<vmem_shared>>) target_semaphore(%run_scoped3A : memref<!tpu.dma_semaphore, #tpu.memory_space<semaphore_mem>>)
      %dma_wait3A = tpu.memref_slice %arg17[%mul3A_31] : memref<10240xf32, #tpu.memory_space<vmem_shared>> -> memref<640xf32, #tpu.memory_space<vmem_shared>>
      %dma_wait3A_59 = tpu.memref_slice %arg17[%mul3A_31] : memref<10240xf32, #tpu.memory_space<vmem_shared>> -> memref<640xf32, #tpu.memory_space<vmem_shared>>
      tpu.wait_dma2 semaphore(%run_scoped3A : memref<!tpu.dma_semaphore, #tpu.memory_space<semaphore_mem>>) src(%arg15 : memref<640xf32, #tpu.memory_space<vmem>>) dst(%dma_wait3A_59 : memref<640xf32, #tpu.memory_space<vmem_shared>>)
      tpu.yield
    }) : () -> ()
    %mul3A_32 = arith.constant 640 : i32
    %mul3A_33 = arith.muli %arg1, %mul3A_32 : i32
    "tpu.region"() ({
      %run_scoped3A = tpu.sem_alloc : memref<!tpu.dma_semaphore, #tpu.memory_space<semaphore_mem>>
      %dma_start3A = tpu.memref_slice %arg18[%mul3A_33] : memref<10240xf32, #tpu.memory_space<vmem_shared>> -> memref<640xf32, #tpu.memory_space<vmem_shared>>
      %dma_start3A_58 = tpu.memref_slice %arg18[%mul3A_33] : memref<10240xf32, #tpu.memory_space<vmem_shared>> -> memref<640xf32, #tpu.memory_space<vmem_shared>>
      tpu.enqueue_dma source(%arg15 : memref<640xf32, #tpu.memory_space<vmem>>) target(%dma_start3A_58 : memref<640xf32, #tpu.memory_space<vmem_shared>>) target_semaphore(%run_scoped3A : memref<!tpu.dma_semaphore, #tpu.memory_space<semaphore_mem>>)
      %dma_wait3A = tpu.memref_slice %arg18[%mul3A_33] : memref<10240xf32, #tpu.memory_space<vmem_shared>> -> memref<640xf32, #tpu.memory_space<vmem_shared>>
      %dma_wait3A_59 = tpu.memref_slice %arg18[%mul3A_33] : memref<10240xf32, #tpu.memory_space<vmem_shared>> -> memref<640xf32, #tpu.memory_space<vmem_shared>>
      tpu.wait_dma2 semaphore(%run_scoped3A : memref<!tpu.dma_semaphore, #tpu.memory_space<semaphore_mem>>) src(%arg15 : memref<640xf32, #tpu.memory_space<vmem>>) dst(%dma_wait3A_59 : memref<640xf32, #tpu.memory_space<vmem_shared>>)
      tpu.yield
    }) : () -> ()
    %barrier3A = arith.constant 0 : index
    tpu.barrier barrier_id(%barrier3A)
    %while3A = arith.constant 0 : i32
    %while3A_34 = arith.constant 0 : i32
    %while3A_35 = arith.subi %select_n3A, %while3A_34 : i32
    %while3A_36 = arith.addi %while3A_34, %while3A_35 : i32
    %while3A_37 = arith.constant 1 : i32
    %while3A_38 = arith.divsi %while3A_35, %while3A_37 : i32
    %while3A_39 = arith.muli %while3A_38, %while3A_37 : i32
    %while3A_40 = arith.addi %while3A_34, %while3A_39 : i32
    %while3A_41 = arith.constant 1 : i32
    scf.for %while3A_58 = %while3A_34 to %while3A_40 step %while3A_41  : i32 {
      %mul3A_59 = arith.constant 40 : i32
      %mul3A_60 = arith.muli %while3A_58, %mul3A_59 : i32
      %add3A_61 = arith.addi %mul3A_2, %mul3A_60 : i32
      %mul3A_62 = arith.constant 40 : i32
      %mul3A_63 = arith.muli %while3A_58, %mul3A_62 : i32
      %sub3A_64 = arith.subi %min3A_4, %mul3A_63 : i32
      %min3A_65 = arith.constant 40 : i32
      %min3A_66 = arith.minsi %sub3A_64, %min3A_65 : i32
      %run_scoped3A = arith.constant 0 : i32
      "tpu.region"() ({
        %run_scoped3A_147 = tpu.sem_alloc : memref<!tpu.dma_semaphore, #tpu.memory_space<semaphore_mem>>
        %dma_start3A_148 = arith.constant 0 : i32
        %dma_start3A_149 = tpu.memref_slice %arg2[%run_scoped3A, %add3A_61, %dma_start3A_148] : memref<2x2560x128xi32, #tpu.memory_space<hbm>> -> memref<1x40x128xi32, #tpu.memory_space<hbm>>
        %dma_start3A_150 = tpu.memref_squeeze %dma_start3A_149 : memref<1x40x128xi32, #tpu.memory_space<hbm>> -> memref<40x128xi32, #tpu.memory_space<hbm>>
        %dma_start3A_151 = arith.constant 0 : i32
        %dma_start3A_152 = tpu.memref_slice %arg2[%run_scoped3A, %add3A_61, %dma_start3A_151] : memref<2x2560x128xi32, #tpu.memory_space<hbm>> -> memref<1x40x128xi32, #tpu.memory_space<hbm>>
        %dma_start3A_153 = tpu.memref_squeeze %dma_start3A_152 : memref<1x40x128xi32, #tpu.memory_space<hbm>> -> memref<40x128xi32, #tpu.memory_space<hbm>>
        tpu.enqueue_dma source(%dma_start3A_153 : memref<40x128xi32, #tpu.memory_space<hbm>>) target(%arg8 : memref<40x128xi32, #tpu.memory_space<vmem>>) target_semaphore(%run_scoped3A_147 : memref<!tpu.dma_semaphore, #tpu.memory_space<semaphore_mem>>)
        %dma_wait3A_154 = arith.constant 0 : i32
        %dma_wait3A_155 = tpu.memref_slice %arg2[%run_scoped3A, %add3A_61, %dma_wait3A_154] : memref<2x2560x128xi32, #tpu.memory_space<hbm>> -> memref<1x40x128xi32, #tpu.memory_space<hbm>>
        %dma_wait3A_156 = tpu.memref_squeeze %dma_wait3A_155 : memref<1x40x128xi32, #tpu.memory_space<hbm>> -> memref<40x128xi32, #tpu.memory_space<hbm>>
        %dma_wait3A_157 = arith.constant 0 : i32
        %dma_wait3A_158 = tpu.memref_slice %arg2[%run_scoped3A, %add3A_61, %dma_wait3A_157] : memref<2x2560x128xi32, #tpu.memory_space<hbm>> -> memref<1x40x128xi32, #tpu.memory_space<hbm>>
        %dma_wait3A_159 = tpu.memref_squeeze %dma_wait3A_158 : memref<1x40x128xi32, #tpu.memory_space<hbm>> -> memref<40x128xi32, #tpu.memory_space<hbm>>
        tpu.wait_dma2 semaphore(%run_scoped3A_147 : memref<!tpu.dma_semaphore, #tpu.memory_space<semaphore_mem>>) src(%dma_wait3A_159 : memref<40x128xi32, #tpu.memory_space<hbm>>) dst(%arg8 : memref<40x128xi32, #tpu.memory_space<vmem>>)
        tpu.yield
      }) : () -> ()
      %run_scoped3A_67 = arith.constant 1 : i32
      "tpu.region"() ({
        %run_scoped3A_147 = tpu.sem_alloc : memref<!tpu.dma_semaphore, #tpu.memory_space<semaphore_mem>>
        %dma_start3A_148 = arith.constant 0 : i32
        %dma_start3A_149 = tpu.memref_slice %arg2[%run_scoped3A_67, %add3A_61, %dma_start3A_148] : memref<2x2560x128xi32, #tpu.memory_space<hbm>> -> memref<1x40x128xi32, #tpu.memory_space<hbm>>
        %dma_start3A_150 = tpu.memref_squeeze %dma_start3A_149 : memref<1x40x128xi32, #tpu.memory_space<hbm>> -> memref<40x128xi32, #tpu.memory_space<hbm>>
        %dma_start3A_151 = arith.constant 0 : i32
        %dma_start3A_152 = tpu.memref_slice %arg2[%run_scoped3A_67, %add3A_61, %dma_start3A_151] : memref<2x2560x128xi32, #tpu.memory_space<hbm>> -> memref<1x40x128xi32, #tpu.memory_space<hbm>>
        %dma_start3A_153 = tpu.memref_squeeze %dma_start3A_152 : memref<1x40x128xi32, #tpu.memory_space<hbm>> -> memref<40x128xi32, #tpu.memory_space<hbm>>
        tpu.enqueue_dma source(%dma_start3A_153 : memref<40x128xi32, #tpu.memory_space<hbm>>) target(%arg9 : memref<40x128xi32, #tpu.memory_space<vmem>>) target_semaphore(%run_scoped3A_147 : memref<!tpu.dma_semaphore, #tpu.memory_space<semaphore_mem>>)
        %dma_wait3A_154 = arith.constant 0 : i32
        %dma_wait3A_155 = tpu.memref_slice %arg2[%run_scoped3A_67, %add3A_61, %dma_wait3A_154] : memref<2x2560x128xi32, #tpu.memory_space<hbm>> -> memref<1x40x128xi32, #tpu.memory_space<hbm>>
        %dma_wait3A_156 = tpu.memref_squeeze %dma_wait3A_155 : memref<1x40x128xi32, #tpu.memory_space<hbm>> -> memref<40x128xi32, #tpu.memory_space<hbm>>
        %dma_wait3A_157 = arith.constant 0 : i32
        %dma_wait3A_158 = tpu.memref_slice %arg2[%run_scoped3A_67, %add3A_61, %dma_wait3A_157] : memref<2x2560x128xi32, #tpu.memory_space<hbm>> -> memref<1x40x128xi32, #tpu.memory_space<hbm>>
        %dma_wait3A_159 = tpu.memref_squeeze %dma_wait3A_158 : memref<1x40x128xi32, #tpu.memory_space<hbm>> -> memref<40x128xi32, #tpu.memory_space<hbm>>
        tpu.wait_dma2 semaphore(%run_scoped3A_147 : memref<!tpu.dma_semaphore, #tpu.memory_space<semaphore_mem>>) src(%dma_wait3A_159 : memref<40x128xi32, #tpu.memory_space<hbm>>) dst(%arg9 : memref<40x128xi32, #tpu.memory_space<vmem>>)
        tpu.yield
      }) : () -> ()
      %dma_start3A = arith.constant 0 : i32
      %dma_start3A_68 = arith.constant 0 : i32
      %dma_start3A_69 = tpu.memref_slice %arg8[%dma_start3A, %dma_start3A_68] : memref<40x128xi32, #tpu.memory_space<vmem>> -> memref<1x128xi32, #tpu.memory_space<vmem>>
      %dma_start3A_70 = tpu.memref_squeeze %dma_start3A_69 : memref<1x128xi32, #tpu.memory_space<vmem>> -> memref<128xi32, #tpu.memory_space<vmem>>
      %dma_start3A_71 = arith.constant 0 : i32
      %dma_start3A_72 = arith.constant 0 : i32
      %dma_start3A_73 = tpu.memref_slice %arg3[%dma_start3A_71, %dma_start3A_72] : memref<10000x128xf32, #tpu.memory_space<hbm>> -> memref<10000x128xf32, #tpu.memory_space<hbm>>
      tpu.enqueue_indirect_dma source(%dma_start3A_73 : memref<10000x128xf32, #tpu.memory_space<hbm>>) target(%arg10 : memref<128x128xf32, #tpu.memory_space<vmem>>) offsets(%dma_start3A_70 : memref<128xi32, #tpu.memory_space<vmem>>) semaphore(%arg19 : memref<!tpu.dma_semaphore, #tpu.memory_space<semaphore_mem>>)
      %dma_start3A_74 = arith.constant 0 : i32
      %dma_start3A_75 = arith.constant 0 : i32
      %dma_start3A_76 = tpu.memref_slice %arg9[%dma_start3A_74, %dma_start3A_75] : memref<40x128xi32, #tpu.memory_space<vmem>> -> memref<1x128xi32, #tpu.memory_space<vmem>>
      %dma_start3A_77 = tpu.memref_squeeze %dma_start3A_76 : memref<1x128xi32, #tpu.memory_space<vmem>> -> memref<128xi32, #tpu.memory_space<vmem>>
      %dma_start3A_78 = arith.constant 0 : i32
      %dma_start3A_79 = tpu.memref_slice %arg4[%dma_start3A_78] : memref<10240xf32, #tpu.memory_space<hbm>> -> memref<10240xf32, #tpu.memory_space<hbm>>
      tpu.enqueue_indirect_dma source(%dma_start3A_79 : memref<10240xf32, #tpu.memory_space<hbm>>) target(%arg12 : memref<128xf32, #tpu.memory_space<vmem>>) offsets(%dma_start3A_77 : memref<128xi32, #tpu.memory_space<vmem>>) semaphore(%arg23 : memref<!tpu.dma_semaphore, #tpu.memory_space<semaphore_mem>>)
      %dma_start3A_80 = arith.constant 1 : i32
      %dma_start3A_81 = arith.constant 0 : i32
      %dma_start3A_82 = tpu.memref_slice %arg8[%dma_start3A_80, %dma_start3A_81] : memref<40x128xi32, #tpu.memory_space<vmem>> -> memref<1x128xi32, #tpu.memory_space<vmem>>
      %dma_start3A_83 = tpu.memref_squeeze %dma_start3A_82 : memref<1x128xi32, #tpu.memory_space<vmem>> -> memref<128xi32, #tpu.memory_space<vmem>>
      %dma_start3A_84 = arith.constant 0 : i32
      %dma_start3A_85 = arith.constant 0 : i32
      %dma_start3A_86 = tpu.memref_slice %arg3[%dma_start3A_84, %dma_start3A_85] : memref<10000x128xf32, #tpu.memory_space<hbm>> -> memref<10000x128xf32, #tpu.memory_space<hbm>>
      tpu.enqueue_indirect_dma source(%dma_start3A_86 : memref<10000x128xf32, #tpu.memory_space<hbm>>) target(%arg11 : memref<128x128xf32, #tpu.memory_space<vmem>>) offsets(%dma_start3A_83 : memref<128xi32, #tpu.memory_space<vmem>>) semaphore(%arg20 : memref<!tpu.dma_semaphore, #tpu.memory_space<semaphore_mem>>)
      %dma_start3A_87 = arith.constant 1 : i32
      %dma_start3A_88 = arith.constant 0 : i32
      %dma_start3A_89 = tpu.memref_slice %arg9[%dma_start3A_87, %dma_start3A_88] : memref<40x128xi32, #tpu.memory_space<vmem>> -> memref<1x128xi32, #tpu.memory_space<vmem>>
      %dma_start3A_90 = tpu.memref_squeeze %dma_start3A_89 : memref<1x128xi32, #tpu.memory_space<vmem>> -> memref<128xi32, #tpu.memory_space<vmem>>
      %dma_start3A_91 = arith.constant 0 : i32
      %dma_start3A_92 = tpu.memref_slice %arg4[%dma_start3A_91] : memref<10240xf32, #tpu.memory_space<hbm>> -> memref<10240xf32, #tpu.memory_space<hbm>>
      tpu.enqueue_indirect_dma source(%dma_start3A_92 : memref<10240xf32, #tpu.memory_space<hbm>>) target(%arg13 : memref<128xf32, #tpu.memory_space<vmem>>) offsets(%dma_start3A_90 : memref<128xi32, #tpu.memory_space<vmem>>) semaphore(%arg24 : memref<!tpu.dma_semaphore, #tpu.memory_space<semaphore_mem>>)
      %jit3A_93 = arith.constant 2 : i32
      %div3A = arith.divsi %min3A_66, %jit3A_93 : i32
      %sign3A = arith.constant 0 : i32
      %sign3A_94 = arith.cmpi sgt, %min3A_66, %sign3A : i32
      %sign3A_95 = arith.extui %sign3A_94 : i1 to i32
      %sign3A_96 = arith.constant 0 : i32
      %sign3A_97 = arith.cmpi slt, %min3A_66, %sign3A_96 : i32
      %sign3A_98 = arith.extui %sign3A_97 : i1 to i32
      %sign3A_99 = arith.subi %sign3A_95, %sign3A_98 : i32
      %sign3A_100 = arith.constant 0 : i32
      %sign3A_101 = arith.cmpi sgt, %jit3A_93, %sign3A_100 : i32
      %sign3A_102 = arith.extui %sign3A_101 : i1 to i32
      %sign3A_103 = arith.constant 0 : i32
      %sign3A_104 = arith.cmpi slt, %jit3A_93, %sign3A_103 : i32
      %sign3A_105 = arith.extui %sign3A_104 : i1 to i32
      %sign3A_106 = arith.subi %sign3A_102, %sign3A_105 : i32
      %ne3A = arith.cmpi ne, %sign3A_99, %sign3A_106 : i32
      %rem3A = arith.remsi %min3A_66, %jit3A_93 : i32
      %ne3A_107 = arith.constant 0 : i32
      %ne3A_108 = arith.cmpi ne, %rem3A, %ne3A_107 : i32
      %and3A = arith.andi %ne3A, %ne3A_108 : i1
      %sub3A_109 = arith.constant 1 : i32
      %sub3A_110 = arith.subi %div3A, %sub3A_109 : i32
      %select_n3A_111 = arith.select %and3A, %sub3A_110, %div3A : i32
      %while3A_112 = arith.constant 0 : i32
      %while3A_113 = arith.constant 0 : i32
      %while3A_114 = arith.subi %select_n3A_111, %while3A_113 : i32
      %while3A_115 = arith.addi %while3A_113, %while3A_114 : i32
      %while3A_116 = arith.constant 1 : i32
      %while3A_117 = arith.divsi %while3A_114, %while3A_116 : i32
      %while3A_118 = arith.muli %while3A_117, %while3A_116 : i32
      %while3A_119 = arith.addi %while3A_113, %while3A_118 : i32
      %while3A_120 = arith.constant 1 : i32
      scf.for %while3A_147 = %while3A_113 to %while3A_119 step %while3A_120  : i32 {
        %mul3A_148 = arith.constant 2 : i32
        %mul3A_149 = arith.muli %mul3A_148, %while3A_147 : i32
        %dma_wait3A_150 = arith.constant 0 : i32
        %dma_wait3A_151 = arith.constant 0 : i32
        %dma_wait3A_152 = tpu.memref_slice %arg8[%dma_wait3A_150, %dma_wait3A_151] : memref<40x128xi32, #tpu.memory_space<vmem>> -> memref<1x128xi32, #tpu.memory_space<vmem>>
        %dma_wait3A_153 = tpu.memref_squeeze %dma_wait3A_152 : memref<1x128xi32, #tpu.memory_space<vmem>> -> memref<128xi32, #tpu.memory_space<vmem>>
        %dma_wait3A_154 = arith.constant 0 : i32
        %dma_wait3A_155 = arith.constant 0 : i32
        %dma_wait3A_156 = tpu.memref_slice %arg3[%dma_wait3A_154, %dma_wait3A_155] : memref<10000x128xf32, #tpu.memory_space<hbm>> -> memref<10000x128xf32, #tpu.memory_space<hbm>>
        tpu.wait_indirect_dma semaphore(%arg19 : memref<!tpu.dma_semaphore, #tpu.memory_space<semaphore_mem>>) src(%dma_wait3A_156 : memref<10000x128xf32, #tpu.memory_space<hbm>>) dst(%arg10 : memref<128x128xf32, #tpu.memory_space<vmem>>)
        %dma_wait3A_157 = arith.constant 0 : i32
        %dma_wait3A_158 = arith.constant 0 : i32
        %dma_wait3A_159 = tpu.memref_slice %arg9[%dma_wait3A_157, %dma_wait3A_158] : memref<40x128xi32, #tpu.memory_space<vmem>> -> memref<1x128xi32, #tpu.memory_space<vmem>>
        %dma_wait3A_160 = tpu.memref_squeeze %dma_wait3A_159 : memref<1x128xi32, #tpu.memory_space<vmem>> -> memref<128xi32, #tpu.memory_space<vmem>>
        %dma_wait3A_161 = arith.constant 0 : i32
        %dma_wait3A_162 = tpu.memref_slice %arg4[%dma_wait3A_161] : memref<10240xf32, #tpu.memory_space<hbm>> -> memref<10240xf32, #tpu.memory_space<hbm>>
        tpu.wait_indirect_dma semaphore(%arg23 : memref<!tpu.dma_semaphore, #tpu.memory_space<semaphore_mem>>) src(%dma_wait3A_162 : memref<10240xf32, #tpu.memory_space<hbm>>) dst(%arg12 : memref<128xf32, #tpu.memory_space<vmem>>)
        %dma_start3A_163 = arith.constant 0 : i32
        %dma_start3A_164 = tpu.memref_slice %arg9[%mul3A_149, %dma_start3A_163] : memref<40x128xi32, #tpu.memory_space<vmem>> -> memref<1x128xi32, #tpu.memory_space<vmem>>
        %dma_start3A_165 = tpu.memref_squeeze %dma_start3A_164 : memref<1x128xi32, #tpu.memory_space<vmem>> -> memref<128xi32, #tpu.memory_space<vmem>>
        %dma_start3A_166 = arith.constant 0 : i32
        %dma_start3A_167 = arith.constant 0 : i32
        %dma_start3A_168 = tpu.memref_slice %arg16[%dma_start3A_166, %dma_start3A_167] : memref<10240x128xf32, #tpu.memory_space<vmem_shared>> -> memref<10240x128xf32, #tpu.memory_space<vmem_shared>>
        tpu.enqueue_indirect_dma source(%arg10 : memref<128x128xf32, #tpu.memory_space<vmem>>) target(%dma_start3A_168 : memref<10240x128xf32, #tpu.memory_space<vmem_shared>>) offsets(%dma_start3A_165 : memref<128xi32, #tpu.memory_space<vmem>>) semaphore(%arg21 : memref<!tpu.dma_semaphore, #tpu.memory_space<semaphore_mem>>) {add = true}
        %dma_start3A_169 = arith.constant 0 : i32
        %dma_start3A_170 = tpu.memref_slice %arg8[%mul3A_149, %dma_start3A_169] : memref<40x128xi32, #tpu.memory_space<vmem>> -> memref<1x128xi32, #tpu.memory_space<vmem>>
        %dma_start3A_171 = tpu.memref_squeeze %dma_start3A_170 : memref<1x128xi32, #tpu.memory_space<vmem>> -> memref<128xi32, #tpu.memory_space<vmem>>
        %dma_start3A_172 = arith.constant 0 : i32
        %dma_start3A_173 = tpu.memref_slice %arg18[%dma_start3A_172] : memref<10240xf32, #tpu.memory_space<vmem_shared>> -> memref<10240xf32, #tpu.memory_space<vmem_shared>>
        tpu.enqueue_indirect_dma source(%arg12 : memref<128xf32, #tpu.memory_space<vmem>>) target(%dma_start3A_173 : memref<10240xf32, #tpu.memory_space<vmem_shared>>) offsets(%dma_start3A_171 : memref<128xi32, #tpu.memory_space<vmem>>) semaphore(%arg25 : memref<!tpu.dma_semaphore, #tpu.memory_space<semaphore_mem>>) {add = true}
        %dma_start3A_174 = arith.constant 0 : i32
        %dma_start3A_175 = tpu.memref_slice %arg9[%mul3A_149, %dma_start3A_174] : memref<40x128xi32, #tpu.memory_space<vmem>> -> memref<1x128xi32, #tpu.memory_space<vmem>>
        %dma_start3A_176 = tpu.memref_squeeze %dma_start3A_175 : memref<1x128xi32, #tpu.memory_space<vmem>> -> memref<128xi32, #tpu.memory_space<vmem>>
        %dma_start3A_177 = arith.constant 0 : i32
        %dma_start3A_178 = tpu.memref_slice %arg17[%dma_start3A_177] : memref<10240xf32, #tpu.memory_space<vmem_shared>> -> memref<10240xf32, #tpu.memory_space<vmem_shared>>
        tpu.enqueue_indirect_dma source(%arg14 : memref<128xf32, #tpu.memory_space<vmem>>) target(%dma_start3A_178 : memref<10240xf32, #tpu.memory_space<vmem_shared>>) offsets(%dma_start3A_176 : memref<128xi32, #tpu.memory_space<vmem>>) semaphore(%arg27 : memref<!tpu.dma_semaphore, #tpu.memory_space<semaphore_mem>>) {add = true}
        %dma_wait3A_179 = arith.constant 0 : i32
        %dma_wait3A_180 = arith.constant 0 : i32
        %dma_wait3A_181 = tpu.memref_slice %arg8[%dma_wait3A_179, %dma_wait3A_180] : memref<40x128xi32, #tpu.memory_space<vmem>> -> memref<1x128xi32, #tpu.memory_space<vmem>>
        %dma_wait3A_182 = tpu.memref_squeeze %dma_wait3A_181 : memref<1x128xi32, #tpu.memory_space<vmem>> -> memref<128xi32, #tpu.memory_space<vmem>>
        %dma_wait3A_183 = arith.constant 0 : i32
        %dma_wait3A_184 = arith.constant 0 : i32
        %dma_wait3A_185 = tpu.memref_slice %arg3[%dma_wait3A_183, %dma_wait3A_184] : memref<10000x128xf32, #tpu.memory_space<hbm>> -> memref<10000x128xf32, #tpu.memory_space<hbm>>
        tpu.wait_indirect_dma semaphore(%arg20 : memref<!tpu.dma_semaphore, #tpu.memory_space<semaphore_mem>>) src(%dma_wait3A_185 : memref<10000x128xf32, #tpu.memory_space<hbm>>) dst(%arg11 : memref<128x128xf32, #tpu.memory_space<vmem>>)
        %dma_wait3A_186 = arith.constant 0 : i32
        %dma_wait3A_187 = arith.constant 0 : i32
        %dma_wait3A_188 = tpu.memref_slice %arg9[%dma_wait3A_186, %dma_wait3A_187] : memref<40x128xi32, #tpu.memory_space<vmem>> -> memref<1x128xi32, #tpu.memory_space<vmem>>
        %dma_wait3A_189 = tpu.memref_squeeze %dma_wait3A_188 : memref<1x128xi32, #tpu.memory_space<vmem>> -> memref<128xi32, #tpu.memory_space<vmem>>
        %dma_wait3A_190 = arith.constant 0 : i32
        %dma_wait3A_191 = tpu.memref_slice %arg4[%dma_wait3A_190] : memref<10240xf32, #tpu.memory_space<hbm>> -> memref<10240xf32, #tpu.memory_space<hbm>>
        tpu.wait_indirect_dma semaphore(%arg24 : memref<!tpu.dma_semaphore, #tpu.memory_space<semaphore_mem>>) src(%dma_wait3A_191 : memref<10240xf32, #tpu.memory_space<hbm>>) dst(%arg13 : memref<128xf32, #tpu.memory_space<vmem>>)
        %add3A_192 = arith.constant 1 : i32
        %add3A_193 = arith.addi %mul3A_149, %add3A_192 : i32
        %dma_start3A_194 = arith.constant 0 : i32
        %dma_start3A_195 = tpu.memref_slice %arg9[%add3A_193, %dma_start3A_194] : memref<40x128xi32, #tpu.memory_space<vmem>> -> memref<1x128xi32, #tpu.memory_space<vmem>>
        %dma_start3A_196 = tpu.memref_squeeze %dma_start3A_195 : memref<1x128xi32, #tpu.memory_space<vmem>> -> memref<128xi32, #tpu.memory_space<vmem>>
        %dma_start3A_197 = arith.constant 0 : i32
        %dma_start3A_198 = arith.constant 0 : i32
        %dma_start3A_199 = tpu.memref_slice %arg16[%dma_start3A_197, %dma_start3A_198] : memref<10240x128xf32, #tpu.memory_space<vmem_shared>> -> memref<10240x128xf32, #tpu.memory_space<vmem_shared>>
        tpu.enqueue_indirect_dma source(%arg11 : memref<128x128xf32, #tpu.memory_space<vmem>>) target(%dma_start3A_199 : memref<10240x128xf32, #tpu.memory_space<vmem_shared>>) offsets(%dma_start3A_196 : memref<128xi32, #tpu.memory_space<vmem>>) semaphore(%arg22 : memref<!tpu.dma_semaphore, #tpu.memory_space<semaphore_mem>>) {add = true}
        %add3A_200 = arith.constant 1 : i32
        %add3A_201 = arith.addi %mul3A_149, %add3A_200 : i32
        %dma_start3A_202 = arith.constant 0 : i32
        %dma_start3A_203 = tpu.memref_slice %arg8[%add3A_201, %dma_start3A_202] : memref<40x128xi32, #tpu.memory_space<vmem>> -> memref<1x128xi32, #tpu.memory_space<vmem>>
        %dma_start3A_204 = tpu.memref_squeeze %dma_start3A_203 : memref<1x128xi32, #tpu.memory_space<vmem>> -> memref<128xi32, #tpu.memory_space<vmem>>
        %dma_start3A_205 = arith.constant 0 : i32
        %dma_start3A_206 = tpu.memref_slice %arg18[%dma_start3A_205] : memref<10240xf32, #tpu.memory_space<vmem_shared>> -> memref<10240xf32, #tpu.memory_space<vmem_shared>>
        tpu.enqueue_indirect_dma source(%arg13 : memref<128xf32, #tpu.memory_space<vmem>>) target(%dma_start3A_206 : memref<10240xf32, #tpu.memory_space<vmem_shared>>) offsets(%dma_start3A_204 : memref<128xi32, #tpu.memory_space<vmem>>) semaphore(%arg26 : memref<!tpu.dma_semaphore, #tpu.memory_space<semaphore_mem>>) {add = true}
        %add3A_207 = arith.constant 1 : i32
        %add3A_208 = arith.addi %mul3A_149, %add3A_207 : i32
        %dma_start3A_209 = arith.constant 0 : i32
        %dma_start3A_210 = tpu.memref_slice %arg9[%add3A_208, %dma_start3A_209] : memref<40x128xi32, #tpu.memory_space<vmem>> -> memref<1x128xi32, #tpu.memory_space<vmem>>
        %dma_start3A_211 = tpu.memref_squeeze %dma_start3A_210 : memref<1x128xi32, #tpu.memory_space<vmem>> -> memref<128xi32, #tpu.memory_space<vmem>>
        %dma_start3A_212 = arith.constant 0 : i32
        %dma_start3A_213 = tpu.memref_slice %arg17[%dma_start3A_212] : memref<10240xf32, #tpu.memory_space<vmem_shared>> -> memref<10240xf32, #tpu.memory_space<vmem_shared>>
        tpu.enqueue_indirect_dma source(%arg14 : memref<128xf32, #tpu.memory_space<vmem>>) target(%dma_start3A_213 : memref<10240xf32, #tpu.memory_space<vmem_shared>>) offsets(%dma_start3A_211 : memref<128xi32, #tpu.memory_space<vmem>>) semaphore(%arg27 : memref<!tpu.dma_semaphore, #tpu.memory_space<semaphore_mem>>) {add = true}
        %dma_wait3A_214 = arith.constant 0 : i32
        %dma_wait3A_215 = arith.constant 0 : i32
        %dma_wait3A_216 = tpu.memref_slice %arg9[%dma_wait3A_214, %dma_wait3A_215] : memref<40x128xi32, #tpu.memory_space<vmem>> -> memref<1x128xi32, #tpu.memory_space<vmem>>
        %dma_wait3A_217 = tpu.memref_squeeze %dma_wait3A_216 : memref<1x128xi32, #tpu.memory_space<vmem>> -> memref<128xi32, #tpu.memory_space<vmem>>
        %dma_wait3A_218 = arith.constant 0 : i32
        %dma_wait3A_219 = arith.constant 0 : i32
        %dma_wait3A_220 = tpu.memref_slice %arg16[%dma_wait3A_218, %dma_wait3A_219] : memref<10240x128xf32, #tpu.memory_space<vmem_shared>> -> memref<10240x128xf32, #tpu.memory_space<vmem_shared>>
        tpu.wait_indirect_dma semaphore(%arg21 : memref<!tpu.dma_semaphore, #tpu.memory_space<semaphore_mem>>) src(%arg10 : memref<128x128xf32, #tpu.memory_space<vmem>>) dst(%dma_wait3A_220 : memref<10240x128xf32, #tpu.memory_space<vmem_shared>>)
        %dma_wait3A_221 = arith.constant 0 : i32
        %dma_wait3A_222 = arith.constant 0 : i32
        %dma_wait3A_223 = tpu.memref_slice %arg8[%dma_wait3A_221, %dma_wait3A_222] : memref<40x128xi32, #tpu.memory_space<vmem>> -> memref<1x128xi32, #tpu.memory_space<vmem>>
        %dma_wait3A_224 = tpu.memref_squeeze %dma_wait3A_223 : memref<1x128xi32, #tpu.memory_space<vmem>> -> memref<128xi32, #tpu.memory_space<vmem>>
        %dma_wait3A_225 = arith.constant 0 : i32
        %dma_wait3A_226 = tpu.memref_slice %arg18[%dma_wait3A_225] : memref<10240xf32, #tpu.memory_space<vmem_shared>> -> memref<10240xf32, #tpu.memory_space<vmem_shared>>
        tpu.wait_indirect_dma semaphore(%arg25 : memref<!tpu.dma_semaphore, #tpu.memory_space<semaphore_mem>>) src(%arg12 : memref<128xf32, #tpu.memory_space<vmem>>) dst(%dma_wait3A_226 : memref<10240xf32, #tpu.memory_space<vmem_shared>>)
        %add3A_227 = arith.constant 2 : i32
        %add3A_228 = arith.addi %mul3A_149, %add3A_227 : i32
        %sub3A_229 = arith.constant 1 : i32
        %sub3A_230 = arith.subi %min3A_66, %sub3A_229 : i32
        %min3A_231 = arith.minsi %add3A_228, %sub3A_230 : i32
        %dma_start3A_232 = arith.constant 0 : i32
        %dma_start3A_233 = tpu.memref_slice %arg8[%min3A_231, %dma_start3A_232] : memref<40x128xi32, #tpu.memory_space<vmem>> -> memref<1x128xi32, #tpu.memory_space<vmem>>
        %dma_start3A_234 = tpu.memref_squeeze %dma_start3A_233 : memref<1x128xi32, #tpu.memory_space<vmem>> -> memref<128xi32, #tpu.memory_space<vmem>>
        %dma_start3A_235 = arith.constant 0 : i32
        %dma_start3A_236 = arith.constant 0 : i32
        %dma_start3A_237 = tpu.memref_slice %arg3[%dma_start3A_235, %dma_start3A_236] : memref<10000x128xf32, #tpu.memory_space<hbm>> -> memref<10000x128xf32, #tpu.memory_space<hbm>>
        tpu.enqueue_indirect_dma source(%dma_start3A_237 : memref<10000x128xf32, #tpu.memory_space<hbm>>) target(%arg10 : memref<128x128xf32, #tpu.memory_space<vmem>>) offsets(%dma_start3A_234 : memref<128xi32, #tpu.memory_space<vmem>>) semaphore(%arg19 : memref<!tpu.dma_semaphore, #tpu.memory_space<semaphore_mem>>)
        %dma_start3A_238 = arith.constant 0 : i32
        %dma_start3A_239 = tpu.memref_slice %arg9[%min3A_231, %dma_start3A_238] : memref<40x128xi32, #tpu.memory_space<vmem>> -> memref<1x128xi32, #tpu.memory_space<vmem>>
        %dma_start3A_240 = tpu.memref_squeeze %dma_start3A_239 : memref<1x128xi32, #tpu.memory_space<vmem>> -> memref<128xi32, #tpu.memory_space<vmem>>
        %dma_start3A_241 = arith.constant 0 : i32
        %dma_start3A_242 = tpu.memref_slice %arg4[%dma_start3A_241] : memref<10240xf32, #tpu.memory_space<hbm>> -> memref<10240xf32, #tpu.memory_space<hbm>>
        tpu.enqueue_indirect_dma source(%dma_start3A_242 : memref<10240xf32, #tpu.memory_space<hbm>>) target(%arg12 : memref<128xf32, #tpu.memory_space<vmem>>) offsets(%dma_start3A_240 : memref<128xi32, #tpu.memory_space<vmem>>) semaphore(%arg23 : memref<!tpu.dma_semaphore, #tpu.memory_space<semaphore_mem>>)
        %dma_wait3A_243 = arith.constant 0 : i32
        %dma_wait3A_244 = arith.constant 0 : i32
        %dma_wait3A_245 = tpu.memref_slice %arg9[%dma_wait3A_243, %dma_wait3A_244] : memref<40x128xi32, #tpu.memory_space<vmem>> -> memref<1x128xi32, #tpu.memory_space<vmem>>
        %dma_wait3A_246 = tpu.memref_squeeze %dma_wait3A_245 : memref<1x128xi32, #tpu.memory_space<vmem>> -> memref<128xi32, #tpu.memory_space<vmem>>
        %dma_wait3A_247 = arith.constant 0 : i32
        %dma_wait3A_248 = arith.constant 0 : i32
        %dma_wait3A_249 = tpu.memref_slice %arg16[%dma_wait3A_247, %dma_wait3A_248] : memref<10240x128xf32, #tpu.memory_space<vmem_shared>> -> memref<10240x128xf32, #tpu.memory_space<vmem_shared>>
        tpu.wait_indirect_dma semaphore(%arg22 : memref<!tpu.dma_semaphore, #tpu.memory_space<semaphore_mem>>) src(%arg11 : memref<128x128xf32, #tpu.memory_space<vmem>>) dst(%dma_wait3A_249 : memref<10240x128xf32, #tpu.memory_space<vmem_shared>>)
        %dma_wait3A_250 = arith.constant 0 : i32
        %dma_wait3A_251 = arith.constant 0 : i32
        %dma_wait3A_252 = tpu.memref_slice %arg8[%dma_wait3A_250, %dma_wait3A_251] : memref<40x128xi32, #tpu.memory_space<vmem>> -> memref<1x128xi32, #tpu.memory_space<vmem>>
        %dma_wait3A_253 = tpu.memref_squeeze %dma_wait3A_252 : memref<1x128xi32, #tpu.memory_space<vmem>> -> memref<128xi32, #tpu.memory_space<vmem>>
        %dma_wait3A_254 = arith.constant 0 : i32
        %dma_wait3A_255 = tpu.memref_slice %arg18[%dma_wait3A_254] : memref<10240xf32, #tpu.memory_space<vmem_shared>> -> memref<10240xf32, #tpu.memory_space<vmem_shared>>
        tpu.wait_indirect_dma semaphore(%arg26 : memref<!tpu.dma_semaphore, #tpu.memory_space<semaphore_mem>>) src(%arg13 : memref<128xf32, #tpu.memory_space<vmem>>) dst(%dma_wait3A_255 : memref<10240xf32, #tpu.memory_space<vmem_shared>>)
        %add3A_256 = arith.constant 3 : i32
        %add3A_257 = arith.addi %mul3A_149, %add3A_256 : i32
        %sub3A_258 = arith.constant 1 : i32
        %sub3A_259 = arith.subi %min3A_66, %sub3A_258 : i32
        %min3A_260 = arith.minsi %add3A_257, %sub3A_259 : i32
        %dma_start3A_261 = arith.constant 0 : i32
        %dma_start3A_262 = tpu.memref_slice %arg8[%min3A_260, %dma_start3A_261] : memref<40x128xi32, #tpu.memory_space<vmem>> -> memref<1x128xi32, #tpu.memory_space<vmem>>
        %dma_start3A_263 = tpu.memref_squeeze %dma_start3A_262 : memref<1x128xi32, #tpu.memory_space<vmem>> -> memref<128xi32, #tpu.memory_space<vmem>>
        %dma_start3A_264 = arith.constant 0 : i32
        %dma_start3A_265 = arith.constant 0 : i32
        %dma_start3A_266 = tpu.memref_slice %arg3[%dma_start3A_264, %dma_start3A_265] : memref<10000x128xf32, #tpu.memory_space<hbm>> -> memref<10000x128xf32, #tpu.memory_space<hbm>>
        tpu.enqueue_indirect_dma source(%dma_start3A_266 : memref<10000x128xf32, #tpu.memory_space<hbm>>) target(%arg11 : memref<128x128xf32, #tpu.memory_space<vmem>>) offsets(%dma_start3A_263 : memref<128xi32, #tpu.memory_space<vmem>>) semaphore(%arg20 : memref<!tpu.dma_semaphore, #tpu.memory_space<semaphore_mem>>)
        %dma_start3A_267 = arith.constant 0 : i32
        %dma_start3A_268 = tpu.memref_slice %arg9[%min3A_260, %dma_start3A_267] : memref<40x128xi32, #tpu.memory_space<vmem>> -> memref<1x128xi32, #tpu.memory_space<vmem>>
        %dma_start3A_269 = tpu.memref_squeeze %dma_start3A_268 : memref<1x128xi32, #tpu.memory_space<vmem>> -> memref<128xi32, #tpu.memory_space<vmem>>
        %dma_start3A_270 = arith.constant 0 : i32
        %dma_start3A_271 = tpu.memref_slice %arg4[%dma_start3A_270] : memref<10240xf32, #tpu.memory_space<hbm>> -> memref<10240xf32, #tpu.memory_space<hbm>>
        tpu.enqueue_indirect_dma source(%dma_start3A_271 : memref<10240xf32, #tpu.memory_space<hbm>>) target(%arg13 : memref<128xf32, #tpu.memory_space<vmem>>) offsets(%dma_start3A_269 : memref<128xi32, #tpu.memory_space<vmem>>) semaphore(%arg24 : memref<!tpu.dma_semaphore, #tpu.memory_space<semaphore_mem>>)
        %dma_wait3A_272 = arith.constant 0 : i32
        %dma_wait3A_273 = arith.constant 0 : i32
        %dma_wait3A_274 = tpu.memref_slice %arg9[%dma_wait3A_272, %dma_wait3A_273] : memref<40x128xi32, #tpu.memory_space<vmem>> -> memref<1x128xi32, #tpu.memory_space<vmem>>
        %dma_wait3A_275 = tpu.memref_squeeze %dma_wait3A_274 : memref<1x128xi32, #tpu.memory_space<vmem>> -> memref<128xi32, #tpu.memory_space<vmem>>
        %dma_wait3A_276 = arith.constant 0 : i32
        %dma_wait3A_277 = tpu.memref_slice %arg17[%dma_wait3A_276] : memref<10240xf32, #tpu.memory_space<vmem_shared>> -> memref<10240xf32, #tpu.memory_space<vmem_shared>>
        tpu.wait_indirect_dma semaphore(%arg27 : memref<!tpu.dma_semaphore, #tpu.memory_space<semaphore_mem>>) src(%arg14 : memref<128xf32, #tpu.memory_space<vmem>>) dst(%dma_wait3A_277 : memref<10240xf32, #tpu.memory_space<vmem_shared>>)
        %dma_wait3A_278 = arith.constant 0 : i32
        %dma_wait3A_279 = arith.constant 0 : i32
        %dma_wait3A_280 = tpu.memref_slice %arg9[%dma_wait3A_278, %dma_wait3A_279] : memref<40x128xi32, #tpu.memory_space<vmem>> -> memref<1x128xi32, #tpu.memory_space<vmem>>
        %dma_wait3A_281 = tpu.memref_squeeze %dma_wait3A_280 : memref<1x128xi32, #tpu.memory_space<vmem>> -> memref<128xi32, #tpu.memory_space<vmem>>
        %dma_wait3A_282 = arith.constant 0 : i32
        %dma_wait3A_283 = tpu.memref_slice %arg17[%dma_wait3A_282] : memref<10240xf32, #tpu.memory_space<vmem_shared>> -> memref<10240xf32, #tpu.memory_space<vmem_shared>>
        tpu.wait_indirect_dma semaphore(%arg27 : memref<!tpu.dma_semaphore, #tpu.memory_space<semaphore_mem>>) src(%arg14 : memref<128xf32, #tpu.memory_space<vmem>>) dst(%dma_wait3A_283 : memref<10240xf32, #tpu.memory_space<vmem_shared>>)
      }
      %while3A_121 = arith.constant 1 : i32
      scf.for %while3A_147 = %while3A_119 to %while3A_115 step %while3A_121  : i32 {
        %mul3A_148 = arith.constant 2 : i32
        %mul3A_149 = arith.muli %mul3A_148, %while3A_147 : i32
        %dma_wait3A_150 = arith.constant 0 : i32
        %dma_wait3A_151 = arith.constant 0 : i32
        %dma_wait3A_152 = tpu.memref_slice %arg8[%dma_wait3A_150, %dma_wait3A_151] : memref<40x128xi32, #tpu.memory_space<vmem>> -> memref<1x128xi32, #tpu.memory_space<vmem>>
        %dma_wait3A_153 = tpu.memref_squeeze %dma_wait3A_152 : memref<1x128xi32, #tpu.memory_space<vmem>> -> memref<128xi32, #tpu.memory_space<vmem>>
        %dma_wait3A_154 = arith.constant 0 : i32
        %dma_wait3A_155 = arith.constant 0 : i32
        %dma_wait3A_156 = tpu.memref_slice %arg3[%dma_wait3A_154, %dma_wait3A_155] : memref<10000x128xf32, #tpu.memory_space<hbm>> -> memref<10000x128xf32, #tpu.memory_space<hbm>>
        tpu.wait_indirect_dma semaphore(%arg19 : memref<!tpu.dma_semaphore, #tpu.memory_space<semaphore_mem>>) src(%dma_wait3A_156 : memref<10000x128xf32, #tpu.memory_space<hbm>>) dst(%arg10 : memref<128x128xf32, #tpu.memory_space<vmem>>)
        %dma_wait3A_157 = arith.constant 0 : i32
        %dma_wait3A_158 = arith.constant 0 : i32
        %dma_wait3A_159 = tpu.memref_slice %arg9[%dma_wait3A_157, %dma_wait3A_158] : memref<40x128xi32, #tpu.memory_space<vmem>> -> memref<1x128xi32, #tpu.memory_space<vmem>>
        %dma_wait3A_160 = tpu.memref_squeeze %dma_wait3A_159 : memref<1x128xi32, #tpu.memory_space<vmem>> -> memref<128xi32, #tpu.memory_space<vmem>>
        %dma_wait3A_161 = arith.constant 0 : i32
        %dma_wait3A_162 = tpu.memref_slice %arg4[%dma_wait3A_161] : memref<10240xf32, #tpu.memory_space<hbm>> -> memref<10240xf32, #tpu.memory_space<hbm>>
        tpu.wait_indirect_dma semaphore(%arg23 : memref<!tpu.dma_semaphore, #tpu.memory_space<semaphore_mem>>) src(%dma_wait3A_162 : memref<10240xf32, #tpu.memory_space<hbm>>) dst(%arg12 : memref<128xf32, #tpu.memory_space<vmem>>)
        %dma_start3A_163 = arith.constant 0 : i32
        %dma_start3A_164 = tpu.memref_slice %arg9[%mul3A_149, %dma_start3A_163] : memref<40x128xi32, #tpu.memory_space<vmem>> -> memref<1x128xi32, #tpu.memory_space<vmem>>
        %dma_start3A_165 = tpu.memref_squeeze %dma_start3A_164 : memref<1x128xi32, #tpu.memory_space<vmem>> -> memref<128xi32, #tpu.memory_space<vmem>>
        %dma_start3A_166 = arith.constant 0 : i32
        %dma_start3A_167 = arith.constant 0 : i32
        %dma_start3A_168 = tpu.memref_slice %arg16[%dma_start3A_166, %dma_start3A_167] : memref<10240x128xf32, #tpu.memory_space<vmem_shared>> -> memref<10240x128xf32, #tpu.memory_space<vmem_shared>>
        tpu.enqueue_indirect_dma source(%arg10 : memref<128x128xf32, #tpu.memory_space<vmem>>) target(%dma_start3A_168 : memref<10240x128xf32, #tpu.memory_space<vmem_shared>>) offsets(%dma_start3A_165 : memref<128xi32, #tpu.memory_space<vmem>>) semaphore(%arg21 : memref<!tpu.dma_semaphore, #tpu.memory_space<semaphore_mem>>) {add = true}
        %dma_start3A_169 = arith.constant 0 : i32
        %dma_start3A_170 = tpu.memref_slice %arg8[%mul3A_149, %dma_start3A_169] : memref<40x128xi32, #tpu.memory_space<vmem>> -> memref<1x128xi32, #tpu.memory_space<vmem>>
        %dma_start3A_171 = tpu.memref_squeeze %dma_start3A_170 : memref<1x128xi32, #tpu.memory_space<vmem>> -> memref<128xi32, #tpu.memory_space<vmem>>
        %dma_start3A_172 = arith.constant 0 : i32
        %dma_start3A_173 = tpu.memref_slice %arg18[%dma_start3A_172] : memref<10240xf32, #tpu.memory_space<vmem_shared>> -> memref<10240xf32, #tpu.memory_space<vmem_shared>>
        tpu.enqueue_indirect_dma source(%arg12 : memref<128xf32, #tpu.memory_space<vmem>>) target(%dma_start3A_173 : memref<10240xf32, #tpu.memory_space<vmem_shared>>) offsets(%dma_start3A_171 : memref<128xi32, #tpu.memory_space<vmem>>) semaphore(%arg25 : memref<!tpu.dma_semaphore, #tpu.memory_space<semaphore_mem>>) {add = true}
        %dma_start3A_174 = arith.constant 0 : i32
        %dma_start3A_175 = tpu.memref_slice %arg9[%mul3A_149, %dma_start3A_174] : memref<40x128xi32, #tpu.memory_space<vmem>> -> memref<1x128xi32, #tpu.memory_space<vmem>>
        %dma_start3A_176 = tpu.memref_squeeze %dma_start3A_175 : memref<1x128xi32, #tpu.memory_space<vmem>> -> memref<128xi32, #tpu.memory_space<vmem>>
        %dma_start3A_177 = arith.constant 0 : i32
        %dma_start3A_178 = tpu.memref_slice %arg17[%dma_start3A_177] : memref<10240xf32, #tpu.memory_space<vmem_shared>> -> memref<10240xf32, #tpu.memory_space<vmem_shared>>
        tpu.enqueue_indirect_dma source(%arg14 : memref<128xf32, #tpu.memory_space<vmem>>) target(%dma_start3A_178 : memref<10240xf32, #tpu.memory_space<vmem_shared>>) offsets(%dma_start3A_176 : memref<128xi32, #tpu.memory_space<vmem>>) semaphore(%arg27 : memref<!tpu.dma_semaphore, #tpu.memory_space<semaphore_mem>>) {add = true}
        %dma_wait3A_179 = arith.constant 0 : i32
        %dma_wait3A_180 = arith.constant 0 : i32
        %dma_wait3A_181 = tpu.memref_slice %arg8[%dma_wait3A_179, %dma_wait3A_180] : memref<40x128xi32, #tpu.memory_space<vmem>> -> memref<1x128xi32, #tpu.memory_space<vmem>>
        %dma_wait3A_182 = tpu.memref_squeeze %dma_wait3A_181 : memref<1x128xi32, #tpu.memory_space<vmem>> -> memref<128xi32, #tpu.memory_space<vmem>>
        %dma_wait3A_183 = arith.constant 0 : i32
        %dma_wait3A_184 = arith.constant 0 : i32
        %dma_wait3A_185 = tpu.memref_slice %arg3[%dma_wait3A_183, %dma_wait3A_184] : memref<10000x128xf32, #tpu.memory_space<hbm>> -> memref<10000x128xf32, #tpu.memory_space<hbm>>
        tpu.wait_indirect_dma semaphore(%arg20 : memref<!tpu.dma_semaphore, #tpu.memory_space<semaphore_mem>>) src(%dma_wait3A_185 : memref<10000x128xf32, #tpu.memory_space<hbm>>) dst(%arg11 : memref<128x128xf32, #tpu.memory_space<vmem>>)
        %dma_wait3A_186 = arith.constant 0 : i32
        %dma_wait3A_187 = arith.constant 0 : i32
        %dma_wait3A_188 = tpu.memref_slice %arg9[%dma_wait3A_186, %dma_wait3A_187] : memref<40x128xi32, #tpu.memory_space<vmem>> -> memref<1x128xi32, #tpu.memory_space<vmem>>
        %dma_wait3A_189 = tpu.memref_squeeze %dma_wait3A_188 : memref<1x128xi32, #tpu.memory_space<vmem>> -> memref<128xi32, #tpu.memory_space<vmem>>
        %dma_wait3A_190 = arith.constant 0 : i32
        %dma_wait3A_191 = tpu.memref_slice %arg4[%dma_wait3A_190] : memref<10240xf32, #tpu.memory_space<hbm>> -> memref<10240xf32, #tpu.memory_space<hbm>>
        tpu.wait_indirect_dma semaphore(%arg24 : memref<!tpu.dma_semaphore, #tpu.memory_space<semaphore_mem>>) src(%dma_wait3A_191 : memref<10240xf32, #tpu.memory_space<hbm>>) dst(%arg13 : memref<128xf32, #tpu.memory_space<vmem>>)
        %add3A_192 = arith.constant 1 : i32
        %add3A_193 = arith.addi %mul3A_149, %add3A_192 : i32
        %dma_start3A_194 = arith.constant 0 : i32
        %dma_start3A_195 = tpu.memref_slice %arg9[%add3A_193, %dma_start3A_194] : memref<40x128xi32, #tpu.memory_space<vmem>> -> memref<1x128xi32, #tpu.memory_space<vmem>>
        %dma_start3A_196 = tpu.memref_squeeze %dma_start3A_195 : memref<1x128xi32, #tpu.memory_space<vmem>> -> memref<128xi32, #tpu.memory_space<vmem>>
        %dma_start3A_197 = arith.constant 0 : i32
        %dma_start3A_198 = arith.constant 0 : i32
        %dma_start3A_199 = tpu.memref_slice %arg16[%dma_start3A_197, %dma_start3A_198] : memref<10240x128xf32, #tpu.memory_space<vmem_shared>> -> memref<10240x128xf32, #tpu.memory_space<vmem_shared>>
        tpu.enqueue_indirect_dma source(%arg11 : memref<128x128xf32, #tpu.memory_space<vmem>>) target(%dma_start3A_199 : memref<10240x128xf32, #tpu.memory_space<vmem_shared>>) offsets(%dma_start3A_196 : memref<128xi32, #tpu.memory_space<vmem>>) semaphore(%arg22 : memref<!tpu.dma_semaphore, #tpu.memory_space<semaphore_mem>>) {add = true}
        %add3A_200 = arith.constant 1 : i32
        %add3A_201 = arith.addi %mul3A_149, %add3A_200 : i32
        %dma_start3A_202 = arith.constant 0 : i32
        %dma_start3A_203 = tpu.memref_slice %arg8[%add3A_201, %dma_start3A_202] : memref<40x128xi32, #tpu.memory_space<vmem>> -> memref<1x128xi32, #tpu.memory_space<vmem>>
        %dma_start3A_204 = tpu.memref_squeeze %dma_start3A_203 : memref<1x128xi32, #tpu.memory_space<vmem>> -> memref<128xi32, #tpu.memory_space<vmem>>
        %dma_start3A_205 = arith.constant 0 : i32
        %dma_start3A_206 = tpu.memref_slice %arg18[%dma_start3A_205] : memref<10240xf32, #tpu.memory_space<vmem_shared>> -> memref<10240xf32, #tpu.memory_space<vmem_shared>>
        tpu.enqueue_indirect_dma source(%arg13 : memref<128xf32, #tpu.memory_space<vmem>>) target(%dma_start3A_206 : memref<10240xf32, #tpu.memory_space<vmem_shared>>) offsets(%dma_start3A_204 : memref<128xi32, #tpu.memory_space<vmem>>) semaphore(%arg26 : memref<!tpu.dma_semaphore, #tpu.memory_space<semaphore_mem>>) {add = true}
        %add3A_207 = arith.constant 1 : i32
        %add3A_208 = arith.addi %mul3A_149, %add3A_207 : i32
        %dma_start3A_209 = arith.constant 0 : i32
        %dma_start3A_210 = tpu.memref_slice %arg9[%add3A_208, %dma_start3A_209] : memref<40x128xi32, #tpu.memory_space<vmem>> -> memref<1x128xi32, #tpu.memory_space<vmem>>
        %dma_start3A_211 = tpu.memref_squeeze %dma_start3A_210 : memref<1x128xi32, #tpu.memory_space<vmem>> -> memref<128xi32, #tpu.memory_space<vmem>>
        %dma_start3A_212 = arith.constant 0 : i32
        %dma_start3A_213 = tpu.memref_slice %arg17[%dma_start3A_212] : memref<10240xf32, #tpu.memory_space<vmem_shared>> -> memref<10240xf32, #tpu.memory_space<vmem_shared>>
        tpu.enqueue_indirect_dma source(%arg14 : memref<128xf32, #tpu.memory_space<vmem>>) target(%dma_start3A_213 : memref<10240xf32, #tpu.memory_space<vmem_shared>>) offsets(%dma_start3A_211 : memref<128xi32, #tpu.memory_space<vmem>>) semaphore(%arg27 : memref<!tpu.dma_semaphore, #tpu.memory_space<semaphore_mem>>) {add = true}
        %dma_wait3A_214 = arith.constant 0 : i32
        %dma_wait3A_215 = arith.constant 0 : i32
        %dma_wait3A_216 = tpu.memref_slice %arg9[%dma_wait3A_214, %dma_wait3A_215] : memref<40x128xi32, #tpu.memory_space<vmem>> -> memref<1x128xi32, #tpu.memory_space<vmem>>
        %dma_wait3A_217 = tpu.memref_squeeze %dma_wait3A_216 : memref<1x128xi32, #tpu.memory_space<vmem>> -> memref<128xi32, #tpu.memory_space<vmem>>
        %dma_wait3A_218 = arith.constant 0 : i32
        %dma_wait3A_219 = arith.constant 0 : i32
        %dma_wait3A_220 = tpu.memref_slice %arg16[%dma_wait3A_218, %dma_wait3A_219] : memref<10240x128xf32, #tpu.memory_space<vmem_shared>> -> memref<10240x128xf32, #tpu.memory_space<vmem_shared>>
        tpu.wait_indirect_dma semaphore(%arg21 : memref<!tpu.dma_semaphore, #tpu.memory_space<semaphore_mem>>) src(%arg10 : memref<128x128xf32, #tpu.memory_space<vmem>>) dst(%dma_wait3A_220 : memref<10240x128xf32, #tpu.memory_space<vmem_shared>>)
        %dma_wait3A_221 = arith.constant 0 : i32
        %dma_wait3A_222 = arith.constant 0 : i32
        %dma_wait3A_223 = tpu.memref_slice %arg8[%dma_wait3A_221, %dma_wait3A_222] : memref<40x128xi32, #tpu.memory_space<vmem>> -> memref<1x128xi32, #tpu.memory_space<vmem>>
        %dma_wait3A_224 = tpu.memref_squeeze %dma_wait3A_223 : memref<1x128xi32, #tpu.memory_space<vmem>> -> memref<128xi32, #tpu.memory_space<vmem>>
        %dma_wait3A_225 = arith.constant 0 : i32
        %dma_wait3A_226 = tpu.memref_slice %arg18[%dma_wait3A_225] : memref<10240xf32, #tpu.memory_space<vmem_shared>> -> memref<10240xf32, #tpu.memory_space<vmem_shared>>
        tpu.wait_indirect_dma semaphore(%arg25 : memref<!tpu.dma_semaphore, #tpu.memory_space<semaphore_mem>>) src(%arg12 : memref<128xf32, #tpu.memory_space<vmem>>) dst(%dma_wait3A_226 : memref<10240xf32, #tpu.memory_space<vmem_shared>>)
        %add3A_227 = arith.constant 2 : i32
        %add3A_228 = arith.addi %mul3A_149, %add3A_227 : i32
        %sub3A_229 = arith.constant 1 : i32
        %sub3A_230 = arith.subi %min3A_66, %sub3A_229 : i32
        %min3A_231 = arith.minsi %add3A_228, %sub3A_230 : i32
        %dma_start3A_232 = arith.constant 0 : i32
        %dma_start3A_233 = tpu.memref_slice %arg8[%min3A_231, %dma_start3A_232] : memref<40x128xi32, #tpu.memory_space<vmem>> -> memref<1x128xi32, #tpu.memory_space<vmem>>
        %dma_start3A_234 = tpu.memref_squeeze %dma_start3A_233 : memref<1x128xi32, #tpu.memory_space<vmem>> -> memref<128xi32, #tpu.memory_space<vmem>>
        %dma_start3A_235 = arith.constant 0 : i32
        %dma_start3A_236 = arith.constant 0 : i32
        %dma_start3A_237 = tpu.memref_slice %arg3[%dma_start3A_235, %dma_start3A_236] : memref<10000x128xf32, #tpu.memory_space<hbm>> -> memref<10000x128xf32, #tpu.memory_space<hbm>>
        tpu.enqueue_indirect_dma source(%dma_start3A_237 : memref<10000x128xf32, #tpu.memory_space<hbm>>) target(%arg10 : memref<128x128xf32, #tpu.memory_space<vmem>>) offsets(%dma_start3A_234 : memref<128xi32, #tpu.memory_space<vmem>>) semaphore(%arg19 : memref<!tpu.dma_semaphore, #tpu.memory_space<semaphore_mem>>)
        %dma_start3A_238 = arith.constant 0 : i32
        %dma_start3A_239 = tpu.memref_slice %arg9[%min3A_231, %dma_start3A_238] : memref<40x128xi32, #tpu.memory_space<vmem>> -> memref<1x128xi32, #tpu.memory_space<vmem>>
        %dma_start3A_240 = tpu.memref_squeeze %dma_start3A_239 : memref<1x128xi32, #tpu.memory_space<vmem>> -> memref<128xi32, #tpu.memory_space<vmem>>
        %dma_start3A_241 = arith.constant 0 : i32
        %dma_start3A_242 = tpu.memref_slice %arg4[%dma_start3A_241] : memref<10240xf32, #tpu.memory_space<hbm>> -> memref<10240xf32, #tpu.memory_space<hbm>>
        tpu.enqueue_indirect_dma source(%dma_start3A_242 : memref<10240xf32, #tpu.memory_space<hbm>>) target(%arg12 : memref<128xf32, #tpu.memory_space<vmem>>) offsets(%dma_start3A_240 : memref<128xi32, #tpu.memory_space<vmem>>) semaphore(%arg23 : memref<!tpu.dma_semaphore, #tpu.memory_space<semaphore_mem>>)
        %dma_wait3A_243 = arith.constant 0 : i32
        %dma_wait3A_244 = arith.constant 0 : i32
        %dma_wait3A_245 = tpu.memref_slice %arg9[%dma_wait3A_243, %dma_wait3A_244] : memref<40x128xi32, #tpu.memory_space<vmem>> -> memref<1x128xi32, #tpu.memory_space<vmem>>
        %dma_wait3A_246 = tpu.memref_squeeze %dma_wait3A_245 : memref<1x128xi32, #tpu.memory_space<vmem>> -> memref<128xi32, #tpu.memory_space<vmem>>
        %dma_wait3A_247 = arith.constant 0 : i32
        %dma_wait3A_248 = arith.constant 0 : i32
        %dma_wait3A_249 = tpu.memref_slice %arg16[%dma_wait3A_247, %dma_wait3A_248] : memref<10240x128xf32, #tpu.memory_space<vmem_shared>> -> memref<10240x128xf32, #tpu.memory_space<vmem_shared>>
        tpu.wait_indirect_dma semaphore(%arg22 : memref<!tpu.dma_semaphore, #tpu.memory_space<semaphore_mem>>) src(%arg11 : memref<128x128xf32, #tpu.memory_space<vmem>>) dst(%dma_wait3A_249 : memref<10240x128xf32, #tpu.memory_space<vmem_shared>>)
        %dma_wait3A_250 = arith.constant 0 : i32
        %dma_wait3A_251 = arith.constant 0 : i32
        %dma_wait3A_252 = tpu.memref_slice %arg8[%dma_wait3A_250, %dma_wait3A_251] : memref<40x128xi32, #tpu.memory_space<vmem>> -> memref<1x128xi32, #tpu.memory_space<vmem>>
        %dma_wait3A_253 = tpu.memref_squeeze %dma_wait3A_252 : memref<1x128xi32, #tpu.memory_space<vmem>> -> memref<128xi32, #tpu.memory_space<vmem>>
        %dma_wait3A_254 = arith.constant 0 : i32
        %dma_wait3A_255 = tpu.memref_slice %arg18[%dma_wait3A_254] : memref<10240xf32, #tpu.memory_space<vmem_shared>> -> memref<10240xf32, #tpu.memory_space<vmem_shared>>
        tpu.wait_indirect_dma semaphore(%arg26 : memref<!tpu.dma_semaphore, #tpu.memory_space<semaphore_mem>>) src(%arg13 : memref<128xf32, #tpu.memory_space<vmem>>) dst(%dma_wait3A_255 : memref<10240xf32, #tpu.memory_space<vmem_shared>>)
        %add3A_256 = arith.constant 3 : i32
        %add3A_257 = arith.addi %mul3A_149, %add3A_256 : i32
        %sub3A_258 = arith.constant 1 : i32
        %sub3A_259 = arith.subi %min3A_66, %sub3A_258 : i32
        %min3A_260 = arith.minsi %add3A_257, %sub3A_259 : i32
        %dma_start3A_261 = arith.constant 0 : i32
        %dma_start3A_262 = tpu.memref_slice %arg8[%min3A_260, %dma_start3A_261] : memref<40x128xi32, #tpu.memory_space<vmem>> -> memref<1x128xi32, #tpu.memory_space<vmem>>
        %dma_start3A_263 = tpu.memref_squeeze %dma_start3A_262 : memref<1x128xi32, #tpu.memory_space<vmem>> -> memref<128xi32, #tpu.memory_space<vmem>>
        %dma_start3A_264 = arith.constant 0 : i32
        %dma_start3A_265 = arith.constant 0 : i32
        %dma_start3A_266 = tpu.memref_slice %arg3[%dma_start3A_264, %dma_start3A_265] : memref<10000x128xf32, #tpu.memory_space<hbm>> -> memref<10000x128xf32, #tpu.memory_space<hbm>>
        tpu.enqueue_indirect_dma source(%dma_start3A_266 : memref<10000x128xf32, #tpu.memory_space<hbm>>) target(%arg11 : memref<128x128xf32, #tpu.memory_space<vmem>>) offsets(%dma_start3A_263 : memref<128xi32, #tpu.memory_space<vmem>>) semaphore(%arg20 : memref<!tpu.dma_semaphore, #tpu.memory_space<semaphore_mem>>)
        %dma_start3A_267 = arith.constant 0 : i32
        %dma_start3A_268 = tpu.memref_slice %arg9[%min3A_260, %dma_start3A_267] : memref<40x128xi32, #tpu.memory_space<vmem>> -> memref<1x128xi32, #tpu.memory_space<vmem>>
        %dma_start3A_269 = tpu.memref_squeeze %dma_start3A_268 : memref<1x128xi32, #tpu.memory_space<vmem>> -> memref<128xi32, #tpu.memory_space<vmem>>
        %dma_start3A_270 = arith.constant 0 : i32
        %dma_start3A_271 = tpu.memref_slice %arg4[%dma_start3A_270] : memref<10240xf32, #tpu.memory_space<hbm>> -> memref<10240xf32, #tpu.memory_space<hbm>>
        tpu.enqueue_indirect_dma source(%dma_start3A_271 : memref<10240xf32, #tpu.memory_space<hbm>>) target(%arg13 : memref<128xf32, #tpu.memory_space<vmem>>) offsets(%dma_start3A_269 : memref<128xi32, #tpu.memory_space<vmem>>) semaphore(%arg24 : memref<!tpu.dma_semaphore, #tpu.memory_space<semaphore_mem>>)
        %dma_wait3A_272 = arith.constant 0 : i32
        %dma_wait3A_273 = arith.constant 0 : i32
        %dma_wait3A_274 = tpu.memref_slice %arg9[%dma_wait3A_272, %dma_wait3A_273] : memref<40x128xi32, #tpu.memory_space<vmem>> -> memref<1x128xi32, #tpu.memory_space<vmem>>
        %dma_wait3A_275 = tpu.memref_squeeze %dma_wait3A_274 : memref<1x128xi32, #tpu.memory_space<vmem>> -> memref<128xi32, #tpu.memory_space<vmem>>
        %dma_wait3A_276 = arith.constant 0 : i32
        %dma_wait3A_277 = tpu.memref_slice %arg17[%dma_wait3A_276] : memref<10240xf32, #tpu.memory_space<vmem_shared>> -> memref<10240xf32, #tpu.memory_space<vmem_shared>>
        tpu.wait_indirect_dma semaphore(%arg27 : memref<!tpu.dma_semaphore, #tpu.memory_space<semaphore_mem>>) src(%arg14 : memref<128xf32, #tpu.memory_space<vmem>>) dst(%dma_wait3A_277 : memref<10240xf32, #tpu.memory_space<vmem_shared>>)
        %dma_wait3A_278 = arith.constant 0 : i32
        %dma_wait3A_279 = arith.constant 0 : i32
        %dma_wait3A_280 = tpu.memref_slice %arg9[%dma_wait3A_278, %dma_wait3A_279] : memref<40x128xi32, #tpu.memory_space<vmem>> -> memref<1x128xi32, #tpu.memory_space<vmem>>
        %dma_wait3A_281 = tpu.memref_squeeze %dma_wait3A_280 : memref<1x128xi32, #tpu.memory_space<vmem>> -> memref<128xi32, #tpu.memory_space<vmem>>
        %dma_wait3A_282 = arith.constant 0 : i32
        %dma_wait3A_283 = tpu.memref_slice %arg17[%dma_wait3A_282] : memref<10240xf32, #tpu.memory_space<vmem_shared>> -> memref<10240xf32, #tpu.memory_space<vmem_shared>>
        tpu.wait_indirect_dma semaphore(%arg27 : memref<!tpu.dma_semaphore, #tpu.memory_space<semaphore_mem>>) src(%arg14 : memref<128xf32, #tpu.memory_space<vmem>>) dst(%dma_wait3A_283 : memref<10240xf32, #tpu.memory_space<vmem_shared>>)
      }
      %dma_wait3A = arith.constant 0 : i32
      %dma_wait3A_122 = arith.constant 0 : i32
      %dma_wait3A_123 = tpu.memref_slice %arg8[%dma_wait3A, %dma_wait3A_122] : memref<40x128xi32, #tpu.memory_space<vmem>> -> memref<1x128xi32, #tpu.memory_space<vmem>>
      %dma_wait3A_124 = tpu.memref_squeeze %dma_wait3A_123 : memref<1x128xi32, #tpu.memory_space<vmem>> -> memref<128xi32, #tpu.memory_space<vmem>>
      %dma_wait3A_125 = arith.constant 0 : i32
      %dma_wait3A_126 = arith.constant 0 : i32
      %dma_wait3A_127 = tpu.memref_slice %arg3[%dma_wait3A_125, %dma_wait3A_126] : memref<10000x128xf32, #tpu.memory_space<hbm>> -> memref<10000x128xf32, #tpu.memory_space<hbm>>
      tpu.wait_indirect_dma semaphore(%arg19 : memref<!tpu.dma_semaphore, #tpu.memory_space<semaphore_mem>>) src(%dma_wait3A_127 : memref<10000x128xf32, #tpu.memory_space<hbm>>) dst(%arg10 : memref<128x128xf32, #tpu.memory_space<vmem>>)
      %dma_wait3A_128 = arith.constant 0 : i32
      %dma_wait3A_129 = arith.constant 0 : i32
      %dma_wait3A_130 = tpu.memref_slice %arg9[%dma_wait3A_128, %dma_wait3A_129] : memref<40x128xi32, #tpu.memory_space<vmem>> -> memref<1x128xi32, #tpu.memory_space<vmem>>
      %dma_wait3A_131 = tpu.memref_squeeze %dma_wait3A_130 : memref<1x128xi32, #tpu.memory_space<vmem>> -> memref<128xi32, #tpu.memory_space<vmem>>
      %dma_wait3A_132 = arith.constant 0 : i32
      %dma_wait3A_133 = tpu.memref_slice %arg4[%dma_wait3A_132] : memref<10240xf32, #tpu.memory_space<hbm>> -> memref<10240xf32, #tpu.memory_space<hbm>>
      tpu.wait_indirect_dma semaphore(%arg23 : memref<!tpu.dma_semaphore, #tpu.memory_space<semaphore_mem>>) src(%dma_wait3A_133 : memref<10240xf32, #tpu.memory_space<hbm>>) dst(%arg12 : memref<128xf32, #tpu.memory_space<vmem>>)
      %dma_wait3A_134 = arith.constant 0 : i32
      %dma_wait3A_135 = arith.constant 0 : i32
      %dma_wait3A_136 = tpu.memref_slice %arg8[%dma_wait3A_134, %dma_wait3A_135] : memref<40x128xi32, #tpu.memory_space<vmem>> -> memref<1x128xi32, #tpu.memory_space<vmem>>
      %dma_wait3A_137 = tpu.memref_squeeze %dma_wait3A_136 : memref<1x128xi32, #tpu.memory_space<vmem>> -> memref<128xi32, #tpu.memory_space<vmem>>
      %dma_wait3A_138 = arith.constant 0 : i32
      %dma_wait3A_139 = arith.constant 0 : i32
      %dma_wait3A_140 = tpu.memref_slice %arg3[%dma_wait3A_138, %dma_wait3A_139] : memref<10000x128xf32, #tpu.memory_space<hbm>> -> memref<10000x128xf32, #tpu.memory_space<hbm>>
      tpu.wait_indirect_dma semaphore(%arg20 : memref<!tpu.dma_semaphore, #tpu.memory_space<semaphore_mem>>) src(%dma_wait3A_140 : memref<10000x128xf32, #tpu.memory_space<hbm>>) dst(%arg11 : memref<128x128xf32, #tpu.memory_space<vmem>>)
      %dma_wait3A_141 = arith.constant 0 : i32
      %dma_wait3A_142 = arith.constant 0 : i32
      %dma_wait3A_143 = tpu.memref_slice %arg9[%dma_wait3A_141, %dma_wait3A_142] : memref<40x128xi32, #tpu.memory_space<vmem>> -> memref<1x128xi32, #tpu.memory_space<vmem>>
      %dma_wait3A_144 = tpu.memref_squeeze %dma_wait3A_143 : memref<1x128xi32, #tpu.memory_space<vmem>> -> memref<128xi32, #tpu.memory_space<vmem>>
      %dma_wait3A_145 = arith.constant 0 : i32
      %dma_wait3A_146 = tpu.memref_slice %arg4[%dma_wait3A_145] : memref<10240xf32, #tpu.memory_space<hbm>> -> memref<10240xf32, #tpu.memory_space<hbm>>
      tpu.wait_indirect_dma semaphore(%arg24 : memref<!tpu.dma_semaphore, #tpu.memory_space<semaphore_mem>>) src(%dma_wait3A_146 : memref<10240xf32, #tpu.memory_space<hbm>>) dst(%arg13 : memref<128xf32, #tpu.memory_space<vmem>>)
    }
    %while3A_42 = arith.constant 1 : i32
    scf.for %while3A_58 = %while3A_40 to %while3A_36 step %while3A_42  : i32 {
      %mul3A_59 = arith.constant 40 : i32
      %mul3A_60 = arith.muli %while3A_58, %mul3A_59 : i32
      %add3A_61 = arith.addi %mul3A_2, %mul3A_60 : i32
      %mul3A_62 = arith.constant 40 : i32
      %mul3A_63 = arith.muli %while3A_58, %mul3A_62 : i32
      %sub3A_64 = arith.subi %min3A_4, %mul3A_63 : i32
      %min3A_65 = arith.constant 40 : i32
      %min3A_66 = arith.minsi %sub3A_64, %min3A_65 : i32
      %run_scoped3A = arith.constant 0 : i32
      "tpu.region"() ({
        %run_scoped3A_147 = tpu.sem_alloc : memref<!tpu.dma_semaphore, #tpu.memory_space<semaphore_mem>>
        %dma_start3A_148 = arith.constant 0 : i32
        %dma_start3A_149 = tpu.memref_slice %arg2[%run_scoped3A, %add3A_61, %dma_start3A_148] : memref<2x2560x128xi32, #tpu.memory_space<hbm>> -> memref<1x40x128xi32, #tpu.memory_space<hbm>>
        %dma_start3A_150 = tpu.memref_squeeze %dma_start3A_149 : memref<1x40x128xi32, #tpu.memory_space<hbm>> -> memref<40x128xi32, #tpu.memory_space<hbm>>
        %dma_start3A_151 = arith.constant 0 : i32
        %dma_start3A_152 = tpu.memref_slice %arg2[%run_scoped3A, %add3A_61, %dma_start3A_151] : memref<2x2560x128xi32, #tpu.memory_space<hbm>> -> memref<1x40x128xi32, #tpu.memory_space<hbm>>
        %dma_start3A_153 = tpu.memref_squeeze %dma_start3A_152 : memref<1x40x128xi32, #tpu.memory_space<hbm>> -> memref<40x128xi32, #tpu.memory_space<hbm>>
        tpu.enqueue_dma source(%dma_start3A_153 : memref<40x128xi32, #tpu.memory_space<hbm>>) target(%arg8 : memref<40x128xi32, #tpu.memory_space<vmem>>) target_semaphore(%run_scoped3A_147 : memref<!tpu.dma_semaphore, #tpu.memory_space<semaphore_mem>>)
        %dma_wait3A_154 = arith.constant 0 : i32
        %dma_wait3A_155 = tpu.memref_slice %arg2[%run_scoped3A, %add3A_61, %dma_wait3A_154] : memref<2x2560x128xi32, #tpu.memory_space<hbm>> -> memref<1x40x128xi32, #tpu.memory_space<hbm>>
        %dma_wait3A_156 = tpu.memref_squeeze %dma_wait3A_155 : memref<1x40x128xi32, #tpu.memory_space<hbm>> -> memref<40x128xi32, #tpu.memory_space<hbm>>
        %dma_wait3A_157 = arith.constant 0 : i32
        %dma_wait3A_158 = tpu.memref_slice %arg2[%run_scoped3A, %add3A_61, %dma_wait3A_157] : memref<2x2560x128xi32, #tpu.memory_space<hbm>> -> memref<1x40x128xi32, #tpu.memory_space<hbm>>
        %dma_wait3A_159 = tpu.memref_squeeze %dma_wait3A_158 : memref<1x40x128xi32, #tpu.memory_space<hbm>> -> memref<40x128xi32, #tpu.memory_space<hbm>>
        tpu.wait_dma2 semaphore(%run_scoped3A_147 : memref<!tpu.dma_semaphore, #tpu.memory_space<semaphore_mem>>) src(%dma_wait3A_159 : memref<40x128xi32, #tpu.memory_space<hbm>>) dst(%arg8 : memref<40x128xi32, #tpu.memory_space<vmem>>)
        tpu.yield
      }) : () -> ()
      %run_scoped3A_67 = arith.constant 1 : i32
      "tpu.region"() ({
        %run_scoped3A_147 = tpu.sem_alloc : memref<!tpu.dma_semaphore, #tpu.memory_space<semaphore_mem>>
        %dma_start3A_148 = arith.constant 0 : i32
        %dma_start3A_149 = tpu.memref_slice %arg2[%run_scoped3A_67, %add3A_61, %dma_start3A_148] : memref<2x2560x128xi32, #tpu.memory_space<hbm>> -> memref<1x40x128xi32, #tpu.memory_space<hbm>>
        %dma_start3A_150 = tpu.memref_squeeze %dma_start3A_149 : memref<1x40x128xi32, #tpu.memory_space<hbm>> -> memref<40x128xi32, #tpu.memory_space<hbm>>
        %dma_start3A_151 = arith.constant 0 : i32
        %dma_start3A_152 = tpu.memref_slice %arg2[%run_scoped3A_67, %add3A_61, %dma_start3A_151] : memref<2x2560x128xi32, #tpu.memory_space<hbm>> -> memref<1x40x128xi32, #tpu.memory_space<hbm>>
        %dma_start3A_153 = tpu.memref_squeeze %dma_start3A_152 : memref<1x40x128xi32, #tpu.memory_space<hbm>> -> memref<40x128xi32, #tpu.memory_space<hbm>>
        tpu.enqueue_dma source(%dma_start3A_153 : memref<40x128xi32, #tpu.memory_space<hbm>>) target(%arg9 : memref<40x128xi32, #tpu.memory_space<vmem>>) target_semaphore(%run_scoped3A_147 : memref<!tpu.dma_semaphore, #tpu.memory_space<semaphore_mem>>)
        %dma_wait3A_154 = arith.constant 0 : i32
        %dma_wait3A_155 = tpu.memref_slice %arg2[%run_scoped3A_67, %add3A_61, %dma_wait3A_154] : memref<2x2560x128xi32, #tpu.memory_space<hbm>> -> memref<1x40x128xi32, #tpu.memory_space<hbm>>
        %dma_wait3A_156 = tpu.memref_squeeze %dma_wait3A_155 : memref<1x40x128xi32, #tpu.memory_space<hbm>> -> memref<40x128xi32, #tpu.memory_space<hbm>>
        %dma_wait3A_157 = arith.constant 0 : i32
        %dma_wait3A_158 = tpu.memref_slice %arg2[%run_scoped3A_67, %add3A_61, %dma_wait3A_157] : memref<2x2560x128xi32, #tpu.memory_space<hbm>> -> memref<1x40x128xi32, #tpu.memory_space<hbm>>
        %dma_wait3A_159 = tpu.memref_squeeze %dma_wait3A_158 : memref<1x40x128xi32, #tpu.memory_space<hbm>> -> memref<40x128xi32, #tpu.memory_space<hbm>>
        tpu.wait_dma2 semaphore(%run_scoped3A_147 : memref<!tpu.dma_semaphore, #tpu.memory_space<semaphore_mem>>) src(%dma_wait3A_159 : memref<40x128xi32, #tpu.memory_space<hbm>>) dst(%arg9 : memref<40x128xi32, #tpu.memory_space<vmem>>)
        tpu.yield
      }) : () -> ()
      %dma_start3A = arith.constant 0 : i32
      %dma_start3A_68 = arith.constant 0 : i32
      %dma_start3A_69 = tpu.memref_slice %arg8[%dma_start3A, %dma_start3A_68] : memref<40x128xi32, #tpu.memory_space<vmem>> -> memref<1x128xi32, #tpu.memory_space<vmem>>
      %dma_start3A_70 = tpu.memref_squeeze %dma_start3A_69 : memref<1x128xi32, #tpu.memory_space<vmem>> -> memref<128xi32, #tpu.memory_space<vmem>>
      %dma_start3A_71 = arith.constant 0 : i32
      %dma_start3A_72 = arith.constant 0 : i32
      %dma_start3A_73 = tpu.memref_slice %arg3[%dma_start3A_71, %dma_start3A_72] : memref<10000x128xf32, #tpu.memory_space<hbm>> -> memref<10000x128xf32, #tpu.memory_space<hbm>>
      tpu.enqueue_indirect_dma source(%dma_start3A_73 : memref<10000x128xf32, #tpu.memory_space<hbm>>) target(%arg10 : memref<128x128xf32, #tpu.memory_space<vmem>>) offsets(%dma_start3A_70 : memref<128xi32, #tpu.memory_space<vmem>>) semaphore(%arg19 : memref<!tpu.dma_semaphore, #tpu.memory_space<semaphore_mem>>)
      %dma_start3A_74 = arith.constant 0 : i32
      %dma_start3A_75 = arith.constant 0 : i32
      %dma_start3A_76 = tpu.memref_slice %arg9[%dma_start3A_74, %dma_start3A_75] : memref<40x128xi32, #tpu.memory_space<vmem>> -> memref<1x128xi32, #tpu.memory_space<vmem>>
      %dma_start3A_77 = tpu.memref_squeeze %dma_start3A_76 : memref<1x128xi32, #tpu.memory_space<vmem>> -> memref<128xi32, #tpu.memory_space<vmem>>
      %dma_start3A_78 = arith.constant 0 : i32
      %dma_start3A_79 = tpu.memref_slice %arg4[%dma_start3A_78] : memref<10240xf32, #tpu.memory_space<hbm>> -> memref<10240xf32, #tpu.memory_space<hbm>>
      tpu.enqueue_indirect_dma source(%dma_start3A_79 : memref<10240xf32, #tpu.memory_space<hbm>>) target(%arg12 : memref<128xf32, #tpu.memory_space<vmem>>) offsets(%dma_start3A_77 : memref<128xi32, #tpu.memory_space<vmem>>) semaphore(%arg23 : memref<!tpu.dma_semaphore, #tpu.memory_space<semaphore_mem>>)
      %dma_start3A_80 = arith.constant 1 : i32
      %dma_start3A_81 = arith.constant 0 : i32
      %dma_start3A_82 = tpu.memref_slice %arg8[%dma_start3A_80, %dma_start3A_81] : memref<40x128xi32, #tpu.memory_space<vmem>> -> memref<1x128xi32, #tpu.memory_space<vmem>>
      %dma_start3A_83 = tpu.memref_squeeze %dma_start3A_82 : memref<1x128xi32, #tpu.memory_space<vmem>> -> memref<128xi32, #tpu.memory_space<vmem>>
      %dma_start3A_84 = arith.constant 0 : i32
      %dma_start3A_85 = arith.constant 0 : i32
      %dma_start3A_86 = tpu.memref_slice %arg3[%dma_start3A_84, %dma_start3A_85] : memref<10000x128xf32, #tpu.memory_space<hbm>> -> memref<10000x128xf32, #tpu.memory_space<hbm>>
      tpu.enqueue_indirect_dma source(%dma_start3A_86 : memref<10000x128xf32, #tpu.memory_space<hbm>>) target(%arg11 : memref<128x128xf32, #tpu.memory_space<vmem>>) offsets(%dma_start3A_83 : memref<128xi32, #tpu.memory_space<vmem>>) semaphore(%arg20 : memref<!tpu.dma_semaphore, #tpu.memory_space<semaphore_mem>>)
      %dma_start3A_87 = arith.constant 1 : i32
      %dma_start3A_88 = arith.constant 0 : i32
      %dma_start3A_89 = tpu.memref_slice %arg9[%dma_start3A_87, %dma_start3A_88] : memref<40x128xi32, #tpu.memory_space<vmem>> -> memref<1x128xi32, #tpu.memory_space<vmem>>
      %dma_start3A_90 = tpu.memref_squeeze %dma_start3A_89 : memref<1x128xi32, #tpu.memory_space<vmem>> -> memref<128xi32, #tpu.memory_space<vmem>>
      %dma_start3A_91 = arith.constant 0 : i32
      %dma_start3A_92 = tpu.memref_slice %arg4[%dma_start3A_91] : memref<10240xf32, #tpu.memory_space<hbm>> -> memref<10240xf32, #tpu.memory_space<hbm>>
      tpu.enqueue_indirect_dma source(%dma_start3A_92 : memref<10240xf32, #tpu.memory_space<hbm>>) target(%arg13 : memref<128xf32, #tpu.memory_space<vmem>>) offsets(%dma_start3A_90 : memref<128xi32, #tpu.memory_space<vmem>>) semaphore(%arg24 : memref<!tpu.dma_semaphore, #tpu.memory_space<semaphore_mem>>)
      %jit3A_93 = arith.constant 2 : i32
      %div3A = arith.divsi %min3A_66, %jit3A_93 : i32
      %sign3A = arith.constant 0 : i32
      %sign3A_94 = arith.cmpi sgt, %min3A_66, %sign3A : i32
      %sign3A_95 = arith.extui %sign3A_94 : i1 to i32
      %sign3A_96 = arith.constant 0 : i32
      %sign3A_97 = arith.cmpi slt, %min3A_66, %sign3A_96 : i32
      %sign3A_98 = arith.extui %sign3A_97 : i1 to i32
      %sign3A_99 = arith.subi %sign3A_95, %sign3A_98 : i32
      %sign3A_100 = arith.constant 0 : i32
      %sign3A_101 = arith.cmpi sgt, %jit3A_93, %sign3A_100 : i32
      %sign3A_102 = arith.extui %sign3A_101 : i1 to i32
      %sign3A_103 = arith.constant 0 : i32
      %sign3A_104 = arith.cmpi slt, %jit3A_93, %sign3A_103 : i32
      %sign3A_105 = arith.extui %sign3A_104 : i1 to i32
      %sign3A_106 = arith.subi %sign3A_102, %sign3A_105 : i32
      %ne3A = arith.cmpi ne, %sign3A_99, %sign3A_106 : i32
      %rem3A = arith.remsi %min3A_66, %jit3A_93 : i32
      %ne3A_107 = arith.constant 0 : i32
      %ne3A_108 = arith.cmpi ne, %rem3A, %ne3A_107 : i32
      %and3A = arith.andi %ne3A, %ne3A_108 : i1
      %sub3A_109 = arith.constant 1 : i32
      %sub3A_110 = arith.subi %div3A, %sub3A_109 : i32
      %select_n3A_111 = arith.select %and3A, %sub3A_110, %div3A : i32
      %while3A_112 = arith.constant 0 : i32
      %while3A_113 = arith.constant 0 : i32
      %while3A_114 = arith.subi %select_n3A_111, %while3A_113 : i32
      %while3A_115 = arith.addi %while3A_113, %while3A_114 : i32
      %while3A_116 = arith.constant 1 : i32
      %while3A_117 = arith.divsi %while3A_114, %while3A_116 : i32
      %while3A_118 = arith.muli %while3A_117, %while3A_116 : i32
      %while3A_119 = arith.addi %while3A_113, %while3A_118 : i32
      %while3A_120 = arith.constant 1 : i32
      scf.for %while3A_147 = %while3A_113 to %while3A_119 step %while3A_120  : i32 {
        %mul3A_148 = arith.constant 2 : i32
        %mul3A_149 = arith.muli %mul3A_148, %while3A_147 : i32
        %dma_wait3A_150 = arith.constant 0 : i32
        %dma_wait3A_151 = arith.constant 0 : i32
        %dma_wait3A_152 = tpu.memref_slice %arg8[%dma_wait3A_150, %dma_wait3A_151] : memref<40x128xi32, #tpu.memory_space<vmem>> -> memref<1x128xi32, #tpu.memory_space<vmem>>
        %dma_wait3A_153 = tpu.memref_squeeze %dma_wait3A_152 : memref<1x128xi32, #tpu.memory_space<vmem>> -> memref<128xi32, #tpu.memory_space<vmem>>
        %dma_wait3A_154 = arith.constant 0 : i32
        %dma_wait3A_155 = arith.constant 0 : i32
        %dma_wait3A_156 = tpu.memref_slice %arg3[%dma_wait3A_154, %dma_wait3A_155] : memref<10000x128xf32, #tpu.memory_space<hbm>> -> memref<10000x128xf32, #tpu.memory_space<hbm>>
        tpu.wait_indirect_dma semaphore(%arg19 : memref<!tpu.dma_semaphore, #tpu.memory_space<semaphore_mem>>) src(%dma_wait3A_156 : memref<10000x128xf32, #tpu.memory_space<hbm>>) dst(%arg10 : memref<128x128xf32, #tpu.memory_space<vmem>>)
        %dma_wait3A_157 = arith.constant 0 : i32
        %dma_wait3A_158 = arith.constant 0 : i32
        %dma_wait3A_159 = tpu.memref_slice %arg9[%dma_wait3A_157, %dma_wait3A_158] : memref<40x128xi32, #tpu.memory_space<vmem>> -> memref<1x128xi32, #tpu.memory_space<vmem>>
        %dma_wait3A_160 = tpu.memref_squeeze %dma_wait3A_159 : memref<1x128xi32, #tpu.memory_space<vmem>> -> memref<128xi32, #tpu.memory_space<vmem>>
        %dma_wait3A_161 = arith.constant 0 : i32
        %dma_wait3A_162 = tpu.memref_slice %arg4[%dma_wait3A_161] : memref<10240xf32, #tpu.memory_space<hbm>> -> memref<10240xf32, #tpu.memory_space<hbm>>
        tpu.wait_indirect_dma semaphore(%arg23 : memref<!tpu.dma_semaphore, #tpu.memory_space<semaphore_mem>>) src(%dma_wait3A_162 : memref<10240xf32, #tpu.memory_space<hbm>>) dst(%arg12 : memref<128xf32, #tpu.memory_space<vmem>>)
        %dma_start3A_163 = arith.constant 0 : i32
        %dma_start3A_164 = tpu.memref_slice %arg9[%mul3A_149, %dma_start3A_163] : memref<40x128xi32, #tpu.memory_space<vmem>> -> memref<1x128xi32, #tpu.memory_space<vmem>>
        %dma_start3A_165 = tpu.memref_squeeze %dma_start3A_164 : memref<1x128xi32, #tpu.memory_space<vmem>> -> memref<128xi32, #tpu.memory_space<vmem>>
        %dma_start3A_166 = arith.constant 0 : i32
        %dma_start3A_167 = arith.constant 0 : i32
        %dma_start3A_168 = tpu.memref_slice %arg16[%dma_start3A_166, %dma_start3A_167] : memref<10240x128xf32, #tpu.memory_space<vmem_shared>> -> memref<10240x128xf32, #tpu.memory_space<vmem_shared>>
        tpu.enqueue_indirect_dma source(%arg10 : memref<128x128xf32, #tpu.memory_space<vmem>>) target(%dma_start3A_168 : memref<10240x128xf32, #tpu.memory_space<vmem_shared>>) offsets(%dma_start3A_165 : memref<128xi32, #tpu.memory_space<vmem>>) semaphore(%arg21 : memref<!tpu.dma_semaphore, #tpu.memory_space<semaphore_mem>>) {add = true}
        %dma_start3A_169 = arith.constant 0 : i32
        %dma_start3A_170 = tpu.memref_slice %arg8[%mul3A_149, %dma_start3A_169] : memref<40x128xi32, #tpu.memory_space<vmem>> -> memref<1x128xi32, #tpu.memory_space<vmem>>
        %dma_start3A_171 = tpu.memref_squeeze %dma_start3A_170 : memref<1x128xi32, #tpu.memory_space<vmem>> -> memref<128xi32, #tpu.memory_space<vmem>>
        %dma_start3A_172 = arith.constant 0 : i32
        %dma_start3A_173 = tpu.memref_slice %arg18[%dma_start3A_172] : memref<10240xf32, #tpu.memory_space<vmem_shared>> -> memref<10240xf32, #tpu.memory_space<vmem_shared>>
        tpu.enqueue_indirect_dma source(%arg12 : memref<128xf32, #tpu.memory_space<vmem>>) target(%dma_start3A_173 : memref<10240xf32, #tpu.memory_space<vmem_shared>>) offsets(%dma_start3A_171 : memref<128xi32, #tpu.memory_space<vmem>>) semaphore(%arg25 : memref<!tpu.dma_semaphore, #tpu.memory_space<semaphore_mem>>) {add = true}
        %dma_start3A_174 = arith.constant 0 : i32
        %dma_start3A_175 = tpu.memref_slice %arg9[%mul3A_149, %dma_start3A_174] : memref<40x128xi32, #tpu.memory_space<vmem>> -> memref<1x128xi32, #tpu.memory_space<vmem>>
        %dma_start3A_176 = tpu.memref_squeeze %dma_start3A_175 : memref<1x128xi32, #tpu.memory_space<vmem>> -> memref<128xi32, #tpu.memory_space<vmem>>
        %dma_start3A_177 = arith.constant 0 : i32
        %dma_start3A_178 = tpu.memref_slice %arg17[%dma_start3A_177] : memref<10240xf32, #tpu.memory_space<vmem_shared>> -> memref<10240xf32, #tpu.memory_space<vmem_shared>>
        tpu.enqueue_indirect_dma source(%arg14 : memref<128xf32, #tpu.memory_space<vmem>>) target(%dma_start3A_178 : memref<10240xf32, #tpu.memory_space<vmem_shared>>) offsets(%dma_start3A_176 : memref<128xi32, #tpu.memory_space<vmem>>) semaphore(%arg27 : memref<!tpu.dma_semaphore, #tpu.memory_space<semaphore_mem>>) {add = true}
        %dma_wait3A_179 = arith.constant 0 : i32
        %dma_wait3A_180 = arith.constant 0 : i32
        %dma_wait3A_181 = tpu.memref_slice %arg8[%dma_wait3A_179, %dma_wait3A_180] : memref<40x128xi32, #tpu.memory_space<vmem>> -> memref<1x128xi32, #tpu.memory_space<vmem>>
        %dma_wait3A_182 = tpu.memref_squeeze %dma_wait3A_181 : memref<1x128xi32, #tpu.memory_space<vmem>> -> memref<128xi32, #tpu.memory_space<vmem>>
        %dma_wait3A_183 = arith.constant 0 : i32
        %dma_wait3A_184 = arith.constant 0 : i32
        %dma_wait3A_185 = tpu.memref_slice %arg3[%dma_wait3A_183, %dma_wait3A_184] : memref<10000x128xf32, #tpu.memory_space<hbm>> -> memref<10000x128xf32, #tpu.memory_space<hbm>>
        tpu.wait_indirect_dma semaphore(%arg20 : memref<!tpu.dma_semaphore, #tpu.memory_space<semaphore_mem>>) src(%dma_wait3A_185 : memref<10000x128xf32, #tpu.memory_space<hbm>>) dst(%arg11 : memref<128x128xf32, #tpu.memory_space<vmem>>)
        %dma_wait3A_186 = arith.constant 0 : i32
        %dma_wait3A_187 = arith.constant 0 : i32
        %dma_wait3A_188 = tpu.memref_slice %arg9[%dma_wait3A_186, %dma_wait3A_187] : memref<40x128xi32, #tpu.memory_space<vmem>> -> memref<1x128xi32, #tpu.memory_space<vmem>>
        %dma_wait3A_189 = tpu.memref_squeeze %dma_wait3A_188 : memref<1x128xi32, #tpu.memory_space<vmem>> -> memref<128xi32, #tpu.memory_space<vmem>>
        %dma_wait3A_190 = arith.constant 0 : i32
        %dma_wait3A_191 = tpu.memref_slice %arg4[%dma_wait3A_190] : memref<10240xf32, #tpu.memory_space<hbm>> -> memref<10240xf32, #tpu.memory_space<hbm>>
        tpu.wait_indirect_dma semaphore(%arg24 : memref<!tpu.dma_semaphore, #tpu.memory_space<semaphore_mem>>) src(%dma_wait3A_191 : memref<10240xf32, #tpu.memory_space<hbm>>) dst(%arg13 : memref<128xf32, #tpu.memory_space<vmem>>)
        %add3A_192 = arith.constant 1 : i32
        %add3A_193 = arith.addi %mul3A_149, %add3A_192 : i32
        %dma_start3A_194 = arith.constant 0 : i32
        %dma_start3A_195 = tpu.memref_slice %arg9[%add3A_193, %dma_start3A_194] : memref<40x128xi32, #tpu.memory_space<vmem>> -> memref<1x128xi32, #tpu.memory_space<vmem>>
        %dma_start3A_196 = tpu.memref_squeeze %dma_start3A_195 : memref<1x128xi32, #tpu.memory_space<vmem>> -> memref<128xi32, #tpu.memory_space<vmem>>
        %dma_start3A_197 = arith.constant 0 : i32
        %dma_start3A_198 = arith.constant 0 : i32
        %dma_start3A_199 = tpu.memref_slice %arg16[%dma_start3A_197, %dma_start3A_198] : memref<10240x128xf32, #tpu.memory_space<vmem_shared>> -> memref<10240x128xf32, #tpu.memory_space<vmem_shared>>
        tpu.enqueue_indirect_dma source(%arg11 : memref<128x128xf32, #tpu.memory_space<vmem>>) target(%dma_start3A_199 : memref<10240x128xf32, #tpu.memory_space<vmem_shared>>) offsets(%dma_start3A_196 : memref<128xi32, #tpu.memory_space<vmem>>) semaphore(%arg22 : memref<!tpu.dma_semaphore, #tpu.memory_space<semaphore_mem>>) {add = true}
        %add3A_200 = arith.constant 1 : i32
        %add3A_201 = arith.addi %mul3A_149, %add3A_200 : i32
        %dma_start3A_202 = arith.constant 0 : i32
        %dma_start3A_203 = tpu.memref_slice %arg8[%add3A_201, %dma_start3A_202] : memref<40x128xi32, #tpu.memory_space<vmem>> -> memref<1x128xi32, #tpu.memory_space<vmem>>
        %dma_start3A_204 = tpu.memref_squeeze %dma_start3A_203 : memref<1x128xi32, #tpu.memory_space<vmem>> -> memref<128xi32, #tpu.memory_space<vmem>>
        %dma_start3A_205 = arith.constant 0 : i32
        %dma_start3A_206 = tpu.memref_slice %arg18[%dma_start3A_205] : memref<10240xf32, #tpu.memory_space<vmem_shared>> -> memref<10240xf32, #tpu.memory_space<vmem_shared>>
        tpu.enqueue_indirect_dma source(%arg13 : memref<128xf32, #tpu.memory_space<vmem>>) target(%dma_start3A_206 : memref<10240xf32, #tpu.memory_space<vmem_shared>>) offsets(%dma_start3A_204 : memref<128xi32, #tpu.memory_space<vmem>>) semaphore(%arg26 : memref<!tpu.dma_semaphore, #tpu.memory_space<semaphore_mem>>) {add = true}
        %add3A_207 = arith.constant 1 : i32
        %add3A_208 = arith.addi %mul3A_149, %add3A_207 : i32
        %dma_start3A_209 = arith.constant 0 : i32
        %dma_start3A_210 = tpu.memref_slice %arg9[%add3A_208, %dma_start3A_209] : memref<40x128xi32, #tpu.memory_space<vmem>> -> memref<1x128xi32, #tpu.memory_space<vmem>>
        %dma_start3A_211 = tpu.memref_squeeze %dma_start3A_210 : memref<1x128xi32, #tpu.memory_space<vmem>> -> memref<128xi32, #tpu.memory_space<vmem>>
        %dma_start3A_212 = arith.constant 0 : i32
        %dma_start3A_213 = tpu.memref_slice %arg17[%dma_start3A_212] : memref<10240xf32, #tpu.memory_space<vmem_shared>> -> memref<10240xf32, #tpu.memory_space<vmem_shared>>
        tpu.enqueue_indirect_dma source(%arg14 : memref<128xf32, #tpu.memory_space<vmem>>) target(%dma_start3A_213 : memref<10240xf32, #tpu.memory_space<vmem_shared>>) offsets(%dma_start3A_211 : memref<128xi32, #tpu.memory_space<vmem>>) semaphore(%arg27 : memref<!tpu.dma_semaphore, #tpu.memory_space<semaphore_mem>>) {add = true}
        %dma_wait3A_214 = arith.constant 0 : i32
        %dma_wait3A_215 = arith.constant 0 : i32
        %dma_wait3A_216 = tpu.memref_slice %arg9[%dma_wait3A_214, %dma_wait3A_215] : memref<40x128xi32, #tpu.memory_space<vmem>> -> memref<1x128xi32, #tpu.memory_space<vmem>>
        %dma_wait3A_217 = tpu.memref_squeeze %dma_wait3A_216 : memref<1x128xi32, #tpu.memory_space<vmem>> -> memref<128xi32, #tpu.memory_space<vmem>>
        %dma_wait3A_218 = arith.constant 0 : i32
        %dma_wait3A_219 = arith.constant 0 : i32
        %dma_wait3A_220 = tpu.memref_slice %arg16[%dma_wait3A_218, %dma_wait3A_219] : memref<10240x128xf32, #tpu.memory_space<vmem_shared>> -> memref<10240x128xf32, #tpu.memory_space<vmem_shared>>
        tpu.wait_indirect_dma semaphore(%arg21 : memref<!tpu.dma_semaphore, #tpu.memory_space<semaphore_mem>>) src(%arg10 : memref<128x128xf32, #tpu.memory_space<vmem>>) dst(%dma_wait3A_220 : memref<10240x128xf32, #tpu.memory_space<vmem_shared>>)
        %dma_wait3A_221 = arith.constant 0 : i32
        %dma_wait3A_222 = arith.constant 0 : i32
        %dma_wait3A_223 = tpu.memref_slice %arg8[%dma_wait3A_221, %dma_wait3A_222] : memref<40x128xi32, #tpu.memory_space<vmem>> -> memref<1x128xi32, #tpu.memory_space<vmem>>
        %dma_wait3A_224 = tpu.memref_squeeze %dma_wait3A_223 : memref<1x128xi32, #tpu.memory_space<vmem>> -> memref<128xi32, #tpu.memory_space<vmem>>
        %dma_wait3A_225 = arith.constant 0 : i32
        %dma_wait3A_226 = tpu.memref_slice %arg18[%dma_wait3A_225] : memref<10240xf32, #tpu.memory_space<vmem_shared>> -> memref<10240xf32, #tpu.memory_space<vmem_shared>>
        tpu.wait_indirect_dma semaphore(%arg25 : memref<!tpu.dma_semaphore, #tpu.memory_space<semaphore_mem>>) src(%arg12 : memref<128xf32, #tpu.memory_space<vmem>>) dst(%dma_wait3A_226 : memref<10240xf32, #tpu.memory_space<vmem_shared>>)
        %add3A_227 = arith.constant 2 : i32
        %add3A_228 = arith.addi %mul3A_149, %add3A_227 : i32
        %sub3A_229 = arith.constant 1 : i32
        %sub3A_230 = arith.subi %min3A_66, %sub3A_229 : i32
        %min3A_231 = arith.minsi %add3A_228, %sub3A_230 : i32
        %dma_start3A_232 = arith.constant 0 : i32
        %dma_start3A_233 = tpu.memref_slice %arg8[%min3A_231, %dma_start3A_232] : memref<40x128xi32, #tpu.memory_space<vmem>> -> memref<1x128xi32, #tpu.memory_space<vmem>>
        %dma_start3A_234 = tpu.memref_squeeze %dma_start3A_233 : memref<1x128xi32, #tpu.memory_space<vmem>> -> memref<128xi32, #tpu.memory_space<vmem>>
        %dma_start3A_235 = arith.constant 0 : i32
        %dma_start3A_236 = arith.constant 0 : i32
        %dma_start3A_237 = tpu.memref_slice %arg3[%dma_start3A_235, %dma_start3A_236] : memref<10000x128xf32, #tpu.memory_space<hbm>> -> memref<10000x128xf32, #tpu.memory_space<hbm>>
        tpu.enqueue_indirect_dma source(%dma_start3A_237 : memref<10000x128xf32, #tpu.memory_space<hbm>>) target(%arg10 : memref<128x128xf32, #tpu.memory_space<vmem>>) offsets(%dma_start3A_234 : memref<128xi32, #tpu.memory_space<vmem>>) semaphore(%arg19 : memref<!tpu.dma_semaphore, #tpu.memory_space<semaphore_mem>>)
        %dma_start3A_238 = arith.constant 0 : i32
        %dma_start3A_239 = tpu.memref_slice %arg9[%min3A_231, %dma_start3A_238] : memref<40x128xi32, #tpu.memory_space<vmem>> -> memref<1x128xi32, #tpu.memory_space<vmem>>
        %dma_start3A_240 = tpu.memref_squeeze %dma_start3A_239 : memref<1x128xi32, #tpu.memory_space<vmem>> -> memref<128xi32, #tpu.memory_space<vmem>>
        %dma_start3A_241 = arith.constant 0 : i32
        %dma_start3A_242 = tpu.memref_slice %arg4[%dma_start3A_241] : memref<10240xf32, #tpu.memory_space<hbm>> -> memref<10240xf32, #tpu.memory_space<hbm>>
        tpu.enqueue_indirect_dma source(%dma_start3A_242 : memref<10240xf32, #tpu.memory_space<hbm>>) target(%arg12 : memref<128xf32, #tpu.memory_space<vmem>>) offsets(%dma_start3A_240 : memref<128xi32, #tpu.memory_space<vmem>>) semaphore(%arg23 : memref<!tpu.dma_semaphore, #tpu.memory_space<semaphore_mem>>)
        %dma_wait3A_243 = arith.constant 0 : i32
        %dma_wait3A_244 = arith.constant 0 : i32
        %dma_wait3A_245 = tpu.memref_slice %arg9[%dma_wait3A_243, %dma_wait3A_244] : memref<40x128xi32, #tpu.memory_space<vmem>> -> memref<1x128xi32, #tpu.memory_space<vmem>>
        %dma_wait3A_246 = tpu.memref_squeeze %dma_wait3A_245 : memref<1x128xi32, #tpu.memory_space<vmem>> -> memref<128xi32, #tpu.memory_space<vmem>>
        %dma_wait3A_247 = arith.constant 0 : i32
        %dma_wait3A_248 = arith.constant 0 : i32
        %dma_wait3A_249 = tpu.memref_slice %arg16[%dma_wait3A_247, %dma_wait3A_248] : memref<10240x128xf32, #tpu.memory_space<vmem_shared>> -> memref<10240x128xf32, #tpu.memory_space<vmem_shared>>
        tpu.wait_indirect_dma semaphore(%arg22 : memref<!tpu.dma_semaphore, #tpu.memory_space<semaphore_mem>>) src(%arg11 : memref<128x128xf32, #tpu.memory_space<vmem>>) dst(%dma_wait3A_249 : memref<10240x128xf32, #tpu.memory_space<vmem_shared>>)
        %dma_wait3A_250 = arith.constant 0 : i32
        %dma_wait3A_251 = arith.constant 0 : i32
        %dma_wait3A_252 = tpu.memref_slice %arg8[%dma_wait3A_250, %dma_wait3A_251] : memref<40x128xi32, #tpu.memory_space<vmem>> -> memref<1x128xi32, #tpu.memory_space<vmem>>
        %dma_wait3A_253 = tpu.memref_squeeze %dma_wait3A_252 : memref<1x128xi32, #tpu.memory_space<vmem>> -> memref<128xi32, #tpu.memory_space<vmem>>
        %dma_wait3A_254 = arith.constant 0 : i32
        %dma_wait3A_255 = tpu.memref_slice %arg18[%dma_wait3A_254] : memref<10240xf32, #tpu.memory_space<vmem_shared>> -> memref<10240xf32, #tpu.memory_space<vmem_shared>>
        tpu.wait_indirect_dma semaphore(%arg26 : memref<!tpu.dma_semaphore, #tpu.memory_space<semaphore_mem>>) src(%arg13 : memref<128xf32, #tpu.memory_space<vmem>>) dst(%dma_wait3A_255 : memref<10240xf32, #tpu.memory_space<vmem_shared>>)
        %add3A_256 = arith.constant 3 : i32
        %add3A_257 = arith.addi %mul3A_149, %add3A_256 : i32
        %sub3A_258 = arith.constant 1 : i32
        %sub3A_259 = arith.subi %min3A_66, %sub3A_258 : i32
        %min3A_260 = arith.minsi %add3A_257, %sub3A_259 : i32
        %dma_start3A_261 = arith.constant 0 : i32
        %dma_start3A_262 = tpu.memref_slice %arg8[%min3A_260, %dma_start3A_261] : memref<40x128xi32, #tpu.memory_space<vmem>> -> memref<1x128xi32, #tpu.memory_space<vmem>>
        %dma_start3A_263 = tpu.memref_squeeze %dma_start3A_262 : memref<1x128xi32, #tpu.memory_space<vmem>> -> memref<128xi32, #tpu.memory_space<vmem>>
        %dma_start3A_264 = arith.constant 0 : i32
        %dma_start3A_265 = arith.constant 0 : i32
        %dma_start3A_266 = tpu.memref_slice %arg3[%dma_start3A_264, %dma_start3A_265] : memref<10000x128xf32, #tpu.memory_space<hbm>> -> memref<10000x128xf32, #tpu.memory_space<hbm>>
        tpu.enqueue_indirect_dma source(%dma_start3A_266 : memref<10000x128xf32, #tpu.memory_space<hbm>>) target(%arg11 : memref<128x128xf32, #tpu.memory_space<vmem>>) offsets(%dma_start3A_263 : memref<128xi32, #tpu.memory_space<vmem>>) semaphore(%arg20 : memref<!tpu.dma_semaphore, #tpu.memory_space<semaphore_mem>>)
        %dma_start3A_267 = arith.constant 0 : i32
        %dma_start3A_268 = tpu.memref_slice %arg9[%min3A_260, %dma_start3A_267] : memref<40x128xi32, #tpu.memory_space<vmem>> -> memref<1x128xi32, #tpu.memory_space<vmem>>
        %dma_start3A_269 = tpu.memref_squeeze %dma_start3A_268 : memref<1x128xi32, #tpu.memory_space<vmem>> -> memref<128xi32, #tpu.memory_space<vmem>>
        %dma_start3A_270 = arith.constant 0 : i32
        %dma_start3A_271 = tpu.memref_slice %arg4[%dma_start3A_270] : memref<10240xf32, #tpu.memory_space<hbm>> -> memref<10240xf32, #tpu.memory_space<hbm>>
        tpu.enqueue_indirect_dma source(%dma_start3A_271 : memref<10240xf32, #tpu.memory_space<hbm>>) target(%arg13 : memref<128xf32, #tpu.memory_space<vmem>>) offsets(%dma_start3A_269 : memref<128xi32, #tpu.memory_space<vmem>>) semaphore(%arg24 : memref<!tpu.dma_semaphore, #tpu.memory_space<semaphore_mem>>)
        %dma_wait3A_272 = arith.constant 0 : i32
        %dma_wait3A_273 = arith.constant 0 : i32
        %dma_wait3A_274 = tpu.memref_slice %arg9[%dma_wait3A_272, %dma_wait3A_273] : memref<40x128xi32, #tpu.memory_space<vmem>> -> memref<1x128xi32, #tpu.memory_space<vmem>>
        %dma_wait3A_275 = tpu.memref_squeeze %dma_wait3A_274 : memref<1x128xi32, #tpu.memory_space<vmem>> -> memref<128xi32, #tpu.memory_space<vmem>>
        %dma_wait3A_276 = arith.constant 0 : i32
        %dma_wait3A_277 = tpu.memref_slice %arg17[%dma_wait3A_276] : memref<10240xf32, #tpu.memory_space<vmem_shared>> -> memref<10240xf32, #tpu.memory_space<vmem_shared>>
        tpu.wait_indirect_dma semaphore(%arg27 : memref<!tpu.dma_semaphore, #tpu.memory_space<semaphore_mem>>) src(%arg14 : memref<128xf32, #tpu.memory_space<vmem>>) dst(%dma_wait3A_277 : memref<10240xf32, #tpu.memory_space<vmem_shared>>)
        %dma_wait3A_278 = arith.constant 0 : i32
        %dma_wait3A_279 = arith.constant 0 : i32
        %dma_wait3A_280 = tpu.memref_slice %arg9[%dma_wait3A_278, %dma_wait3A_279] : memref<40x128xi32, #tpu.memory_space<vmem>> -> memref<1x128xi32, #tpu.memory_space<vmem>>
        %dma_wait3A_281 = tpu.memref_squeeze %dma_wait3A_280 : memref<1x128xi32, #tpu.memory_space<vmem>> -> memref<128xi32, #tpu.memory_space<vmem>>
        %dma_wait3A_282 = arith.constant 0 : i32
        %dma_wait3A_283 = tpu.memref_slice %arg17[%dma_wait3A_282] : memref<10240xf32, #tpu.memory_space<vmem_shared>> -> memref<10240xf32, #tpu.memory_space<vmem_shared>>
        tpu.wait_indirect_dma semaphore(%arg27 : memref<!tpu.dma_semaphore, #tpu.memory_space<semaphore_mem>>) src(%arg14 : memref<128xf32, #tpu.memory_space<vmem>>) dst(%dma_wait3A_283 : memref<10240xf32, #tpu.memory_space<vmem_shared>>)
      }
      %while3A_121 = arith.constant 1 : i32
      scf.for %while3A_147 = %while3A_119 to %while3A_115 step %while3A_121  : i32 {
        %mul3A_148 = arith.constant 2 : i32
        %mul3A_149 = arith.muli %mul3A_148, %while3A_147 : i32
        %dma_wait3A_150 = arith.constant 0 : i32
        %dma_wait3A_151 = arith.constant 0 : i32
        %dma_wait3A_152 = tpu.memref_slice %arg8[%dma_wait3A_150, %dma_wait3A_151] : memref<40x128xi32, #tpu.memory_space<vmem>> -> memref<1x128xi32, #tpu.memory_space<vmem>>
        %dma_wait3A_153 = tpu.memref_squeeze %dma_wait3A_152 : memref<1x128xi32, #tpu.memory_space<vmem>> -> memref<128xi32, #tpu.memory_space<vmem>>
        %dma_wait3A_154 = arith.constant 0 : i32
        %dma_wait3A_155 = arith.constant 0 : i32
        %dma_wait3A_156 = tpu.memref_slice %arg3[%dma_wait3A_154, %dma_wait3A_155] : memref<10000x128xf32, #tpu.memory_space<hbm>> -> memref<10000x128xf32, #tpu.memory_space<hbm>>
        tpu.wait_indirect_dma semaphore(%arg19 : memref<!tpu.dma_semaphore, #tpu.memory_space<semaphore_mem>>) src(%dma_wait3A_156 : memref<10000x128xf32, #tpu.memory_space<hbm>>) dst(%arg10 : memref<128x128xf32, #tpu.memory_space<vmem>>)
        %dma_wait3A_157 = arith.constant 0 : i32
        %dma_wait3A_158 = arith.constant 0 : i32
        %dma_wait3A_159 = tpu.memref_slice %arg9[%dma_wait3A_157, %dma_wait3A_158] : memref<40x128xi32, #tpu.memory_space<vmem>> -> memref<1x128xi32, #tpu.memory_space<vmem>>
        %dma_wait3A_160 = tpu.memref_squeeze %dma_wait3A_159 : memref<1x128xi32, #tpu.memory_space<vmem>> -> memref<128xi32, #tpu.memory_space<vmem>>
        %dma_wait3A_161 = arith.constant 0 : i32
        %dma_wait3A_162 = tpu.memref_slice %arg4[%dma_wait3A_161] : memref<10240xf32, #tpu.memory_space<hbm>> -> memref<10240xf32, #tpu.memory_space<hbm>>
        tpu.wait_indirect_dma semaphore(%arg23 : memref<!tpu.dma_semaphore, #tpu.memory_space<semaphore_mem>>) src(%dma_wait3A_162 : memref<10240xf32, #tpu.memory_space<hbm>>) dst(%arg12 : memref<128xf32, #tpu.memory_space<vmem>>)
        %dma_start3A_163 = arith.constant 0 : i32
        %dma_start3A_164 = tpu.memref_slice %arg9[%mul3A_149, %dma_start3A_163] : memref<40x128xi32, #tpu.memory_space<vmem>> -> memref<1x128xi32, #tpu.memory_space<vmem>>
        %dma_start3A_165 = tpu.memref_squeeze %dma_start3A_164 : memref<1x128xi32, #tpu.memory_space<vmem>> -> memref<128xi32, #tpu.memory_space<vmem>>
        %dma_start3A_166 = arith.constant 0 : i32
        %dma_start3A_167 = arith.constant 0 : i32
        %dma_start3A_168 = tpu.memref_slice %arg16[%dma_start3A_166, %dma_start3A_167] : memref<10240x128xf32, #tpu.memory_space<vmem_shared>> -> memref<10240x128xf32, #tpu.memory_space<vmem_shared>>
        tpu.enqueue_indirect_dma source(%arg10 : memref<128x128xf32, #tpu.memory_space<vmem>>) target(%dma_start3A_168 : memref<10240x128xf32, #tpu.memory_space<vmem_shared>>) offsets(%dma_start3A_165 : memref<128xi32, #tpu.memory_space<vmem>>) semaphore(%arg21 : memref<!tpu.dma_semaphore, #tpu.memory_space<semaphore_mem>>) {add = true}
        %dma_start3A_169 = arith.constant 0 : i32
        %dma_start3A_170 = tpu.memref_slice %arg8[%mul3A_149, %dma_start3A_169] : memref<40x128xi32, #tpu.memory_space<vmem>> -> memref<1x128xi32, #tpu.memory_space<vmem>>
        %dma_start3A_171 = tpu.memref_squeeze %dma_start3A_170 : memref<1x128xi32, #tpu.memory_space<vmem>> -> memref<128xi32, #tpu.memory_space<vmem>>
        %dma_start3A_172 = arith.constant 0 : i32
        %dma_start3A_173 = tpu.memref_slice %arg18[%dma_start3A_172] : memref<10240xf32, #tpu.memory_space<vmem_shared>> -> memref<10240xf32, #tpu.memory_space<vmem_shared>>
        tpu.enqueue_indirect_dma source(%arg12 : memref<128xf32, #tpu.memory_space<vmem>>) target(%dma_start3A_173 : memref<10240xf32, #tpu.memory_space<vmem_shared>>) offsets(%dma_start3A_171 : memref<128xi32, #tpu.memory_space<vmem>>) semaphore(%arg25 : memref<!tpu.dma_semaphore, #tpu.memory_space<semaphore_mem>>) {add = true}
        %dma_start3A_174 = arith.constant 0 : i32
        %dma_start3A_175 = tpu.memref_slice %arg9[%mul3A_149, %dma_start3A_174] : memref<40x128xi32, #tpu.memory_space<vmem>> -> memref<1x128xi32, #tpu.memory_space<vmem>>
        %dma_start3A_176 = tpu.memref_squeeze %dma_start3A_175 : memref<1x128xi32, #tpu.memory_space<vmem>> -> memref<128xi32, #tpu.memory_space<vmem>>
        %dma_start3A_177 = arith.constant 0 : i32
        %dma_start3A_178 = tpu.memref_slice %arg17[%dma_start3A_177] : memref<10240xf32, #tpu.memory_space<vmem_shared>> -> memref<10240xf32, #tpu.memory_space<vmem_shared>>
        tpu.enqueue_indirect_dma source(%arg14 : memref<128xf32, #tpu.memory_space<vmem>>) target(%dma_start3A_178 : memref<10240xf32, #tpu.memory_space<vmem_shared>>) offsets(%dma_start3A_176 : memref<128xi32, #tpu.memory_space<vmem>>) semaphore(%arg27 : memref<!tpu.dma_semaphore, #tpu.memory_space<semaphore_mem>>) {add = true}
        %dma_wait3A_179 = arith.constant 0 : i32
        %dma_wait3A_180 = arith.constant 0 : i32
        %dma_wait3A_181 = tpu.memref_slice %arg8[%dma_wait3A_179, %dma_wait3A_180] : memref<40x128xi32, #tpu.memory_space<vmem>> -> memref<1x128xi32, #tpu.memory_space<vmem>>
        %dma_wait3A_182 = tpu.memref_squeeze %dma_wait3A_181 : memref<1x128xi32, #tpu.memory_space<vmem>> -> memref<128xi32, #tpu.memory_space<vmem>>
        %dma_wait3A_183 = arith.constant 0 : i32
        %dma_wait3A_184 = arith.constant 0 : i32
        %dma_wait3A_185 = tpu.memref_slice %arg3[%dma_wait3A_183, %dma_wait3A_184] : memref<10000x128xf32, #tpu.memory_space<hbm>> -> memref<10000x128xf32, #tpu.memory_space<hbm>>
        tpu.wait_indirect_dma semaphore(%arg20 : memref<!tpu.dma_semaphore, #tpu.memory_space<semaphore_mem>>) src(%dma_wait3A_185 : memref<10000x128xf32, #tpu.memory_space<hbm>>) dst(%arg11 : memref<128x128xf32, #tpu.memory_space<vmem>>)
        %dma_wait3A_186 = arith.constant 0 : i32
        %dma_wait3A_187 = arith.constant 0 : i32
        %dma_wait3A_188 = tpu.memref_slice %arg9[%dma_wait3A_186, %dma_wait3A_187] : memref<40x128xi32, #tpu.memory_space<vmem>> -> memref<1x128xi32, #tpu.memory_space<vmem>>
        %dma_wait3A_189 = tpu.memref_squeeze %dma_wait3A_188 : memref<1x128xi32, #tpu.memory_space<vmem>> -> memref<128xi32, #tpu.memory_space<vmem>>
        %dma_wait3A_190 = arith.constant 0 : i32
        %dma_wait3A_191 = tpu.memref_slice %arg4[%dma_wait3A_190] : memref<10240xf32, #tpu.memory_space<hbm>> -> memref<10240xf32, #tpu.memory_space<hbm>>
        tpu.wait_indirect_dma semaphore(%arg24 : memref<!tpu.dma_semaphore, #tpu.memory_space<semaphore_mem>>) src(%dma_wait3A_191 : memref<10240xf32, #tpu.memory_space<hbm>>) dst(%arg13 : memref<128xf32, #tpu.memory_space<vmem>>)
        %add3A_192 = arith.constant 1 : i32
        %add3A_193 = arith.addi %mul3A_149, %add3A_192 : i32
        %dma_start3A_194 = arith.constant 0 : i32
        %dma_start3A_195 = tpu.memref_slice %arg9[%add3A_193, %dma_start3A_194] : memref<40x128xi32, #tpu.memory_space<vmem>> -> memref<1x128xi32, #tpu.memory_space<vmem>>
        %dma_start3A_196 = tpu.memref_squeeze %dma_start3A_195 : memref<1x128xi32, #tpu.memory_space<vmem>> -> memref<128xi32, #tpu.memory_space<vmem>>
        %dma_start3A_197 = arith.constant 0 : i32
        %dma_start3A_198 = arith.constant 0 : i32
        %dma_start3A_199 = tpu.memref_slice %arg16[%dma_start3A_197, %dma_start3A_198] : memref<10240x128xf32, #tpu.memory_space<vmem_shared>> -> memref<10240x128xf32, #tpu.memory_space<vmem_shared>>
        tpu.enqueue_indirect_dma source(%arg11 : memref<128x128xf32, #tpu.memory_space<vmem>>) target(%dma_start3A_199 : memref<10240x128xf32, #tpu.memory_space<vmem_shared>>) offsets(%dma_start3A_196 : memref<128xi32, #tpu.memory_space<vmem>>) semaphore(%arg22 : memref<!tpu.dma_semaphore, #tpu.memory_space<semaphore_mem>>) {add = true}
        %add3A_200 = arith.constant 1 : i32
        %add3A_201 = arith.addi %mul3A_149, %add3A_200 : i32
        %dma_start3A_202 = arith.constant 0 : i32
        %dma_start3A_203 = tpu.memref_slice %arg8[%add3A_201, %dma_start3A_202] : memref<40x128xi32, #tpu.memory_space<vmem>> -> memref<1x128xi32, #tpu.memory_space<vmem>>
        %dma_start3A_204 = tpu.memref_squeeze %dma_start3A_203 : memref<1x128xi32, #tpu.memory_space<vmem>> -> memref<128xi32, #tpu.memory_space<vmem>>
        %dma_start3A_205 = arith.constant 0 : i32
        %dma_start3A_206 = tpu.memref_slice %arg18[%dma_start3A_205] : memref<10240xf32, #tpu.memory_space<vmem_shared>> -> memref<10240xf32, #tpu.memory_space<vmem_shared>>
        tpu.enqueue_indirect_dma source(%arg13 : memref<128xf32, #tpu.memory_space<vmem>>) target(%dma_start3A_206 : memref<10240xf32, #tpu.memory_space<vmem_shared>>) offsets(%dma_start3A_204 : memref<128xi32, #tpu.memory_space<vmem>>) semaphore(%arg26 : memref<!tpu.dma_semaphore, #tpu.memory_space<semaphore_mem>>) {add = true}
        %add3A_207 = arith.constant 1 : i32
        %add3A_208 = arith.addi %mul3A_149, %add3A_207 : i32
        %dma_start3A_209 = arith.constant 0 : i32
        %dma_start3A_210 = tpu.memref_slice %arg9[%add3A_208, %dma_start3A_209] : memref<40x128xi32, #tpu.memory_space<vmem>> -> memref<1x128xi32, #tpu.memory_space<vmem>>
        %dma_start3A_211 = tpu.memref_squeeze %dma_start3A_210 : memref<1x128xi32, #tpu.memory_space<vmem>> -> memref<128xi32, #tpu.memory_space<vmem>>
        %dma_start3A_212 = arith.constant 0 : i32
        %dma_start3A_213 = tpu.memref_slice %arg17[%dma_start3A_212] : memref<10240xf32, #tpu.memory_space<vmem_shared>> -> memref<10240xf32, #tpu.memory_space<vmem_shared>>
        tpu.enqueue_indirect_dma source(%arg14 : memref<128xf32, #tpu.memory_space<vmem>>) target(%dma_start3A_213 : memref<10240xf32, #tpu.memory_space<vmem_shared>>) offsets(%dma_start3A_211 : memref<128xi32, #tpu.memory_space<vmem>>) semaphore(%arg27 : memref<!tpu.dma_semaphore, #tpu.memory_space<semaphore_mem>>) {add = true}
        %dma_wait3A_214 = arith.constant 0 : i32
        %dma_wait3A_215 = arith.constant 0 : i32
        %dma_wait3A_216 = tpu.memref_slice %arg9[%dma_wait3A_214, %dma_wait3A_215] : memref<40x128xi32, #tpu.memory_space<vmem>> -> memref<1x128xi32, #tpu.memory_space<vmem>>
        %dma_wait3A_217 = tpu.memref_squeeze %dma_wait3A_216 : memref<1x128xi32, #tpu.memory_space<vmem>> -> memref<128xi32, #tpu.memory_space<vmem>>
        %dma_wait3A_218 = arith.constant 0 : i32
        %dma_wait3A_219 = arith.constant 0 : i32
        %dma_wait3A_220 = tpu.memref_slice %arg16[%dma_wait3A_218, %dma_wait3A_219] : memref<10240x128xf32, #tpu.memory_space<vmem_shared>> -> memref<10240x128xf32, #tpu.memory_space<vmem_shared>>
        tpu.wait_indirect_dma semaphore(%arg21 : memref<!tpu.dma_semaphore, #tpu.memory_space<semaphore_mem>>) src(%arg10 : memref<128x128xf32, #tpu.memory_space<vmem>>) dst(%dma_wait3A_220 : memref<10240x128xf32, #tpu.memory_space<vmem_shared>>)
        %dma_wait3A_221 = arith.constant 0 : i32
        %dma_wait3A_222 = arith.constant 0 : i32
        %dma_wait3A_223 = tpu.memref_slice %arg8[%dma_wait3A_221, %dma_wait3A_222] : memref<40x128xi32, #tpu.memory_space<vmem>> -> memref<1x128xi32, #tpu.memory_space<vmem>>
        %dma_wait3A_224 = tpu.memref_squeeze %dma_wait3A_223 : memref<1x128xi32, #tpu.memory_space<vmem>> -> memref<128xi32, #tpu.memory_space<vmem>>
        %dma_wait3A_225 = arith.constant 0 : i32
        %dma_wait3A_226 = tpu.memref_slice %arg18[%dma_wait3A_225] : memref<10240xf32, #tpu.memory_space<vmem_shared>> -> memref<10240xf32, #tpu.memory_space<vmem_shared>>
        tpu.wait_indirect_dma semaphore(%arg25 : memref<!tpu.dma_semaphore, #tpu.memory_space<semaphore_mem>>) src(%arg12 : memref<128xf32, #tpu.memory_space<vmem>>) dst(%dma_wait3A_226 : memref<10240xf32, #tpu.memory_space<vmem_shared>>)
        %add3A_227 = arith.constant 2 : i32
        %add3A_228 = arith.addi %mul3A_149, %add3A_227 : i32
        %sub3A_229 = arith.constant 1 : i32
        %sub3A_230 = arith.subi %min3A_66, %sub3A_229 : i32
        %min3A_231 = arith.minsi %add3A_228, %sub3A_230 : i32
        %dma_start3A_232 = arith.constant 0 : i32
        %dma_start3A_233 = tpu.memref_slice %arg8[%min3A_231, %dma_start3A_232] : memref<40x128xi32, #tpu.memory_space<vmem>> -> memref<1x128xi32, #tpu.memory_space<vmem>>
        %dma_start3A_234 = tpu.memref_squeeze %dma_start3A_233 : memref<1x128xi32, #tpu.memory_space<vmem>> -> memref<128xi32, #tpu.memory_space<vmem>>
        %dma_start3A_235 = arith.constant 0 : i32
        %dma_start3A_236 = arith.constant 0 : i32
        %dma_start3A_237 = tpu.memref_slice %arg3[%dma_start3A_235, %dma_start3A_236] : memref<10000x128xf32, #tpu.memory_space<hbm>> -> memref<10000x128xf32, #tpu.memory_space<hbm>>
        tpu.enqueue_indirect_dma source(%dma_start3A_237 : memref<10000x128xf32, #tpu.memory_space<hbm>>) target(%arg10 : memref<128x128xf32, #tpu.memory_space<vmem>>) offsets(%dma_start3A_234 : memref<128xi32, #tpu.memory_space<vmem>>) semaphore(%arg19 : memref<!tpu.dma_semaphore, #tpu.memory_space<semaphore_mem>>)
        %dma_start3A_238 = arith.constant 0 : i32
        %dma_start3A_239 = tpu.memref_slice %arg9[%min3A_231, %dma_start3A_238] : memref<40x128xi32, #tpu.memory_space<vmem>> -> memref<1x128xi32, #tpu.memory_space<vmem>>
        %dma_start3A_240 = tpu.memref_squeeze %dma_start3A_239 : memref<1x128xi32, #tpu.memory_space<vmem>> -> memref<128xi32, #tpu.memory_space<vmem>>
        %dma_start3A_241 = arith.constant 0 : i32
        %dma_start3A_242 = tpu.memref_slice %arg4[%dma_start3A_241] : memref<10240xf32, #tpu.memory_space<hbm>> -> memref<10240xf32, #tpu.memory_space<hbm>>
        tpu.enqueue_indirect_dma source(%dma_start3A_242 : memref<10240xf32, #tpu.memory_space<hbm>>) target(%arg12 : memref<128xf32, #tpu.memory_space<vmem>>) offsets(%dma_start3A_240 : memref<128xi32, #tpu.memory_space<vmem>>) semaphore(%arg23 : memref<!tpu.dma_semaphore, #tpu.memory_space<semaphore_mem>>)
        %dma_wait3A_243 = arith.constant 0 : i32
        %dma_wait3A_244 = arith.constant 0 : i32
        %dma_wait3A_245 = tpu.memref_slice %arg9[%dma_wait3A_243, %dma_wait3A_244] : memref<40x128xi32, #tpu.memory_space<vmem>> -> memref<1x128xi32, #tpu.memory_space<vmem>>
        %dma_wait3A_246 = tpu.memref_squeeze %dma_wait3A_245 : memref<1x128xi32, #tpu.memory_space<vmem>> -> memref<128xi32, #tpu.memory_space<vmem>>
        %dma_wait3A_247 = arith.constant 0 : i32
        %dma_wait3A_248 = arith.constant 0 : i32
        %dma_wait3A_249 = tpu.memref_slice %arg16[%dma_wait3A_247, %dma_wait3A_248] : memref<10240x128xf32, #tpu.memory_space<vmem_shared>> -> memref<10240x128xf32, #tpu.memory_space<vmem_shared>>
        tpu.wait_indirect_dma semaphore(%arg22 : memref<!tpu.dma_semaphore, #tpu.memory_space<semaphore_mem>>) src(%arg11 : memref<128x128xf32, #tpu.memory_space<vmem>>) dst(%dma_wait3A_249 : memref<10240x128xf32, #tpu.memory_space<vmem_shared>>)
        %dma_wait3A_250 = arith.constant 0 : i32
        %dma_wait3A_251 = arith.constant 0 : i32
        %dma_wait3A_252 = tpu.memref_slice %arg8[%dma_wait3A_250, %dma_wait3A_251] : memref<40x128xi32, #tpu.memory_space<vmem>> -> memref<1x128xi32, #tpu.memory_space<vmem>>
        %dma_wait3A_253 = tpu.memref_squeeze %dma_wait3A_252 : memref<1x128xi32, #tpu.memory_space<vmem>> -> memref<128xi32, #tpu.memory_space<vmem>>
        %dma_wait3A_254 = arith.constant 0 : i32
        %dma_wait3A_255 = tpu.memref_slice %arg18[%dma_wait3A_254] : memref<10240xf32, #tpu.memory_space<vmem_shared>> -> memref<10240xf32, #tpu.memory_space<vmem_shared>>
        tpu.wait_indirect_dma semaphore(%arg26 : memref<!tpu.dma_semaphore, #tpu.memory_space<semaphore_mem>>) src(%arg13 : memref<128xf32, #tpu.memory_space<vmem>>) dst(%dma_wait3A_255 : memref<10240xf32, #tpu.memory_space<vmem_shared>>)
        %add3A_256 = arith.constant 3 : i32
        %add3A_257 = arith.addi %mul3A_149, %add3A_256 : i32
        %sub3A_258 = arith.constant 1 : i32
        %sub3A_259 = arith.subi %min3A_66, %sub3A_258 : i32
        %min3A_260 = arith.minsi %add3A_257, %sub3A_259 : i32
        %dma_start3A_261 = arith.constant 0 : i32
        %dma_start3A_262 = tpu.memref_slice %arg8[%min3A_260, %dma_start3A_261] : memref<40x128xi32, #tpu.memory_space<vmem>> -> memref<1x128xi32, #tpu.memory_space<vmem>>
        %dma_start3A_263 = tpu.memref_squeeze %dma_start3A_262 : memref<1x128xi32, #tpu.memory_space<vmem>> -> memref<128xi32, #tpu.memory_space<vmem>>
        %dma_start3A_264 = arith.constant 0 : i32
        %dma_start3A_265 = arith.constant 0 : i32
        %dma_start3A_266 = tpu.memref_slice %arg3[%dma_start3A_264, %dma_start3A_265] : memref<10000x128xf32, #tpu.memory_space<hbm>> -> memref<10000x128xf32, #tpu.memory_space<hbm>>
        tpu.enqueue_indirect_dma source(%dma_start3A_266 : memref<10000x128xf32, #tpu.memory_space<hbm>>) target(%arg11 : memref<128x128xf32, #tpu.memory_space<vmem>>) offsets(%dma_start3A_263 : memref<128xi32, #tpu.memory_space<vmem>>) semaphore(%arg20 : memref<!tpu.dma_semaphore, #tpu.memory_space<semaphore_mem>>)
        %dma_start3A_267 = arith.constant 0 : i32
        %dma_start3A_268 = tpu.memref_slice %arg9[%min3A_260, %dma_start3A_267] : memref<40x128xi32, #tpu.memory_space<vmem>> -> memref<1x128xi32, #tpu.memory_space<vmem>>
        %dma_start3A_269 = tpu.memref_squeeze %dma_start3A_268 : memref<1x128xi32, #tpu.memory_space<vmem>> -> memref<128xi32, #tpu.memory_space<vmem>>
        %dma_start3A_270 = arith.constant 0 : i32
        %dma_start3A_271 = tpu.memref_slice %arg4[%dma_start3A_270] : memref<10240xf32, #tpu.memory_space<hbm>> -> memref<10240xf32, #tpu.memory_space<hbm>>
        tpu.enqueue_indirect_dma source(%dma_start3A_271 : memref<10240xf32, #tpu.memory_space<hbm>>) target(%arg13 : memref<128xf32, #tpu.memory_space<vmem>>) offsets(%dma_start3A_269 : memref<128xi32, #tpu.memory_space<vmem>>) semaphore(%arg24 : memref<!tpu.dma_semaphore, #tpu.memory_space<semaphore_mem>>)
        %dma_wait3A_272 = arith.constant 0 : i32
        %dma_wait3A_273 = arith.constant 0 : i32
        %dma_wait3A_274 = tpu.memref_slice %arg9[%dma_wait3A_272, %dma_wait3A_273] : memref<40x128xi32, #tpu.memory_space<vmem>> -> memref<1x128xi32, #tpu.memory_space<vmem>>
        %dma_wait3A_275 = tpu.memref_squeeze %dma_wait3A_274 : memref<1x128xi32, #tpu.memory_space<vmem>> -> memref<128xi32, #tpu.memory_space<vmem>>
        %dma_wait3A_276 = arith.constant 0 : i32
        %dma_wait3A_277 = tpu.memref_slice %arg17[%dma_wait3A_276] : memref<10240xf32, #tpu.memory_space<vmem_shared>> -> memref<10240xf32, #tpu.memory_space<vmem_shared>>
        tpu.wait_indirect_dma semaphore(%arg27 : memref<!tpu.dma_semaphore, #tpu.memory_space<semaphore_mem>>) src(%arg14 : memref<128xf32, #tpu.memory_space<vmem>>) dst(%dma_wait3A_277 : memref<10240xf32, #tpu.memory_space<vmem_shared>>)
        %dma_wait3A_278 = arith.constant 0 : i32
        %dma_wait3A_279 = arith.constant 0 : i32
        %dma_wait3A_280 = tpu.memref_slice %arg9[%dma_wait3A_278, %dma_wait3A_279] : memref<40x128xi32, #tpu.memory_space<vmem>> -> memref<1x128xi32, #tpu.memory_space<vmem>>
        %dma_wait3A_281 = tpu.memref_squeeze %dma_wait3A_280 : memref<1x128xi32, #tpu.memory_space<vmem>> -> memref<128xi32, #tpu.memory_space<vmem>>
        %dma_wait3A_282 = arith.constant 0 : i32
        %dma_wait3A_283 = tpu.memref_slice %arg17[%dma_wait3A_282] : memref<10240xf32, #tpu.memory_space<vmem_shared>> -> memref<10240xf32, #tpu.memory_space<vmem_shared>>
        tpu.wait_indirect_dma semaphore(%arg27 : memref<!tpu.dma_semaphore, #tpu.memory_space<semaphore_mem>>) src(%arg14 : memref<128xf32, #tpu.memory_space<vmem>>) dst(%dma_wait3A_283 : memref<10240xf32, #tpu.memory_space<vmem_shared>>)
      }
      %dma_wait3A = arith.constant 0 : i32
      %dma_wait3A_122 = arith.constant 0 : i32
      %dma_wait3A_123 = tpu.memref_slice %arg8[%dma_wait3A, %dma_wait3A_122] : memref<40x128xi32, #tpu.memory_space<vmem>> -> memref<1x128xi32, #tpu.memory_space<vmem>>
      %dma_wait3A_124 = tpu.memref_squeeze %dma_wait3A_123 : memref<1x128xi32, #tpu.memory_space<vmem>> -> memref<128xi32, #tpu.memory_space<vmem>>
      %dma_wait3A_125 = arith.constant 0 : i32
      %dma_wait3A_126 = arith.constant 0 : i32
      %dma_wait3A_127 = tpu.memref_slice %arg3[%dma_wait3A_125, %dma_wait3A_126] : memref<10000x128xf32, #tpu.memory_space<hbm>> -> memref<10000x128xf32, #tpu.memory_space<hbm>>
      tpu.wait_indirect_dma semaphore(%arg19 : memref<!tpu.dma_semaphore, #tpu.memory_space<semaphore_mem>>) src(%dma_wait3A_127 : memref<10000x128xf32, #tpu.memory_space<hbm>>) dst(%arg10 : memref<128x128xf32, #tpu.memory_space<vmem>>)
      %dma_wait3A_128 = arith.constant 0 : i32
      %dma_wait3A_129 = arith.constant 0 : i32
      %dma_wait3A_130 = tpu.memref_slice %arg9[%dma_wait3A_128, %dma_wait3A_129] : memref<40x128xi32, #tpu.memory_space<vmem>> -> memref<1x128xi32, #tpu.memory_space<vmem>>
      %dma_wait3A_131 = tpu.memref_squeeze %dma_wait3A_130 : memref<1x128xi32, #tpu.memory_space<vmem>> -> memref<128xi32, #tpu.memory_space<vmem>>
      %dma_wait3A_132 = arith.constant 0 : i32
      %dma_wait3A_133 = tpu.memref_slice %arg4[%dma_wait3A_132] : memref<10240xf32, #tpu.memory_space<hbm>> -> memref<10240xf32, #tpu.memory_space<hbm>>
      tpu.wait_indirect_dma semaphore(%arg23 : memref<!tpu.dma_semaphore, #tpu.memory_space<semaphore_mem>>) src(%dma_wait3A_133 : memref<10240xf32, #tpu.memory_space<hbm>>) dst(%arg12 : memref<128xf32, #tpu.memory_space<vmem>>)
      %dma_wait3A_134 = arith.constant 0 : i32
      %dma_wait3A_135 = arith.constant 0 : i32
      %dma_wait3A_136 = tpu.memref_slice %arg8[%dma_wait3A_134, %dma_wait3A_135] : memref<40x128xi32, #tpu.memory_space<vmem>> -> memref<1x128xi32, #tpu.memory_space<vmem>>
      %dma_wait3A_137 = tpu.memref_squeeze %dma_wait3A_136 : memref<1x128xi32, #tpu.memory_space<vmem>> -> memref<128xi32, #tpu.memory_space<vmem>>
      %dma_wait3A_138 = arith.constant 0 : i32
      %dma_wait3A_139 = arith.constant 0 : i32
      %dma_wait3A_140 = tpu.memref_slice %arg3[%dma_wait3A_138, %dma_wait3A_139] : memref<10000x128xf32, #tpu.memory_space<hbm>> -> memref<10000x128xf32, #tpu.memory_space<hbm>>
      tpu.wait_indirect_dma semaphore(%arg20 : memref<!tpu.dma_semaphore, #tpu.memory_space<semaphore_mem>>) src(%dma_wait3A_140 : memref<10000x128xf32, #tpu.memory_space<hbm>>) dst(%arg11 : memref<128x128xf32, #tpu.memory_space<vmem>>)
      %dma_wait3A_141 = arith.constant 0 : i32
      %dma_wait3A_142 = arith.constant 0 : i32
      %dma_wait3A_143 = tpu.memref_slice %arg9[%dma_wait3A_141, %dma_wait3A_142] : memref<40x128xi32, #tpu.memory_space<vmem>> -> memref<1x128xi32, #tpu.memory_space<vmem>>
      %dma_wait3A_144 = tpu.memref_squeeze %dma_wait3A_143 : memref<1x128xi32, #tpu.memory_space<vmem>> -> memref<128xi32, #tpu.memory_space<vmem>>
      %dma_wait3A_145 = arith.constant 0 : i32
      %dma_wait3A_146 = tpu.memref_slice %arg4[%dma_wait3A_145] : memref<10240xf32, #tpu.memory_space<hbm>> -> memref<10240xf32, #tpu.memory_space<hbm>>
      tpu.wait_indirect_dma semaphore(%arg24 : memref<!tpu.dma_semaphore, #tpu.memory_space<semaphore_mem>>) src(%dma_wait3A_146 : memref<10240xf32, #tpu.memory_space<hbm>>) dst(%arg13 : memref<128xf32, #tpu.memory_space<vmem>>)
    }
    %barrier3A_43 = arith.constant 0 : index
    tpu.barrier barrier_id(%barrier3A_43)
    %scan3A_44 = arith.constant 0 : i32
    %scan3A_45 = arith.constant 0 : i32
    %scan3A_46 = arith.constant 5 : i32
    %scan3A_47 = arith.addi %scan3A_45, %scan3A_46 : i32
    %scan3A_48 = arith.constant 1 : i32
    scf.for %scan3A_58 = %scan3A_45 to %scan3A_47 step %scan3A_48  : i32 {
      %mul3A_59 = arith.constant 640 : i32
      %mul3A_60 = arith.muli %arg1, %mul3A_59 : i32
      %mul3A_61 = arith.constant 128 : i32
      %mul3A_62 = arith.muli %scan3A_58, %mul3A_61 : i32
      %add3A_63 = arith.addi %mul3A_60, %mul3A_62 : i32
      "tpu.region"() ({
        %run_scoped3A = tpu.sem_alloc : memref<!tpu.dma_semaphore, #tpu.memory_space<semaphore_mem>>
        %dma_start3A = arith.constant 0 : i32
        %dma_start3A_64 = tpu.memref_slice %arg5[%arg0, %add3A_63, %dma_start3A] : memref<2x10240x128xf32, #tpu.memory_space<hbm>> -> memref<1x128x128xf32, #tpu.memory_space<hbm>>
        %dma_start3A_65 = tpu.memref_squeeze %dma_start3A_64 : memref<1x128x128xf32, #tpu.memory_space<hbm>> -> memref<128x128xf32, #tpu.memory_space<hbm>>
        %dma_start3A_66 = arith.constant 0 : i32
        %dma_start3A_67 = tpu.memref_slice %arg16[%add3A_63, %dma_start3A_66] : memref<10240x128xf32, #tpu.memory_space<vmem_shared>> -> memref<128x128xf32, #tpu.memory_space<vmem_shared>>
        tpu.enqueue_dma source(%dma_start3A_67 : memref<128x128xf32, #tpu.memory_space<vmem_shared>>) target(%dma_start3A_65 : memref<128x128xf32, #tpu.memory_space<hbm>>) target_semaphore(%run_scoped3A : memref<!tpu.dma_semaphore, #tpu.memory_space<semaphore_mem>>)
        %dma_wait3A = arith.constant 0 : i32
        %dma_wait3A_68 = tpu.memref_slice %arg5[%arg0, %add3A_63, %dma_wait3A] : memref<2x10240x128xf32, #tpu.memory_space<hbm>> -> memref<1x128x128xf32, #tpu.memory_space<hbm>>
        %dma_wait3A_69 = tpu.memref_squeeze %dma_wait3A_68 : memref<1x128x128xf32, #tpu.memory_space<hbm>> -> memref<128x128xf32, #tpu.memory_space<hbm>>
        %dma_wait3A_70 = arith.constant 0 : i32
        %dma_wait3A_71 = tpu.memref_slice %arg16[%add3A_63, %dma_wait3A_70] : memref<10240x128xf32, #tpu.memory_space<vmem_shared>> -> memref<128x128xf32, #tpu.memory_space<vmem_shared>>
        tpu.wait_dma2 semaphore(%run_scoped3A : memref<!tpu.dma_semaphore, #tpu.memory_space<semaphore_mem>>) src(%dma_wait3A_71 : memref<128x128xf32, #tpu.memory_space<vmem_shared>>) dst(%dma_wait3A_69 : memref<128x128xf32, #tpu.memory_space<hbm>>)
        tpu.yield
      }) : () -> ()
    }
    %scan3A_49 = arith.constant 5 : i32
    %mul3A_50 = arith.constant 640 : i32
    %mul3A_51 = arith.muli %arg1, %mul3A_50 : i32
    %mul3A_52 = arith.constant 640 : i32
    %mul3A_53 = arith.muli %arg1, %mul3A_52 : i32
    "tpu.region"() ({
      %run_scoped3A = tpu.sem_alloc : memref<!tpu.dma_semaphore, #tpu.memory_space<semaphore_mem>>
      %dma_start3A = tpu.memref_slice %arg6[%arg0, %mul3A_53] : memref<2x10240xf32, #tpu.memory_space<hbm>> -> memref<1x640xf32, #tpu.memory_space<hbm>>
      %dma_start3A_58 = tpu.memref_squeeze %dma_start3A : memref<1x640xf32, #tpu.memory_space<hbm>> -> memref<640xf32, #tpu.memory_space<hbm>>
      %dma_start3A_59 = tpu.memref_slice %arg17[%mul3A_51] : memref<10240xf32, #tpu.memory_space<vmem_shared>> -> memref<640xf32, #tpu.memory_space<vmem_shared>>
      tpu.enqueue_dma source(%dma_start3A_59 : memref<640xf32, #tpu.memory_space<vmem_shared>>) target(%dma_start3A_58 : memref<640xf32, #tpu.memory_space<hbm>>) target_semaphore(%run_scoped3A : memref<!tpu.dma_semaphore, #tpu.memory_space<semaphore_mem>>)
      %dma_wait3A = tpu.memref_slice %arg6[%arg0, %mul3A_53] : memref<2x10240xf32, #tpu.memory_space<hbm>> -> memref<1x640xf32, #tpu.memory_space<hbm>>
      %dma_wait3A_60 = tpu.memref_squeeze %dma_wait3A : memref<1x640xf32, #tpu.memory_space<hbm>> -> memref<640xf32, #tpu.memory_space<hbm>>
      %dma_wait3A_61 = tpu.memref_slice %arg17[%mul3A_51] : memref<10240xf32, #tpu.memory_space<vmem_shared>> -> memref<640xf32, #tpu.memory_space<vmem_shared>>
      tpu.wait_dma2 semaphore(%run_scoped3A : memref<!tpu.dma_semaphore, #tpu.memory_space<semaphore_mem>>) src(%dma_wait3A_61 : memref<640xf32, #tpu.memory_space<vmem_shared>>) dst(%dma_wait3A_60 : memref<640xf32, #tpu.memory_space<hbm>>)
      tpu.yield
    }) : () -> ()
    %mul3A_54 = arith.constant 640 : i32
    %mul3A_55 = arith.muli %arg1, %mul3A_54 : i32
    %mul3A_56 = arith.constant 640 : i32
    %mul3A_57 = arith.muli %arg1, %mul3A_56 : i32
    "tpu.region"() ({
      %run_scoped3A = tpu.sem_alloc : memref<!tpu.dma_semaphore, #tpu.memory_space<semaphore_mem>>
      %dma_start3A = tpu.memref_slice %arg7[%arg0, %mul3A_57] : memref<2x10240xf32, #tpu.memory_space<hbm>> -> memref<1x640xf32, #tpu.memory_space<hbm>>
      %dma_start3A_58 = tpu.memref_squeeze %dma_start3A : memref<1x640xf32, #tpu.memory_space<hbm>> -> memref<640xf32, #tpu.memory_space<hbm>>
      %dma_start3A_59 = tpu.memref_slice %arg18[%mul3A_55] : memref<10240xf32, #tpu.memory_space<vmem_shared>> -> memref<640xf32, #tpu.memory_space<vmem_shared>>
      tpu.enqueue_dma source(%dma_start3A_59 : memref<640xf32, #tpu.memory_space<vmem_shared>>) target(%dma_start3A_58 : memref<640xf32, #tpu.memory_space<hbm>>) target_semaphore(%run_scoped3A : memref<!tpu.dma_semaphore, #tpu.memory_space<semaphore_mem>>)
      %dma_wait3A = tpu.memref_slice %arg7[%arg0, %mul3A_57] : memref<2x10240xf32, #tpu.memory_space<hbm>> -> memref<1x640xf32, #tpu.memory_space<hbm>>
      %dma_wait3A_60 = tpu.memref_squeeze %dma_wait3A : memref<1x640xf32, #tpu.memory_space<hbm>> -> memref<640xf32, #tpu.memory_space<hbm>>
      %dma_wait3A_61 = tpu.memref_slice %arg18[%mul3A_55] : memref<10240xf32, #tpu.memory_space<vmem_shared>> -> memref<640xf32, #tpu.memory_space<vmem_shared>>
      tpu.wait_dma2 semaphore(%run_scoped3A : memref<!tpu.dma_semaphore, #tpu.memory_space<semaphore_mem>>) src(%dma_wait3A_61 : memref<640xf32, #tpu.memory_space<vmem_shared>>) dst(%dma_wait3A_60 : memref<640xf32, #tpu.memory_space<hbm>>)
      tpu.yield
    }) : () -> ()
    return
  }
}

module attributes {stable_mosaic.version = 14 : i64} {
  func.func @_combine_kernel(%arg0: i32, %arg1: memref<2x2048x128xf32, #tpu.memory_space<vmem>>, %arg2: memref<2x16x128xf32, #tpu.memory_space<vmem>>, %arg3: memref<2048x1xf32, #tpu.memory_space<vmem>>, %arg4: memref<128x128xf32, #tpu.memory_space<vmem>>, %arg5: memref<1x128xf32, #tpu.memory_space<vmem>>, %arg6: memref<2048x128xf32, #tpu.memory_space<vmem>>) attributes {dimension_semantics = [#tpu.dimension_semantics<arbitrary>], iteration_bounds = array<i64: 5>, scalar_prefetch = 0 : i64, scratch_operands = 0 : i64, tpu.core_type = #tpu.core_type<tc>, window_params = [{transform_indices = @transform_0, window_bounds = array<i64: 2, 2048, 128>}, {transform_indices = @transform_1, window_bounds = array<i64: 2, 16, 128>}, {transform_indices = @transform_2, window_bounds = array<i64: 2048, 1>}, {pipeline_mode = #tpu.pipeline_mode<synchronous>, transform_indices = @transform_3, window_bounds = array<i64: 128, 128>}, {pipeline_mode = #tpu.pipeline_mode<synchronous>, transform_indices = @transform_4, window_bounds = array<i64: 1, 128>}, {transform_indices = @transform_5, window_bounds = array<i64: 2048, 128>}]} {
    %get3A = arith.constant 0 : index
    %get3A_0 = arith.constant 0 : index
    %get3A_1 = arith.constant 0 : index
    %get3A_2 = vector.load %arg1[%get3A, %get3A_0, %get3A_1] : memref<2x2048x128xf32, #tpu.memory_space<vmem>>, vector<1x2048x128xf32>
    %get3A_3 = vector.shape_cast %get3A_2 : vector<1x2048x128xf32> to vector<2048x128xf32>
    %get3A_4 = arith.constant 1 : index
    %get3A_5 = arith.constant 0 : index
    %get3A_6 = arith.constant 0 : index
    %get3A_7 = vector.load %arg1[%get3A_4, %get3A_5, %get3A_6] : memref<2x2048x128xf32, #tpu.memory_space<vmem>>, vector<1x2048x128xf32>
    %get3A_8 = vector.shape_cast %get3A_7 : vector<1x2048x128xf32> to vector<2048x128xf32>
    %add3A = arith.addf %get3A_3, %get3A_8 : vector<2048x128xf32>
    %get3A_9 = arith.constant 0 : index
    %get3A_10 = arith.constant 0 : index
    %get3A_11 = arith.constant 0 : index
    %get3A_12 = vector.load %arg2[%get3A_9, %get3A_10, %get3A_11] : memref<2x16x128xf32, #tpu.memory_space<vmem>>, vector<1x16x128xf32>
    %get3A_13 = vector.shape_cast %get3A_12 : vector<1x16x128xf32> to vector<16x128xf32>
    %get3A_14 = arith.constant 1 : index
    %get3A_15 = arith.constant 0 : index
    %get3A_16 = arith.constant 0 : index
    %get3A_17 = vector.load %arg2[%get3A_14, %get3A_15, %get3A_16] : memref<2x16x128xf32, #tpu.memory_space<vmem>>, vector<1x16x128xf32>
    %get3A_18 = vector.shape_cast %get3A_17 : vector<1x16x128xf32> to vector<16x128xf32>
    %add3A_19 = arith.addf %get3A_13, %get3A_18 : vector<16x128xf32>
    %broadcast_in_dim3A = vector.shape_cast %add3A_19 : vector<16x128xf32> to vector<16x1x128xf32>
    %broadcast_in_dim3A_20 = vector.broadcast %broadcast_in_dim3A : vector<16x1x128xf32> to vector<16x128x128xf32>
    %reshape3A = vector.shape_cast %broadcast_in_dim3A_20 : vector<16x128x128xf32> to vector<2048x128xf32>
    %iota3A = tpu.iota {dimensions = array<i32: 1>} : vector<2048x128xi32>
    %iota3A_21 = tpu.iota {dimensions = array<i32: 0>} : vector<2048x128xi32>
    %jit3A = arith.constant 128 : i32
    %eq3A = arith.constant 0 : i32
    %eq3A_22 = arith.cmpi eq, %jit3A, %eq3A : i32
    %jit3A_23 = arith.constant 1 : i32
    %select_n3A = arith.select %eq3A_22, %jit3A_23, %jit3A : i32
    %rem3A = vector.broadcast %select_n3A : i32 to vector<2048x128xi32>
    %rem3A_24 = arith.remsi %iota3A_21, %rem3A : vector<2048x128xi32>
    %ne3A = arith.constant 0 : i32
    %ne3A_25 = vector.broadcast %ne3A : i32 to vector<2048x128xi32>
    %ne3A_26 = arith.cmpi ne, %rem3A_24, %ne3A_25 : vector<2048x128xi32>
    %lt3A = arith.constant 0 : i32
    %lt3A_27 = vector.broadcast %lt3A : i32 to vector<2048x128xi32>
    %lt3A_28 = arith.cmpi slt, %rem3A_24, %lt3A_27 : vector<2048x128xi32>
    %lt3A_29 = arith.constant 0 : i32
    %lt3A_30 = arith.cmpi slt, %select_n3A, %lt3A_29 : i32
    %ne3A_31 = vector.broadcast %lt3A_30 : i1 to vector<2048x128xi1>
    %ne3A_32 = vector.broadcast %ne3A_31 : vector<2048x128xi1> to vector<2048x128xi1>
    %ne3A_33 = arith.xori %lt3A_28, %ne3A_32 : vector<2048x128xi1>
    %and3A = arith.andi %ne3A_33, %ne3A_26 : vector<2048x128xi1>
    %add3A_34 = vector.broadcast %select_n3A : i32 to vector<2048x128xi32>
    %add3A_35 = arith.addi %rem3A_24, %add3A_34 : vector<2048x128xi32>
    %select_n3A_36 = arith.select %and3A, %add3A_35, %rem3A_24 : vector<2048x128xi1>, vector<2048x128xi32>
    %eq3A_37 = arith.cmpi eq, %iota3A, %select_n3A_36 : vector<2048x128xi32>
    %jit3A_38 = arith.constant 0.000000e+00 : f32
    %broadcast_in_dim3A_39 = vector.broadcast %jit3A_38 : f32 to vector<2048x128xf32>
    %select_n3A_40 = arith.select %eq3A_37, %reshape3A, %broadcast_in_dim3A_39 : vector<2048x128xi1>, vector<2048x128xf32>
    %reduce_sum3A = arith.constant dense<0.000000e+00> : vector<2048xf32>
    %reduce_sum3A_41 = vector.multi_reduction <add>, %select_n3A_40, %reduce_sum3A [1] : vector<2048x128xf32> to vector<2048xf32>
    %broadcast_in_dim3A_42 = vector.shape_cast %reduce_sum3A_41 : vector<2048xf32> to vector<2048x1xf32>
    %gt3A = arith.constant 0.000000e+00 : f32
    %gt3A_43 = vector.broadcast %gt3A : f32 to vector<2048x1xf32>
    %gt3A_44 = arith.cmpf ogt, %broadcast_in_dim3A_42, %gt3A_43 : vector<2048x1xf32>
    %div3A = arith.constant 1.000000e+00 : f32
    %div3A_45 = vector.broadcast %div3A : f32 to vector<2048x1xf32>
    %div3A_46 = arith.divf %div3A_45, %broadcast_in_dim3A_42 : vector<2048x1xf32>
    %jit3A_47 = arith.constant 0.000000e+00 : f32
    %broadcast_in_dim3A_48 = vector.broadcast %jit3A_47 : f32 to vector<2048x1xf32>
    %select_n3A_49 = arith.select %gt3A_44, %div3A_46, %broadcast_in_dim3A_48 : vector<2048x1xi1>, vector<2048x1xf32>
    %get3A_50 = arith.constant 0 : index
    %get3A_51 = arith.constant 0 : index
    %get3A_52 = vector.load %arg4[%get3A_50, %get3A_51] : memref<128x128xf32, #tpu.memory_space<vmem>>, vector<128x128xf32>
    %dot_general3A = arith.constant dense<0.000000e+00> : vector<2048x128xf32>
    %dot_general3A_53 = tpu.matmul %add3A, %get3A_52, %dot_general3A {dimension_numbers = #tpu.dot_dimension_numbers<[1], [0], [0], [1], [0, 0, 1, 1], [], []>, transpose_lhs_hint = false} : vector<2048x128xf32>, vector<128x128xf32>, vector<2048x128xf32> -> vector<2048x128xf32>
    %get3A_54 = arith.constant 0 : index
    %get3A_55 = arith.constant 0 : index
    %get3A_56 = vector.load %arg5[%get3A_54, %get3A_55] : memref<1x128xf32, #tpu.memory_space<vmem>>, vector<1x128xf32>
    %mul3A = vector.broadcast %broadcast_in_dim3A_42 : vector<2048x1xf32> to vector<2048x128xf32>
    %mul3A_57 = vector.broadcast %get3A_56 : vector<1x128xf32> to vector<2048x128xf32>
    %mul3A_58 = arith.mulf %mul3A, %mul3A_57 : vector<2048x128xf32>
    %add3A_59 = arith.addf %dot_general3A_53, %mul3A_58 : vector<2048x128xf32>
    %get3A_60 = arith.constant 0 : index
    %get3A_61 = arith.constant 0 : index
    %get3A_62 = vector.load %arg3[%get3A_60, %get3A_61] : memref<2048x1xf32, #tpu.memory_space<vmem>>, vector<2048x1xf32>
    %mul3A_63 = arith.mulf %select_n3A_49, %get3A_62 : vector<2048x1xf32>
    %mul3A_64 = vector.broadcast %mul3A_63 : vector<2048x1xf32> to vector<2048x128xf32>
    %mul3A_65 = arith.mulf %add3A_59, %mul3A_64 : vector<2048x128xf32>
    %swap3A = arith.constant 0 : index
    %swap3A_66 = arith.constant 0 : index
    %swap3A_67 = vector.load %arg6[%swap3A, %swap3A_66] : memref<2048x128xf32, #tpu.memory_space<vmem>>, vector<2048x128xf32>
    tpu.vector_store %arg6[%swap3A, %swap3A_66], %mul3A_65 {strides = array<i32>} : memref<2048x128xf32, #tpu.memory_space<vmem>>, vector<2048x128xf32>,
    return
  }
  func.func @transform_0(%arg0: i32) -> (i32, i32, i32) {
    %c0_i32 = arith.constant 0 : i32
    %c0_i32_0 = arith.constant 0 : i32
    %c0_i32_1 = arith.constant 0 : i32
    return %c0_i32, %arg0, %c0_i32_0 : i32, i32, i32
  }
  func.func @transform_1(%arg0: i32) -> (i32, i32, i32) {
    %c0_i32 = arith.constant 0 : i32
    %c0_i32_0 = arith.constant 0 : i32
    %c0_i32_1 = arith.constant 0 : i32
    return %c0_i32, %arg0, %c0_i32_0 : i32, i32, i32
  }
  func.func @transform_2(%arg0: i32) -> (i32, i32) {
    %c0_i32 = arith.constant 0 : i32
    %c0_i32_0 = arith.constant 0 : i32
    return %arg0, %c0_i32 : i32, i32
  }
  func.func @transform_3(%arg0: i32) -> (i32, i32) {
    %c0_i32 = arith.constant 0 : i32
    %c0_i32_0 = arith.constant 0 : i32
    %c0_i32_1 = arith.constant 0 : i32
    return %c0_i32, %c0_i32_0 : i32, i32
  }
  func.func @transform_4(%arg0: i32) -> (i32, i32) {
    %c0_i32 = arith.constant 0 : i32
    %c0_i32_0 = arith.constant 0 : i32
    %c0_i32_1 = arith.constant 0 : i32
    return %c0_i32, %c0_i32_0 : i32, i32
  }
  func.func @transform_5(%arg0: i32) -> (i32, i32) {
    %c0_i32 = arith.constant 0 : i32
    %c0_i32_0 = arith.constant 0 : i32
    return %arg0, %c0_i32 : i32, i32
  }
}

module attributes {stable_mosaic.version = 14 : i64} {
  func.func @_final_kernel(%arg0: i32, %arg1: memref<2x2048x128xf32, #tpu.memory_space<vmem>>, %arg2: memref<2x16x128xf32, #tpu.memory_space<vmem>>, %arg3: memref<2048x128xf32, #tpu.memory_space<vmem>>, %arg4: memref<1x128xf32, #tpu.memory_space<vmem>>, %arg5: memref<1x128xf32, #tpu.memory_space<vmem>>, %arg6: memref<2048x128xf32, #tpu.memory_space<vmem>>) attributes {dimension_semantics = [#tpu.dimension_semantics<arbitrary>], iteration_bounds = array<i64: 5>, scalar_prefetch = 0 : i64, scratch_operands = 0 : i64, tpu.core_type = #tpu.core_type<tc>, window_params = [{transform_indices = @transform_0, window_bounds = array<i64: 2, 2048, 128>}, {transform_indices = @transform_1, window_bounds = array<i64: 2, 16, 128>}, {transform_indices = @transform_2, window_bounds = array<i64: 2048, 128>}, {pipeline_mode = #tpu.pipeline_mode<synchronous>, transform_indices = @transform_3, window_bounds = array<i64: 1, 128>}, {pipeline_mode = #tpu.pipeline_mode<synchronous>, transform_indices = @transform_4, window_bounds = array<i64: 1, 128>}, {transform_indices = @transform_5, window_bounds = array<i64: 2048, 128>}]} {
    %get3A = arith.constant 0 : index
    %get3A_0 = arith.constant 0 : index
    %get3A_1 = arith.constant 0 : index
    %get3A_2 = vector.load %arg1[%get3A, %get3A_0, %get3A_1] : memref<2x2048x128xf32, #tpu.memory_space<vmem>>, vector<1x2048x128xf32>
    %get3A_3 = vector.shape_cast %get3A_2 : vector<1x2048x128xf32> to vector<2048x128xf32>
    %get3A_4 = arith.constant 1 : index
    %get3A_5 = arith.constant 0 : index
    %get3A_6 = arith.constant 0 : index
    %get3A_7 = vector.load %arg1[%get3A_4, %get3A_5, %get3A_6] : memref<2x2048x128xf32, #tpu.memory_space<vmem>>, vector<1x2048x128xf32>
    %get3A_8 = vector.shape_cast %get3A_7 : vector<1x2048x128xf32> to vector<2048x128xf32>
    %add3A = arith.addf %get3A_3, %get3A_8 : vector<2048x128xf32>
    %get3A_9 = arith.constant 0 : index
    %get3A_10 = arith.constant 0 : index
    %get3A_11 = arith.constant 0 : index
    %get3A_12 = vector.load %arg2[%get3A_9, %get3A_10, %get3A_11] : memref<2x16x128xf32, #tpu.memory_space<vmem>>, vector<1x16x128xf32>
    %get3A_13 = vector.shape_cast %get3A_12 : vector<1x16x128xf32> to vector<16x128xf32>
    %get3A_14 = arith.constant 1 : index
    %get3A_15 = arith.constant 0 : index
    %get3A_16 = arith.constant 0 : index
    %get3A_17 = vector.load %arg2[%get3A_14, %get3A_15, %get3A_16] : memref<2x16x128xf32, #tpu.memory_space<vmem>>, vector<1x16x128xf32>
    %get3A_18 = vector.shape_cast %get3A_17 : vector<1x16x128xf32> to vector<16x128xf32>
    %add3A_19 = arith.addf %get3A_13, %get3A_18 : vector<16x128xf32>
    %broadcast_in_dim3A = vector.shape_cast %add3A_19 : vector<16x128xf32> to vector<16x1x128xf32>
    %broadcast_in_dim3A_20 = vector.broadcast %broadcast_in_dim3A : vector<16x1x128xf32> to vector<16x128x128xf32>
    %reshape3A = vector.shape_cast %broadcast_in_dim3A_20 : vector<16x128x128xf32> to vector<2048x128xf32>
    %iota3A = tpu.iota {dimensions = array<i32: 1>} : vector<2048x128xi32>
    %iota3A_21 = tpu.iota {dimensions = array<i32: 0>} : vector<2048x128xi32>
    %jit3A = arith.constant 128 : i32
    %eq3A = arith.constant 0 : i32
    %eq3A_22 = arith.cmpi eq, %jit3A, %eq3A : i32
    %jit3A_23 = arith.constant 1 : i32
    %select_n3A = arith.select %eq3A_22, %jit3A_23, %jit3A : i32
    %rem3A = vector.broadcast %select_n3A : i32 to vector<2048x128xi32>
    %rem3A_24 = arith.remsi %iota3A_21, %rem3A : vector<2048x128xi32>
    %ne3A = arith.constant 0 : i32
    %ne3A_25 = vector.broadcast %ne3A : i32 to vector<2048x128xi32>
    %ne3A_26 = arith.cmpi ne, %rem3A_24, %ne3A_25 : vector<2048x128xi32>
    %lt3A = arith.constant 0 : i32
    %lt3A_27 = vector.broadcast %lt3A : i32 to vector<2048x128xi32>
    %lt3A_28 = arith.cmpi slt, %rem3A_24, %lt3A_27 : vector<2048x128xi32>
    %lt3A_29 = arith.constant 0 : i32
    %lt3A_30 = arith.cmpi slt, %select_n3A, %lt3A_29 : i32
    %ne3A_31 = vector.broadcast %lt3A_30 : i1 to vector<2048x128xi1>
    %ne3A_32 = vector.broadcast %ne3A_31 : vector<2048x128xi1> to vector<2048x128xi1>
    %ne3A_33 = arith.xori %lt3A_28, %ne3A_32 : vector<2048x128xi1>
    %and3A = arith.andi %ne3A_33, %ne3A_26 : vector<2048x128xi1>
    %add3A_34 = vector.broadcast %select_n3A : i32 to vector<2048x128xi32>
    %add3A_35 = arith.addi %rem3A_24, %add3A_34 : vector<2048x128xi32>
    %select_n3A_36 = arith.select %and3A, %add3A_35, %rem3A_24 : vector<2048x128xi1>, vector<2048x128xi32>
    %eq3A_37 = arith.cmpi eq, %iota3A, %select_n3A_36 : vector<2048x128xi32>
    %jit3A_38 = arith.constant 0.000000e+00 : f32
    %broadcast_in_dim3A_39 = vector.broadcast %jit3A_38 : f32 to vector<2048x128xf32>
    %select_n3A_40 = arith.select %eq3A_37, %reshape3A, %broadcast_in_dim3A_39 : vector<2048x128xi1>, vector<2048x128xf32>
    %reduce_sum3A = arith.constant dense<0.000000e+00> : vector<2048xf32>
    %reduce_sum3A_41 = vector.multi_reduction <add>, %select_n3A_40, %reduce_sum3A [1] : vector<2048x128xf32> to vector<2048xf32>
    %broadcast_in_dim3A_42 = vector.shape_cast %reduce_sum3A_41 : vector<2048xf32> to vector<2048x1xf32>
    %gt3A = arith.constant 0.000000e+00 : f32
    %gt3A_43 = vector.broadcast %gt3A : f32 to vector<2048x1xf32>
    %gt3A_44 = arith.cmpf ogt, %broadcast_in_dim3A_42, %gt3A_43 : vector<2048x1xf32>
    %div3A = arith.constant 1.000000e+00 : f32
    %div3A_45 = vector.broadcast %div3A : f32 to vector<2048x1xf32>
    %div3A_46 = arith.divf %div3A_45, %broadcast_in_dim3A_42 : vector<2048x1xf32>
    %jit3A_47 = arith.constant 0.000000e+00 : f32
    %broadcast_in_dim3A_48 = vector.broadcast %jit3A_47 : f32 to vector<2048x1xf32>
    %select_n3A_49 = arith.select %gt3A_44, %div3A_46, %broadcast_in_dim3A_48 : vector<2048x1xi1>, vector<2048x1xf32>
    %get3A_50 = arith.constant 0 : index
    %get3A_51 = arith.constant 0 : index
    %get3A_52 = vector.load %arg3[%get3A_50, %get3A_51] : memref<2048x128xf32, #tpu.memory_space<vmem>>, vector<2048x128xf32>
    %mul3A = vector.broadcast %select_n3A_49 : vector<2048x1xf32> to vector<2048x128xf32>
    %mul3A_53 = arith.mulf %add3A, %mul3A : vector<2048x128xf32>
    %add3A_54 = arith.addf %get3A_52, %mul3A_53 : vector<2048x128xf32>
    %max3A = arith.constant 0.000000e+00 : f32
    %max3A_55 = vector.broadcast %max3A : f32 to vector<2048x128xf32>
    %max3A_56 = arith.maximumf %add3A_54, %max3A_55 : vector<2048x128xf32>
    %reduce_sum3A_57 = arith.constant dense<0.000000e+00> : vector<2048xf32>
    %reduce_sum3A_58 = vector.multi_reduction <add>, %max3A_56, %reduce_sum3A_57 [1] : vector<2048x128xf32> to vector<2048xf32>
    %broadcast_in_dim3A_59 = vector.shape_cast %reduce_sum3A_58 : vector<2048xf32> to vector<2048x1xf32>
    %div3A_60 = arith.constant 1.280000e+02 : f32
    %div3A_61 = vector.broadcast %div3A_60 : f32 to vector<2048x1xf32>
    %div3A_62 = arith.divf %broadcast_in_dim3A_59, %div3A_61 : vector<2048x1xf32>
    %sub3A = vector.broadcast %div3A_62 : vector<2048x1xf32> to vector<2048x128xf32>
    %sub3A_63 = arith.subf %max3A_56, %sub3A : vector<2048x128xf32>
    %integer_pow3A = arith.mulf %sub3A_63, %sub3A_63 : vector<2048x128xf32>
    %reduce_sum3A_64 = arith.constant dense<0.000000e+00> : vector<2048xf32>
    %reduce_sum3A_65 = vector.multi_reduction <add>, %integer_pow3A, %reduce_sum3A_64 [1] : vector<2048x128xf32> to vector<2048xf32>
    %broadcast_in_dim3A_66 = vector.shape_cast %reduce_sum3A_65 : vector<2048xf32> to vector<2048x1xf32>
    %div3A_67 = arith.constant 1.280000e+02 : f32
    %div3A_68 = vector.broadcast %div3A_67 : f32 to vector<2048x1xf32>
    %div3A_69 = arith.divf %broadcast_in_dim3A_66, %div3A_68 : vector<2048x1xf32>
    %sub3A_70 = vector.broadcast %div3A_62 : vector<2048x1xf32> to vector<2048x128xf32>
    %sub3A_71 = arith.subf %max3A_56, %sub3A_70 : vector<2048x128xf32>
    %add3A_72 = arith.constant 9.99999974E-6 : f32
    %add3A_73 = vector.broadcast %add3A_72 : f32 to vector<2048x1xf32>
    %add3A_74 = arith.addf %div3A_69, %add3A_73 : vector<2048x1xf32>
    %rsqrt3A = math.rsqrt %add3A_74 : vector<2048x1xf32>
    %mul3A_75 = vector.broadcast %rsqrt3A : vector<2048x1xf32> to vector<2048x128xf32>
    %mul3A_76 = arith.mulf %sub3A_71, %mul3A_75 : vector<2048x128xf32>
    %get3A_77 = arith.constant 0 : index
    %get3A_78 = arith.constant 0 : index
    %get3A_79 = vector.load %arg4[%get3A_77, %get3A_78] : memref<1x128xf32, #tpu.memory_space<vmem>>, vector<1x128xf32>
    %mul3A_80 = vector.broadcast %get3A_79 : vector<1x128xf32> to vector<2048x128xf32>
    %mul3A_81 = arith.mulf %mul3A_76, %mul3A_80 : vector<2048x128xf32>
    %get3A_82 = arith.constant 0 : index
    %get3A_83 = arith.constant 0 : index
    %get3A_84 = vector.load %arg5[%get3A_82, %get3A_83] : memref<1x128xf32, #tpu.memory_space<vmem>>, vector<1x128xf32>
    %add3A_85 = vector.broadcast %get3A_84 : vector<1x128xf32> to vector<2048x128xf32>
    %add3A_86 = arith.addf %mul3A_81, %add3A_85 : vector<2048x128xf32>
    %swap3A = arith.constant 0 : index
    %swap3A_87 = arith.constant 0 : index
    %swap3A_88 = vector.load %arg6[%swap3A, %swap3A_87] : memref<2048x128xf32, #tpu.memory_space<vmem>>, vector<2048x128xf32>
    tpu.vector_store %arg6[%swap3A, %swap3A_87], %add3A_86 {strides = array<i32>} : memref<2048x128xf32, #tpu.memory_space<vmem>>, vector<2048x128xf32>,
    return
  }
  func.func @transform_0(%arg0: i32) -> (i32, i32, i32) {
    %c0_i32 = arith.constant 0 : i32
    %c0_i32_0 = arith.constant 0 : i32
    %c0_i32_1 = arith.constant 0 : i32
    return %c0_i32, %arg0, %c0_i32_0 : i32, i32, i32
  }
  func.func @transform_1(%arg0: i32) -> (i32, i32, i32) {
    %c0_i32 = arith.constant 0 : i32
    %c0_i32_0 = arith.constant 0 : i32
    %c0_i32_1 = arith.constant 0 : i32
    return %c0_i32, %arg0, %c0_i32_0 : i32, i32, i32
  }
  func.func @transform_2(%arg0: i32) -> (i32, i32) {
    %c0_i32 = arith.constant 0 : i32
    %c0_i32_0 = arith.constant 0 : i32
    return %arg0, %c0_i32 : i32, i32
  }
  func.func @transform_3(%arg0: i32) -> (i32, i32) {
    %c0_i32 = arith.constant 0 : i32
    %c0_i32_0 = arith.constant 0 : i32
    %c0_i32_1 = arith.constant 0 : i32
    return %c0_i32, %c0_i32_0 : i32, i32
  }
  func.func @transform_4(%arg0: i32) -> (i32, i32) {
    %c0_i32 = arith.constant 0 : i32
    %c0_i32_0 = arith.constant 0 : i32
    %c0_i32_1 = arith.constant 0 : i32
    return %c0_i32, %c0_i32_0 : i32, i32
  }
  func.func @transform_5(%arg0: i32) -> (i32, i32) {
    %c0_i32 = arith.constant 0 : i32
    %c0_i32_0 = arith.constant 0 : i32
    return %arg0, %c0_i32 : i32, i32
  }
}

</mosaic_0001>

<sc_bundles>
// kernel: kernel.6.cloned.1.call-start
scs
__scs_entry_jumppad:
0x0: {  	(pc) =	sbr.rel $0x88, $3  }
0x1: {  	(tag) =	ssettag $0x0;
	lr =	simm.s32 $0x1  }
0x2: {  	[smem:$0x3F9A] =	sst lr;
	_ =	strace $0xD0000000  }
0x3: {  	_ = 	snop  }
0x4: {  	_ = 	snop  }
0x5: {  	_ = 	snop  }
0x6: {  	_ = 	snop  }
0x7: {  	_ = 	snop  }
__scs_overlays_trampoline_lowered:
0x8: {  	[smem:$0x3FA9] =	sst s0  }
0x9: {  	[smem:$0x3FAA] =	sst s1  }
0xa: {  	[smem:$0x3FAB] =	sst s2  }
0xb: {  	[smem:$0x3FAC] =	sst s3  }
0xc: {  	[smem:$0x3FAD] =	sst s4  }
0xd: {  	[smem:$0x3FAE] =	sst s5  }
0xe: {  	[smem:$0x3FAF] =	sst s6  }
0xf: {  	[smem:$0x3FB0] =	sst s7  }
0x10: {  	[smem:$0x3FB1] =	sst s8  }
0x11: {  	[smem:$0x3FB2] =	sst s9;
	s0 =	simm.s32 @!p0 $0x0  }
0x12: {  	s1 =	sld [smem:$0x3F98];
	s0 =	simm.s32 @p0 $0x1  }
0x13: {  	[smem:$0x3FB3] =	sst s0;
	s0 =	simm.s32 @!p1 $0x0  }
0x14: {  	s2 =	sld [smem:$0x3F97];
	s0 =	simm.s32 @p1 $0x1  }
0x15: {  	[smem:$0x3FB4] =	sst s0;
	s0 =	simm.s32 @!p2 $0x0  }
0x16: {  	s3 =	sld [smem:$0x3FDB];
	s0 =	simm.s32 @p2 $0x1  }
0x17: {  	s4 =	simm.s32 $0x1BF5;
	[smem:$0x3FB6] =	sst s0  }
0x18: {  	s0 =	sld [smem:$0x3F99];
	_ =	swait.ge [sflag:s4], $0x0  }
0x19: {  	s7 =	sld [smem:$0x3F9A]  }
0x1a: {  	s8 =	sadd.s32 $0xFFFFE003, lr  }
0x1b: {  	s9 =	sadd.s32 $0xFFFFFEF7, lr;
	s5 =	simm.s32 $0xFFFFFFFF;
	p2 =	slt.u32 s8, $0xFFFFF086  }
0x1c: {  	p1 =	slt.u32 s9, $0xF7A;
	s5 =	simm.s32 @!p2 $0x0  }
0x1d: {  	s5 =	simm.s32 @p1 $0x1;
	p0 =	seq.s32 s7, s2  }
0x1e: {  	s7 =	smul.u32 @!p0 $0xF7A, s2;
	p2 =	seq.s32 @!p0 s5, $0x0  }
0x1f: {  	s9 =	smul.u32 $0xF7A, s1;
	s8 =	simm.s32 @!p0 $0x1BF5;
	p2 =	por !p2, p0  }
0x20: {  	[sflag:s8] =	ssyncset.s32 @!p0 $0xFFFFF086;
	s6 =	sadd.s32 @!p0 s3, s7;
	s7 =	simm.s32 @!p0 $0x108  }
0x21: {  	s3 =	sadd.s32 s3, s9;
	s6 =	sadd.s32 @!p0 $0x88, s6;
	s7 =	simm.s32 @p2 $0x1082  }
0x22: {  	[simem:s7], [sflag:s8] =	dma.local @!p0 [hbm:s6], $0xF7A  }
0x23: {  	s9 =	sor.u32 $0xD0000000, s2;
	s6 =	simm.s32 $0x108;
	_ =	swait.ge @!p0 [sflag:s8], $0x0  }
0x24: {  	s3 =	sadd.s32 $0x88, s3;
	s6 =	simm.s32 @!p1 $0x1082;
	[sflag:s4] =	ssyncset.s32 $0xFFFFF086  }
0x25: {  	[simem:s6], [sflag:s4] =	dma.local [hbm:s3], $0xF7A  }
0x26: {  	[smem:$0x3F9A] =	sst s1;
	(tag) =	ssettag s2;
	_ =	strace s9  }
0x27: {  	s1 =	sld [smem:$0x3FAA]  }
0x28: {  	s2 =	sld [smem:$0x3FAB]  }
0x29: {  	s4 =	sld [smem:$0x3FAD]  }
0x2a: {  	p0 =	seq.s32 s5, $0x0;
	s5 =	sld [smem:$0x3FAE]  }
0x2b: {  	s6 =	sld [smem:$0x3FAF]  }
0x2c: {  	s7 =	sld [smem:$0x3FB0]  }
0x2d: {  	s3 =	simm.s32 $0x108;
	s8 =	sld [smem:$0x3FB1]  }
0x2e: {  	s3 =	simm.s32 @!p0 $0x1082;
	s9 =	sld [smem:$0x3FB2]  }
0x2f: {  	lr =	sadd.s32 s0, s3;
	s0 =	sld [smem:$0x3FA9]  }
0x30: {  	s3 =	sld [smem:$0x3FAC]  }
0x31: {  	[smem:$0x3FB5] =	sst s10  }
0x32: {  	s10 =	sld [smem:$0x3FB3];
	_ =	sdelay $0x3  }
0x33: {  	p0 =	seq.s32 s10, $0x1;
	s10 =	sld [smem:$0x3FB5];
	_ =	sdelay $0x3  }
0x34: {  	[smem:$0x3FB5] =	sst s10  }
0x35: {  	s10 =	sld [smem:$0x3FB4];
	_ =	sdelay $0x3  }
0x36: {  	p1 =	seq.s32 s10, $0x1;
	s10 =	sld [smem:$0x3FB5];
	_ =	sdelay $0x3  }
0x37: {  	[smem:$0x3FB5] =	sst s10  }
0x38: {  	s10 =	sld [smem:$0x3FB6]  }
0x39: {  	_ = 	snop;
	(pc) =	sbr.ind lr, $3  }
0x3a: {  	_ = 	snop  }
0x3b: {  	_ = 	snop  }
0x3c: {  	p2 =	seq.s32 s10, $0x1;
	s10 =	sld [smem:$0x3FB5]  }
0x3d: {  	_ =	shalt  }
0x3e: {  	_ =	shalt  }
0x3f: {  	_ =	shalt  }
0x40: {  	_ =	shalt  }
0x41: {  	_ =	shalt  }
0x42: {  	_ =	shalt  }
0x43: {  	_ =	shalt  }
0x44: {  	_ =	shalt  }
0x45: {  	_ =	shalt  }
0x46: {  	_ =	shalt  }
0x47: {  	_ =	shalt  }
0x48: {  	_ =	shalt  }
0x49: {  	_ =	shalt  }
0x4a: {  	_ =	shalt  }
0x4b: {  	_ =	shalt  }
0x4c: {  	_ =	shalt  }
0x4d: {  	_ =	shalt  }
0x4e: {  	_ =	shalt  }
0x4f: {  	_ =	shalt  }
0x50: {  	_ =	shalt  }
0x51: {  	_ =	shalt  }
0x52: {  	_ =	shalt  }
0x53: {  	_ =	shalt  }
0x54: {  	_ =	shalt  }
0x55: {  	_ =	shalt  }
0x56: {  	_ =	shalt  }
0x57: {  	_ =	shalt  }
0x58: {  	_ =	shalt  }
0x59: {  	_ =	shalt  }
0x5a: {  	_ =	shalt  }
0x5b: {  	_ =	shalt  }
0x5c: {  	_ =	shalt  }
0x5d: {  	_ =	shalt  }
0x5e: {  	_ =	shalt  }
0x5f: {  	_ =	shalt  }
0x60: {  	_ =	shalt  }
0x61: {  	_ =	shalt  }
0x62: {  	_ =	shalt  }
0x63: {  	_ =	shalt  }
0x64: {  	_ =	shalt  }
0x65: {  	_ =	shalt  }
0x66: {  	_ =	shalt  }
0x67: {  	_ =	shalt  }
0x68: {  	_ =	shalt  }
0x69: {  	_ =	shalt  }
0x6a: {  	_ =	shalt  }
0x6b: {  	_ =	shalt  }
0x6c: {  	_ =	shalt  }
0x6d: {  	_ =	shalt  }
0x6e: {  	_ =	shalt  }
0x6f: {  	_ =	shalt  }
0x70: {  	_ =	shalt  }
0x71: {  	_ =	shalt  }
0x72: {  	_ =	shalt  }
0x73: {  	_ =	shalt  }
0x74: {  	_ =	shalt  }
0x75: {  	_ =	shalt  }
0x76: {  	_ =	shalt  }
0x77: {  	_ =	shalt  }
0x78: {  	_ =	shalt  }
0x79: {  	_ =	shalt  }
0x7a: {  	_ =	shalt  }
0x7b: {  	_ =	shalt  }
0x7c: {  	_ =	shalt  }
0x7d: {  	_ =	shalt  }
0x7e: {  	_ =	shalt  }
0x7f: {  	_ =	shalt  }
0x80: {  	_ =	shalt  }
0x81: {  	_ =	shalt  }
0x82: {  	_ =	shalt  }
0x83: {  	_ =	shalt  }
0x84: {  	_ =	shalt  }
0x85: {  	_ =	shalt  }
0x86: {  	_ =	shalt  }
0x87: {  	_ =	shalt  }
.Lfunc_end0:
.L_simem_size_0:
called_computation_lowered:
.L_overlay_start_0:
0x88: {  	s2 =	sld [smem:$0x3FD9]  }
0x89: {  	s3 =	sld [smem:$0x3FFE];
	_ =	sdelay $0x1  }
0x8a: {  	s1 =	srdreg.scid  }
0x8b: {  	s0 =	sand.u32 $0x1, s1  }
0x8c: {  	s17 =	sshll.u32 s0, $0xA;
	s2 =	sadd.s32 s3, s2  }
0x8d: {  	s2 =	sadd.s32 s2, s17  }
0x8e: {  	[smem:$0x3FC1] =	sst s2  }
0x8f: {  	_ = 	snop  }
0x90: {  	s2 =	sld [smem:$0x3FC9]  }
0x91: {  	s18 =	sld [smem:$0x3FD0];
	(tm) =	ssettm $0x1  }
0x92: {  	s4 =	sld [smem:$0x3FFB];
	_ =	sdelay $0x3  }
0x93: {  	_ =	strace s4  }
0x94: {  	s4 =	sld [smem:$0x3FFC];
	_ =	sdelay $0x3  }
0x95: {  	_ =	strace s4  }
0x96: {  	s4 =	sld [smem:$0x3FFD];
	_ =	sdelay $0x3  }
0x97: {  	_ =	strace s4  }
0x98: {  	_ =	strace $0x8FFFFFFF  }
0x99: {  	s19 =	sld [smem:$0x3FDB];
	_ =	sdelay $0x1  }
0x9a: {  	s5 =	simm.s32 $_scs_section_size  }
0x9b: {  	s6 =	simm.s32 $_size__tile_overlayer_lowered;
	s7 =	simm.s32 $_tile_overlayer_lowered  }
0x9c: {  	s22 =	simm.s32 $0x1BFF;
	s21 =	sshll.u32 s7, $0x1;
	s4 =	sadd.s32 s5, s19  }
0x9d: {  	s8 =	simm.s32 $0x0;
	s20 =	sshll.u32 s6, $0x1;
	s6 =	sadd.s32 s21, s4  }
0x9e: {  	[timem:s8], [sflag:s22] =	dma.local [hbm:s6], s20  }
0x9f: {  	_ =	swait.ge [sflag:s22], s20  }
0xa0: {  	s5 =	ssub.s32 $0x0, s20;
	[sflag:s22] =	ssyncset.done $0x0  }
0xa1: {  	[sflag:s22] =	ssyncadd.s32 s5;
	_ =	sdelay $0x1  }
0xa2: {  	s23 =	simm.s32 $0x1B8B  }
0xa3: {  	_ =	swait.ge [sflag:s23], $0x1  }
0xa4: {  	[sflag:s23] =	ssyncset.done $0x0  }
0xa5: {  	s25 =	simm.s32 $0x1B8E;
	s24 =	sld [smem:$0x3FFE];
	[sflag:s23] =	ssyncadd.s32 $0xFFFFFFFF  }
0xa6: {  	s26 =	simm.s32 $execute0_lowered;
	[smem:$0x3FD2] =	sst s25  }
0xa7: {  	s6 =	sshll.u32 s26, $0x1;
	_ =	strace $0x80000046;
	[dreg:$0x1] =	wrdreg $0xFFFFFFFF  }
0xa8: {  	s28 =	simm.s32 $_size_execute0_lowered;
	s4 =	sadd.s32 s4, s6;
	[dreg:$0x0] =	wrdreg $0x0  }
0xa9: {  	s6 =	sshll.u32 s28, $0x1;
	[dreg:$0x2] =	wrdreg s4  }
0xaa: {  	[dreg:$0x3] =	wrdreg s6  }
0xab: {  	[dreg:$0x4] =	wrdreg $0xC0  }
0xac: {  	_ =	task [dreg:s8], $0x5FFFF  }
0xad: {  	[dreg:$0x1] =	wrdreg $0xFFFFFFFF  }
0xae: {  	[dreg:$0x0] =	wrdreg $0x60  }
0xaf: {  	[dreg:$0x2] =	wrdreg s18  }
0xb0: {  	[dreg:$0x3] =	wrdreg s2  }
0xb1: {  	[dreg:$0x4] =	wrdreg s24  }
0xb2: {  	[dreg:$0x5] =	wrdreg $0xAC000  }
0xb3: {  	[dreg:$0x6] =	wrdreg $0x1EC000  }
0xb4: {  	[dreg:$0x7] =	wrdreg $0x1EE800  }
0xb5: {  	[dreg:$0x8] =	wrdreg $0x9  }
0xb6: {  	_ =	task.clear_ibuf [dreg:s8], $0x9FFFF;
	_ =	strace $0x90000046  }
0xb7: {  	s29 =	simm.s32 $0x9;
	_ =	strace $0x80000048  }
0xb8: {  	_ =	swait.ge [sflag:s29], $0x1  }
0xb9: {  	[sflag:s29] =	ssyncadd.s32 $0xFFFFFFFF  }
0xba: {  	_ =	strace $0x90000048  }
0xbb: {  	_ =	sfence  }
0xbc: {  	s30 =	sld [smem:$0x0];
	_ =	sdelay $0x2  }
0xbd: {  	s31 =	sshll.u32 s1, $0xD;
	s1 =	sshrl.u32 s1, $0x2  }
0xbe: {  	s3 =	sand.u32 $0x4000, s31;
	s1 =	sadd.s32 s1, s30  }
0xbf: {  	s0 =	sor.u32 s3, s0;
	s1 =	sshll.u32 s1, $0x11  }
0xc0: {  	s0 =	sor.u32 s1, s0  }
0xc1: {  	s0 =	sadd.s32 $0x8F2B, s0  }
0xc2: {  	[sflag:s0] =	ssyncadd.remote.s32 $0x1  }
0xc3: {  	_ =	sfence.sel $0xFFFF  }
0xc4: {  	[dreg:$0x0] =	wrdreg $0xFFFFFFFF;
	(pc) =	sbr.abs _section_cstart, $3  }
0xc5: {  	[dreg:$0x1] =	wrdreg $0xFFFFFFFF  }
0xc6: {  	_ =	task.clear_ibuf [dreg:s8], $0x2FFFF;
	_ =	strace $0x9FFFFFFF  }
0xc7: {  	(tm) =	ssettm $0x7FFFFFFF  }
tec
execute0_lowered:
.L_overlay_start_1:
0x0: {  	(tag) =	ssettag $0x1  }
0x1: {  	s18 =	rddreg [dreg:$0x0]  }
0x2: {  	s2 =	rddreg [dreg:$0x1]  }
0x3: {  	s0 =	rddreg [dreg:$0x2]  }
0x4: {  	s3 =	rddreg [dreg:$0x3]  }
0x5: {  	s4 =	rddreg [dreg:$0x4]  }
0x6: {  	s6 =	rddreg [dreg:$0x5];
	s16 =	stileid.u32  }
0x7: {  	s1 =	srdreg.scid;
	s7 =	simm.s32 $0x0;
	s5 =	smul.u32 $0x500, s16  }
0x8: {  	s28 =	simm.s32 $0x4;
	s29 =	simm.s32 $0x8;
	s13 =	smul.u32 $0x50000, s16  }
0x9: {  	s30 =	simm.s32 $0x9;
	s1 =	sand.u32 $0x1, s1;
	s14 =	smul.u32 $0x280, s16  }
0xa: {  	[smem:$0x7FF] =	sst s7;
	s12 =	sadd.s32 $0x3800, s0;
	s22 =	smul.u32 $0x14000, s16  }
0xb: {  	s31 =	sadd.s32 $0xA000, s18;
	s18 =	simm.s32 $0x6800;
	s8 =	sshll.u32 s1, $0x4  }
0xc: {  	_ =	strace $0x80000047;
	s9 =	sshll.u32 s1, $0x7;
	s21 =	ssub.s32 $0x2, s1  }
0xd: {  	s1 =	smul.u32 $0x140000, s1;
	s11 =	sor.u32 s16, s8;
	s8 =	sadd.s32 $0x2800, s0  }
0xe: {  	s5 =	sor.u32 s9, s5;
	s10 =	sshrl.u32 s21, $0x1;
	s23 =	sshrl.u32 s13, $0x2  }
0xf: {  	s13 =	sshll.u32 s14, $0x7;
	s25 =	sadd.s32 s14, s4;
	s17 =	sadd.s32 s14, s6  }
0x10: {  	s14 =	simm.s32 $0x7;
	s20 =	smul.u32 $0x50, s11;
	s5 =	sshrl.u32 s5, $0x3  }
0x11: {  	p0 =	sne.s32 s11, $0x1F;
	s24 =	sadd.s32 s1, s22;
	[dreg:$0xa] =	wrdreg s25  }
0x12: {  	[dreg:$0xb] =	wrdreg s17;
	s22 =	sadd.s32 $0x8000, s13;
	s0 =	sadd.s32 s5, s0  }
0x13: {  	s5 =	ssub.s32 s21, s10;
	s11 =	sshrl.u32 s24, $0x3;
	s24 =	sadd.s32 s1, s22  }
0x14: {  	[dreg:$0x7] =	wrdreg s20;
	s15 =	ssub.s32 $0x9C4, s20;
	s19 =	sadd.s32 s12, s11  }
0x15: {  	s16 =	sshrl.u32 s24, $0x3;
	s10 =	sadd.s32 $0x2E00, s0;
	[dreg:$0xc] =	wrdreg s19  }
0x16: {  	s0 =	sadd.s32 $0x53800, s0;
	s9 =	smin.u32 s15, $0x50;
	[dreg:$0x11] =	wrdreg s10  }
0x17: {  	s15 =	sadd.s32 $0x4000, s13;
	s25 =	sadd.s32 s12, s16;
	[dreg:$0x12] =	wrdreg s0  }
0x18: {  	s16 =	sadd.s32 s22, s3;
	[dreg:$0x8] =	wrdreg s9;
	s9 =	sadd.s32 s23, s3  }
0x19: {  	s26 =	sadd.s32 s1, s15;
	s23 =	sadd.s32 $0xC000, s13;
	s13 =	sadd.s32 $0x10000, s13  }
0x1a: {  	[dreg:$0xe] =	wrdreg s25;
	s15 =	sadd.s32 s15, s3;
	s20 =	sshrl.u32 s26, $0x3  }
0x1b: {  	s17 =	sadd.s32 s1, s23;
	s1 =	sadd.s32 s1, s13;
	s19 =	sadd.s32 s13, s3  }
0x1c: {  	s0 =	sshrl.u32 s15, $0x3;
	s24 =	sadd.s32 $0x8000, s9;
	s25 =	sadd.s32 $0xC000, s9  }
0x1d: {  	[dreg:$0x9] =	wrdreg s9;
	s15 =	simm.s32 $0x1400;
	s21 =	sadd.s32 s12, s20  }
0x1e: {  	s17 =	sshrl.u32 s17, $0x3;
	s1 =	sshrl.u32 s1, $0x3;
	[dreg:$0x14] =	wrdreg s0  }
0x1f: {  	s20 =	sshrl.u32 s16, $0x3;
	s22 =	sshrl.u32 s19, $0x3;
	[dreg:$0x19] =	wrdreg s24  }
0x20: {  	[dreg:$0x1a] =	wrdreg s25;
	s0 =	simm.s32 $0x2800;
	s16 =	simm.s32 $0x80  }
0x21: {  	s24 =	simm.s32 $0x2;
	s25 =	simm.s32 $0x6;
	[dreg:$0xd] =	wrdreg s21  }
0x22: {  	s26 =	sadd.s32 s12, s17;
	s1 =	sadd.s32 s12, s1;
	[dreg:$0x15] =	wrdreg s20  }
0x23: {  	s12 =	smax.u32 s5, $0x1;
	s17 =	sadd.s32 s23, s3;
	[dreg:$0x17] =	wrdreg s22  }
0x24: {  	s23 =	sadd.s32 $0x4000, s9;
	s5 =	simm.s32 $0xA;
	[dreg:$0xf] =	wrdreg s26  }
.Ltmp0:
0x25: {  	s20 =	simm.s32 $0xA880;
	[dreg:$0x10] =	wrdreg s1;
	(pc) =	sbr.rel .LBB2_1-.Ltmp0, $4  }
0x26: {  	s22 =	simm.s32 $0x5;
	[dreg:$0x13] =	wrdreg s12;
	s21 =	sshrl.u32 s17, $0x3  }
0x27: {  	[dreg:$0x18] =	wrdreg s23;
	s26 =	sadd.s32 $0x10000, s9;
	s17 =	simm.s32 $0xA800  }
0x28: {  	s23 =	simm.s32 $0xA900;
	s9 =	simm.s32 $0x0;
	[dreg:$0x16] =	wrdreg s21  }
0x29: {  	v0 =	vimm.f32 $0.0e+00;
	v1 =	vimm.f32 $1.000000000e+00;
	[dreg:$0x1b] =	wrdreg s26;
	s21 =	simm.s32 $0x1;
	s26 =	simm.s32 $0x3  }
.LBB2_9:
0x2a: {  	s1 =	stileid.u32;
	[bflag:$0x0] =	sbarrier.arrive $0xFFFF  }
0x2b: {  	s1 =	sshll.u32 s1, $0x6;
	s9 =	rddreg [dreg:$0x9]  }
0x2c: {  	s10 =	rddreg [dreg:$0xc];
	s1 =	sor.u32 $0x1C0A, s1;
	s9 =	sshrl.u32 s9, $0x3  }
0x2d: {  	[hbm:s10], [sflag:s1] =	dma.local [spmem:s9], $0x800  }
0x2e: {  	_ =	swait.ge [sflag:s5], $0x800  }
0x2f: {  	[sflag:s5] =	ssyncset.done $0x0;
	s13 =	rddreg [dreg:$0xd]  }
0x30: {  	s19 =	rddreg [dreg:$0x14];
	[sflag:s5] =	ssyncadd.s32 $0xFFFFF800  }
0x31: {  	[hbm:s13], [sflag:s1] =	dma.local [spmem:s19], $0x800  }
0x32: {  	_ =	swait.ge [sflag:s5], $0x800  }
0x33: {  	[sflag:s5] =	ssyncset.done $0x0;
	s11 =	rddreg [dreg:$0xe]  }
0x34: {  	s12 =	rddreg [dreg:$0x15];
	[sflag:s5] =	ssyncadd.s32 $0xFFFFF800  }
0x35: {  	[hbm:s11], [sflag:s1] =	dma.local [spmem:s12], $0x800  }
0x36: {  	_ =	swait.ge [sflag:s5], $0x800  }
0x37: {  	[sflag:s5] =	ssyncset.done $0x0;
	s13 =	rddreg [dreg:$0xf]  }
0x38: {  	s19 =	rddreg [dreg:$0x16];
	[sflag:s5] =	ssyncadd.s32 $0xFFFFF800  }
0x39: {  	[hbm:s13], [sflag:s1] =	dma.local [spmem:s19], $0x800  }
0x3a: {  	_ =	swait.ge [sflag:s5], $0x800  }
0x3b: {  	[sflag:s5] =	ssyncset.done $0x0;
	s11 =	rddreg [dreg:$0x10]  }
0x3c: {  	s12 =	rddreg [dreg:$0x17];
	[sflag:s5] =	ssyncadd.s32 $0xFFFFF800  }
0x3d: {  	[hbm:s11], [sflag:s1] =	dma.local [spmem:s12], $0x800  }
0x3e: {  	s11 =	simm.s32 $0x20;
	_ =	swait.ge [sflag:s5], $0x800  }
0x3f: {  	s12 =	simm.s32 $0x10;
	[sflag:s5] =	ssyncset.done $0x0;
	s13 =	rddreg [dreg:$0xa]  }
0x40: {  	s19 =	rddreg [dreg:$0x11];
	[sflag:s5] =	ssyncadd.s32 $0xFFFFF800;
	s9 =	sshrl.u32 s13, $0x3  }
0x41: {  	[hbm:s19@s11], [sflag:s1] =	dma.strided [spmem:s9@s12], $0x50, s21, $0x10   }
0x42: {  	_ =	swait.ge [sflag:s5], $0x50  }
0x43: {  	[sflag:s5] =	ssyncset.done $0x0;
	s13 =	rddreg [dreg:$0xb]  }
0x44: {  	s19 =	rddreg [dreg:$0x12];
	[sflag:s5] =	ssyncadd.s32 $0xFFFFFFB0;
	s9 =	sshrl.u32 s13, $0x3  }
0x45: {  	[hbm:s19@s11], [sflag:s1] =	dma.strided [spmem:s9@s12], $0x50, s21, $0x10   }
0x46: {  	_ =	swait.ge [sflag:s5], $0x50  }
0x47: {  	s13 =	rddreg [dreg:$0x1c]  }
0x48: {  	s19 =	rddreg [dreg:$0x13];
	s9 =	sadd.s32 $0x1, s13  }
0x49: {  	p1 =	sne.s32 s9, s19  }
.Ltmp1:
0x4a: {  	_ = 	snop;
	(pc) =	sbr.rel @!p1 .LBB2_10-.Ltmp1, $3  }
0x4b: {  	_ =	sdelay $0x1  }
0x4c: {  	[sflag:s5] =	ssyncset.done $0x0  }
0x4d: {  	[sflag:s5] =	ssyncadd.s32 $0xFFFFFFB0  }
.LBB2_1:
0x4e: {  	[dreg:$0x1c] =	wrdreg s9;
	s1 =	simm.s32 $0x0;
	s11 =	simm.s32 $0x200  }
.LBB2_2:
0x4f: {  	p1 =	sne.s32 s11, $0xFE00;
	[tilespmem:s1+$0x2870] =	vst v0  }
0x50: {  	[tilespmem:s1+$0x2800] =	vst v0  }
0x51: {  	[tilespmem:s1+$0x2810] =	vst v0  }
.Ltmp2:
0x52: {  	[tilespmem:s1+$0x2820] =	vst v0;
	(pc) =	sbr.rel @p1 .LBB2_2-.Ltmp2, $4  }
0x53: {  	[tilespmem:s1+$0x2830] =	vst v0  }
0x54: {  	[tilespmem:s1+$0x2840] =	vst v0  }
0x55: {  	[tilespmem:s1+$0x2850] =	vst v0  }
0x56: {  	[tilespmem:s1+$0x2860] =	vst v0;
	s1 =	sshra.s32 s11, $0x2;
	s11 =	sadd.s32 $0x200, s11  }
0x57: {  	[tilespmem:s1+$0x2870] =	vst v0  }
0x58: {  	[tilespmem:s1+$0x2800] =	vst v0  }
0x59: {  	[tilespmem:s1+$0x2810] =	vst v0  }
0x5a: {  	[tilespmem:s1+$0x2820] =	vst v0  }
0x5b: {  	[tilespmem:s1+$0x2830] =	vst v0  }
0x5c: {  	[tilespmem:s1+$0x2840] =	vst v0  }
0x5d: {  	[tilespmem:s1+$0x2850] =	vst v0  }
0x5e: {  	[tilespmem:s1+$0x2860] =	vst v0  }
0x5f: {  	[tilespmem:$0xA980] =	vst v0  }
0x60: {  	[tilespmem:$0xA990] =	vst v0  }
0x61: {  	[tilespmem:$0xA9A0] =	vst v0  }
0x62: {  	[tilespmem:$0xA9B0] =	vst v0  }
0x63: {  	[tilespmem:$0xA9C0] =	vst v0  }
0x64: {  	[tilespmem:$0xA9D0] =	vst v0  }
0x65: {  	[tilespmem:$0xA9E0] =	vst v0  }
0x66: {  	[tilespmem:$0xA9F0] =	vst v0  }
0x67: {  	[tilespmem:$0xAA00] =	vst v0  }
0x68: {  	[tilespmem:$0xAA10] =	vst v0  }
0x69: {  	[tilespmem:$0xAA20] =	vst v0  }
0x6a: {  	[tilespmem:$0xAA30] =	vst v0  }
0x6b: {  	[tilespmem:$0xAA40] =	vst v0  }
0x6c: {  	[tilespmem:$0xAA50] =	vst v0  }
0x6d: {  	[tilespmem:$0xAA60] =	vst v0  }
0x6e: {  	[tilespmem:$0xAA70] =	vst v0  }
0x6f: {  	[tilespmem:$0xAA80] =	vst v0  }
0x70: {  	[tilespmem:$0xAA90] =	vst v0  }
0x71: {  	[tilespmem:$0xAAA0] =	vst v0  }
0x72: {  	[tilespmem:$0xAAB0] =	vst v0  }
0x73: {  	[tilespmem:$0xAAC0] =	vst v0  }
0x74: {  	[tilespmem:$0xAAD0] =	vst v0  }
0x75: {  	[tilespmem:$0xAAE0] =	vst v0  }
0x76: {  	[tilespmem:$0xAAF0] =	vst v0  }
0x77: {  	[tilespmem:$0xAB00] =	vst v0  }
0x78: {  	[tilespmem:$0xAB10] =	vst v0  }
0x79: {  	[tilespmem:$0xAB20] =	vst v0  }
0x7a: {  	[tilespmem:$0xAB30] =	vst v0  }
0x7b: {  	[tilespmem:$0xAB40] =	vst v0  }
0x7c: {  	[tilespmem:$0xAB50] =	vst v0  }
0x7d: {  	[tilespmem:$0xAB60] =	vst v0  }
0x7e: {  	[tilespmem:$0xAB70] =	vst v0  }
0x7f: {  	[tilespmem:$0xAB80] =	vst v0  }
0x80: {  	[tilespmem:$0xAB90] =	vst v0  }
0x81: {  	[tilespmem:$0xABA0] =	vst v0  }
0x82: {  	[tilespmem:$0xABB0] =	vst v0  }
0x83: {  	[tilespmem:$0xABC0] =	vst v0  }
0x84: {  	[tilespmem:$0xABD0] =	vst v0  }
0x85: {  	[tilespmem:$0xABE0] =	vst v0  }
0x86: {  	[tilespmem:$0xABF0] =	vst v0  }
0x87: {  	[tilespmem:$0xA900] =	vst v1  }
0x88: {  	[tilespmem:$0xA910] =	vst v1  }
0x89: {  	[tilespmem:$0xA920] =	vst v1  }
0x8a: {  	[tilespmem:$0xA930] =	vst v1  }
0x8b: {  	[tilespmem:$0xA940] =	vst v1  }
0x8c: {  	[tilespmem:$0xA950] =	vst v1  }
0x8d: {  	[tilespmem:$0xA960] =	vst v1  }
0x8e: {  	s19 =	rddreg [dreg:$0x9];
	[tilespmem:$0xA970] =	vst v1  }
0x8f: {  	[spmem:s19] =	stream.linear.scatter [tilespmem:s0], [sflag:$0xA], $0x4000, $0x38;
	[tilespmem:$0x1F100] =	vst v63  }
0x90: {  	_ =	swait.ge [sflag:s5], $0x4000  }
0x91: {  	[sflag:s5] =	ssyncset.done $0x0  }
0x92: {  	s9 =	rddreg [dreg:$0x18];
	[sflag:s5] =	ssyncadd.s32 $0xFFFFC000  }
0x93: {  	[spmem:s9] =	stream.linear.scatter [tilespmem:s0], [sflag:$0xA], $0x4000, $0x38;
	[tilespmem:$0x1F100] =	vst v63  }
0x94: {  	_ =	swait.ge [sflag:s5], $0x4000  }
0x95: {  	[sflag:s5] =	ssyncset.done $0x0  }
0x96: {  	s10 =	rddreg [dreg:$0x19];
	[sflag:s5] =	ssyncadd.s32 $0xFFFFC000  }
0x97: {  	[spmem:s10] =	stream.linear.scatter [tilespmem:s0], [sflag:$0xA], $0x4000, $0x38;
	[tilespmem:$0x1F100] =	vst v63  }
0x98: {  	_ =	swait.ge [sflag:s5], $0x4000  }
0x99: {  	[sflag:s5] =	ssyncset.done $0x0  }
0x9a: {  	s11 =	rddreg [dreg:$0x1a];
	[sflag:s5] =	ssyncadd.s32 $0xFFFFC000  }
0x9b: {  	[spmem:s11] =	stream.linear.scatter [tilespmem:s0], [sflag:$0xA], $0x4000, $0x38;
	[tilespmem:$0x1F100] =	vst v63  }
0x9c: {  	_ =	swait.ge [sflag:s5], $0x4000  }
0x9d: {  	[sflag:s5] =	ssyncset.done $0x0  }
0x9e: {  	s12 =	rddreg [dreg:$0x1b];
	[sflag:s5] =	ssyncadd.s32 $0xFFFFC000  }
0x9f: {  	[spmem:s12] =	stream.linear.scatter [tilespmem:s0], [sflag:$0xA], $0x4000, $0x38;
	[tilespmem:$0x1F100] =	vst v63  }
0xa0: {  	_ =	swait.ge [sflag:s5], $0x4000  }
0xa1: {  	[sflag:s5] =	ssyncset.done $0x0  }
0xa2: {  	s9 =	simm.s32 $0xA980;
	s13 =	rddreg [dreg:$0xa];
	[sflag:s5] =	ssyncadd.s32 $0xFFFFC000  }
0xa3: {  	[spmem:s13] =	stream.linear.scatter [tilespmem:s9], [sflag:$0xA], $0x280, $0x38;
	[tilespmem:$0x1F100] =	vst v63  }
0xa4: {  	_ =	swait.ge [sflag:s5], $0x280  }
0xa5: {  	[sflag:s5] =	ssyncset.done $0x0  }
0xa6: {  	s19 =	rddreg [dreg:$0xb];
	[sflag:s5] =	ssyncadd.s32 $0xFFFFFD80  }
0xa7: {  	[spmem:s19] =	stream.linear.scatter [tilespmem:s9], [sflag:$0xA], $0x280, $0x38;
	[tilespmem:$0x1F100] =	vst v63  }
.Ltmp3:
0xa8: {  	_ =	swait.ge [sflag:s5], $0x280;
	(pc) =	sbr.rel .LBB2_4-.Ltmp3, $4  }
0xa9: {  	[sflag:s5] =	ssyncset.done $0x0  }
0xaa: {  	[sflag:s5] =	ssyncadd.s32 $0xFFFFFD80  }
0xab: {  	[bflag:$0x0] =	sbarrier.arrive $0xFFFF  }
0xac: {  	s1 =	simm.s32 $0x0;
	p2 =	por p0, p0  }
.LBB2_7:
0xad: {  	[sflag:s30] =	ssyncadd.s32 $0xFFFFFF80  }
.LBB2_8:
0xae: {  	_ =	swait.ge [sflag:s21], $0x4000  }
0xaf: {  	[sflag:s21] =	ssyncset.done $0x0  }
0xb0: {  	[sflag:s21] =	ssyncadd.s32 $0xFFFFC000  }
0xb1: {  	_ =	swait.ge [sflag:s22], $0x80  }
0xb2: {  	[sflag:s22] =	ssyncset.done $0x0  }
0xb3: {  	[sflag:s22] =	ssyncadd.s32 $0xFFFFFF80  }
0xb4: {  	_ =	swait.ge [sflag:s24], $0x4000  }
.Ltmp4:
0xb5: {  	[sflag:s24] =	ssyncset.done $0x0;
	(pc) =	sbr.rel @!p1 .LBB2_9-.Ltmp4, $4  }
0xb6: {  	[sflag:s24] =	ssyncadd.s32 $0xFFFFC000  }
0xb7: {  	_ =	swait.ge [sflag:s25], $0x80  }
0xb8: {  	[sflag:s25] =	ssyncset.done $0x0  }
0xb9: {  	s1 =	simm.s32 $0x28;
	p2 =	por $0x0, $0x0;
	[sflag:s25] =	ssyncadd.s32 $0xFFFFFF80  }
.LBB2_4:
0xba: {  	s9 =	rddreg [dreg:$0x7]  }
0xbb: {  	s11 =	sadd.s32 s9, s1  }
0xbc: {  	s12 =	rddreg [dreg:$0x0];
	s11 =	sshll.u32 s11, $0x4  }
0xbd: {  	s12 =	sadd.s32 s12, s11  }
0xbe: {  	[tilespmem:s7], [sflag:$0xA] =	stream.linear.gather [hbm4b:s12+s7], $0x1400, $0x38;
	[tilespmem:$0x1F100] =	vst v63  }
0xbf: {  	_ =	swait.ge [sflag:s5], $0x1400  }
0xc0: {  	[sflag:s5] =	ssyncset.done $0x0  }
0xc1: {  	s11 =	sadd.s32 s31, s11;
	[sflag:s5] =	ssyncadd.s32 $0xFFFFEC00  }
0xc2: {  	[tilespmem:s15], [sflag:$0xA] =	stream.linear.gather [hbm4b:s11+s7], $0x1400, $0x38;
	[tilespmem:$0x1F100] =	vst v63  }
0xc3: {  	_ =	swait.ge [sflag:s5], $0x1400  }
0xc4: {  	[sflag:s5] =	ssyncset.done $0x0;
	s13 =	rddreg [dreg:$0x8]  }
0xc5: {  	[sflag:s5] =	ssyncadd.s32 $0xFFFFEC00;
	s12 =	ssub.s32 s13, s1  }
0xc6: {  	[tilespmem:s0], [sflag:$0x1] =	stream.indirect.gather [hbm4b:s2+s16], $0x80, s7, s16, $0xb8;
	[tilespmem:$0x1F100] =	vst v63  }
0xc7: {  	p1 =	slt.s32 s12, $0x28  }
0xc8: {  	s12 =	simm.s32 @!p1 $0x28  }
0xc9: {  	[tilespmem:s17], [sflag:$0x5] =	stream.indirect.gather [hbm4b:s8+s16], $0x1, s15, s16, $0xb8;
	[tilespmem:$0x1F100] =	vst v63  }
0xca: {  	s1 =	sshra.s32 s12, $0x1  }
0xcb: {  	p3 =	slt.s32 s1, $0x1  }
.Ltmp5:
0xcc: {  	_ = 	snop;
	(pc) =	sbr.rel @p3 .LBB2_8-.Ltmp5, $4  }
0xcd: {  	_ = 	snop  }
0xce: {  	[tilespmem:s18], [sflag:$0x2] =	stream.indirect.gather [hbm4b:s2+s16], $0x80, s16, s16, $0xb8;
	[tilespmem:$0x1F100] =	vst v63  }
0xcf: {  	s19 =	simm.s32 $0x1480;
	p1 =	por p2, p2  }
0xd0: {  	[tilespmem:s20], [sflag:$0x6] =	stream.indirect.gather [hbm4b:s8+s16], $0x1, s19, s16, $0xb8;
	[tilespmem:$0x1F100] =	vst v63  }
0xd1: {  	_ =	swait.ge [sflag:s21], $0x4000  }
0xd2: {  	[sflag:s21] =	ssyncset.done $0x0  }
0xd3: {  	[sflag:s21] =	ssyncadd.s32 $0xFFFFC000  }
0xd4: {  	_ =	swait.ge [sflag:s22], $0x80  }
0xd5: {  	[sflag:s22] =	ssyncset.done $0x0  }
0xd6: {  	s11 =	simm.s32 $0x1400;
	[sflag:s22] =	ssyncadd.s32 $0xFFFFFF80  }
0xd7: {  	[spmem:s3] =	stream.indirect.scatter.add.f32 [tilespmem:s0], [sflag:$0x3], $0x80, s11, s16, $0xb8;
	[tilespmem:$0x1F100] =	vst v63  }
0xd8: {  	s13 =	simm.s32 $0x0  }
0xd9: {  	[spmem:s6] =	stream.indirect.scatter.add.f32 [tilespmem:s17], [sflag:$0x7], $0x1, s13, s16, $0xb8;
	[tilespmem:$0x1F100] =	vst v63  }
0xda: {  	_ = 	snop  }
0xdb: {  	[spmem:s4] =	stream.indirect.scatter.add.f32 [tilespmem:s23], [sflag:$0x9], $0x1, s11, s16, $0xb8;
	[tilespmem:$0x1F100] =	vst v63  }
0xdc: {  	_ =	swait.ge [sflag:s24], $0x4000  }
0xdd: {  	[sflag:s24] =	ssyncset.done $0x0  }
0xde: {  	[sflag:s24] =	ssyncadd.s32 $0xFFFFC000  }
0xdf: {  	_ =	swait.ge [sflag:s25], $0x80  }
0xe0: {  	[sflag:s25] =	ssyncset.done $0x0  }
0xe1: {  	s13 =	simm.s32 $0x1480;
	[sflag:s25] =	ssyncadd.s32 $0xFFFFFF80  }
0xe2: {  	[spmem:s3] =	stream.indirect.scatter.add.f32 [tilespmem:s18], [sflag:$0x4], $0x80, s13, s16, $0xb8;
	[tilespmem:$0x1F100] =	vst v63  }
0xe3: {  	s11 =	simm.s32 $0x80  }
0xe4: {  	[spmem:s6] =	stream.indirect.scatter.add.f32 [tilespmem:s20], [sflag:$0x8], $0x1, s11, s16, $0xb8;
	[tilespmem:$0x1F100] =	vst v63  }
0xe5: {  	_ = 	snop  }
0xe6: {  	[spmem:s4] =	stream.indirect.scatter.add.f32 [tilespmem:s23], [sflag:$0x9], $0x1, s13, s16, $0xb8;
	[tilespmem:$0x1F100] =	vst v63  }
0xe7: {  	_ =	swait.ge [sflag:s26], $0x4000  }
0xe8: {  	[sflag:s26] =	ssyncset.done $0x0  }
0xe9: {  	s12 =	sadd.s32 $0xFFFFFFFF, s12;
	s19 =	simm.s32 $0x2;
	[sflag:s26] =	ssyncadd.s32 $0xFFFFC000  }
0xea: {  	p2 =	sgt.s32 s12, $0x2;
	s9 =	smov.u32 s12;
	_ =	swait.ge [sflag:s14], $0x80  }
0xeb: {  	s9 =	smov.u32 @p2 s19;
	[sflag:s14] =	ssyncset.done $0x0  }
0xec: {  	s9 =	sshll.u32 s9, $0x7;
	[sflag:s14] =	ssyncadd.s32 $0xFFFFFF80  }
0xed: {  	[tilespmem:s0], [sflag:$0x1] =	stream.indirect.gather [hbm4b:s2+s16], $0x80, s9, s16, $0xb8;
	[tilespmem:$0x1F100] =	vst v63  }
0xee: {  	s9 =	sadd.s32 $0x1400, s9  }
0xef: {  	[tilespmem:s17], [sflag:$0x5] =	stream.indirect.gather [hbm4b:s8+s16], $0x1, s9, s16, $0xb8;
	[tilespmem:$0x1F100] =	vst v63  }
0xf0: {  	_ =	swait.ge [sflag:s28], $0x4000  }
0xf1: {  	[sflag:s28] =	ssyncset.done $0x0  }
0xf2: {  	p2 =	sgt.s32 s12, $0x3;
	[sflag:s28] =	ssyncadd.s32 $0xFFFFC000  }
0xf3: {  	s19 =	smov.u32 s12;
	s9 =	simm.s32 $0x3;
	_ =	swait.ge [sflag:s29], $0x80  }
0xf4: {  	s19 =	smov.u32 @p2 s9;
	[sflag:s29] =	ssyncset.done $0x0  }
0xf5: {  	s9 =	sshll.u32 s19, $0x7;
	[sflag:s29] =	ssyncadd.s32 $0xFFFFFF80  }
0xf6: {  	[tilespmem:s18], [sflag:$0x2] =	stream.indirect.gather [hbm4b:s2+s16], $0x80, s9, s16, $0xb8;
	[tilespmem:$0x1F100] =	vst v63  }
0xf7: {  	p2 =	sne.s32 s1, $0x1;
	s9 =	sadd.s32 $0x1400, s9  }
0xf8: {  	[tilespmem:s20], [sflag:$0x6] =	stream.indirect.gather [hbm4b:s8+s16], $0x1, s9, s16, $0xb8;
	[tilespmem:$0x1F100] =	vst v63  }
.Ltmp6:
0xf9: {  	_ =	swait.ge [sflag:s30], $0x80;
	(pc) =	sbr.rel @!p2 .LBB2_7-.Ltmp6, $4  }
0xfa: {  	[sflag:s30] =	ssyncset.done $0x0  }
0xfb: {  	[sflag:s30] =	ssyncadd.s32 $0xFFFFFF80  }
0xfc: {  	_ =	swait.ge [sflag:s30], $0x80  }
0xfd: {  	s1 =	sadd.s32 $0xFFFFFFFF, s1;
	s19 =	simm.s32 $0x4;
	[sflag:s30] =	ssyncset.done $0x0  }
.LBB2_6:
0xfe: {  	[sflag:s30] =	ssyncadd.s32 $0xFFFFFF80;
	s11 =	sadd.s32 $0x100, s11;
	s13 =	sadd.s32 $0x100, s13  }
0xff: {  	p2 =	sne.s32 s1, $0x1;
	s1 =	sadd.s32 $0xFFFFFFFF, s1;
	_ =	swait.ge [sflag:s21], $0x4000  }
0x100: {  	[sflag:s21] =	ssyncset.done $0x0  }
0x101: {  	[sflag:s21] =	ssyncadd.s32 $0xFFFFC000  }
0x102: {  	_ =	swait.ge [sflag:s22], $0x80  }
0x103: {  	[sflag:s22] =	ssyncset.done $0x0  }
0x104: {  	s9 =	sadd.s32 $0xFFFFFF80, s13;
	[sflag:s22] =	ssyncadd.s32 $0xFFFFFF80  }
0x105: {  	[spmem:s3] =	stream.indirect.scatter.add.f32 [tilespmem:s0], [sflag:$0x3], $0x80, s9, s16, $0xb8;
	[tilespmem:$0x1F100] =	vst v63  }
0x106: {  	s10 =	sadd.s32 $0xFFFFFF80, s11  }
0x107: {  	[spmem:s6] =	stream.indirect.scatter.add.f32 [tilespmem:s17], [sflag:$0x7], $0x1, s10, s16, $0xb8;
	[tilespmem:$0x1F100] =	vst v63  }
0x108: {  	_ = 	snop  }
0x109: {  	[spmem:s4] =	stream.indirect.scatter.add.f32 [tilespmem:s23], [sflag:$0x9], $0x1, s9, s16, $0xb8;
	[tilespmem:$0x1F100] =	vst v63  }
0x10a: {  	_ =	swait.ge [sflag:s24], $0x4000  }
0x10b: {  	[sflag:s24] =	ssyncset.done $0x0  }
0x10c: {  	[sflag:s24] =	ssyncadd.s32 $0xFFFFC000  }
0x10d: {  	_ =	swait.ge [sflag:s25], $0x80  }
0x10e: {  	[sflag:s25] =	ssyncset.done $0x0  }
0x10f: {  	[sflag:s25] =	ssyncadd.s32 $0xFFFFFF80  }
0x110: {  	[spmem:s3] =	stream.indirect.scatter.add.f32 [tilespmem:s18], [sflag:$0x4], $0x80, s13, s16, $0xb8;
	[tilespmem:$0x1F100] =	vst v63  }
0x111: {  	_ = 	snop  }
0x112: {  	[spmem:s6] =	stream.indirect.scatter.add.f32 [tilespmem:s20], [sflag:$0x8], $0x1, s11, s16, $0xb8;
	[tilespmem:$0x1F100] =	vst v63  }
0x113: {  	_ = 	snop  }
0x114: {  	[spmem:s4] =	stream.indirect.scatter.add.f32 [tilespmem:s23], [sflag:$0x9], $0x1, s13, s16, $0xb8;
	[tilespmem:$0x1F100] =	vst v63  }
0x115: {  	_ =	swait.ge [sflag:s26], $0x4000  }
0x116: {  	[sflag:s26] =	ssyncset.done $0x0  }
0x117: {  	[sflag:s26] =	ssyncadd.s32 $0xFFFFC000  }
0x118: {  	p3 =	slt.s32 s19, s12;
	s9 =	smov.u32 s12;
	_ =	swait.ge [sflag:s14], $0x80  }
0x119: {  	s9 =	smov.u32 @p3 s19;
	[sflag:s14] =	ssyncset.done $0x0  }
0x11a: {  	s9 =	sshll.u32 s9, $0x7;
	[sflag:s14] =	ssyncadd.s32 $0xFFFFFF80  }
0x11b: {  	[tilespmem:s0], [sflag:$0x1] =	stream.indirect.gather [hbm4b:s2+s16], $0x80, s9, s16, $0xb8;
	[tilespmem:$0x1F100] =	vst v63  }
0x11c: {  	s9 =	sadd.s32 $0x1400, s9  }
0x11d: {  	[tilespmem:s17], [sflag:$0x5] =	stream.indirect.gather [hbm4b:s8+s16], $0x1, s9, s16, $0xb8;
	[tilespmem:$0x1F100] =	vst v63  }
0x11e: {  	_ =	swait.ge [sflag:s28], $0x4000  }
0x11f: {  	[sflag:s28] =	ssyncset.done $0x0  }
0x120: {  	s9 =	sadd.s32 $0x1, s19;
	[sflag:s28] =	ssyncadd.s32 $0xFFFFC000  }
0x121: {  	s10 =	smov.u32 s12;
	p3 =	slt.s32 s9, s12;
	_ =	swait.ge [sflag:s29], $0x80  }
0x122: {  	s10 =	smov.u32 @p3 s9;
	[sflag:s29] =	ssyncset.done $0x0  }
0x123: {  	s9 =	sshll.u32 s10, $0x7;
	[sflag:s29] =	ssyncadd.s32 $0xFFFFFF80  }
0x124: {  	[tilespmem:s18], [sflag:$0x2] =	stream.indirect.gather [hbm4b:s2+s16], $0x80, s9, s16, $0xb8;
	[tilespmem:$0x1F100] =	vst v63  }
0x125: {  	s9 =	sadd.s32 $0x1400, s9  }
0x126: {  	[tilespmem:s20], [sflag:$0x6] =	stream.indirect.gather [hbm4b:s8+s16], $0x1, s9, s16, $0xb8;
	[tilespmem:$0x1F100] =	vst v63  }
.Ltmp7:
0x127: {  	_ =	swait.ge [sflag:s30], $0x80;
	(pc) =	sbr.rel @p2 .LBB2_6-.Ltmp7, $4  }
0x128: {  	[sflag:s30] =	ssyncset.done $0x0  }
0x129: {  	[sflag:s30] =	ssyncadd.s32 $0xFFFFFF80  }
0x12a: {  	_ =	swait.ge [sflag:s30], $0x80  }
0x12b: {  	s19 =	sadd.s32 $0x2, s19;
	[sflag:s30] =	ssyncset.done $0x0  }
.Ltmp8:
0x12c: {  	_ = 	snop;
	(pc) =	sbr.rel .LBB2_7-.Ltmp8, $1  }
0x12d: {  	_ =	sdelay $0x3  }
.LBB2_10:
0x12e: {  	_ =	sfence.sel $0x180000  }
0x12f: {  	[bflag:$0x0] =	sbarrier.arrive $0xFFFF  }
0x130: {  	_ =	strace $0x90000047  }
0x131: {  	s0 =	stileid.u32;
	[bflag:$0x2] =	sbarrier.arrive $0xFFFF  }
0x132: {  	p0 =	sne.s32 s0, $0x0;
	s0 =	rddreg [dreg:$0x6]  }
0x133: {  	s0 =	sadd.s32 @!p0 $0x100000, s0  }
0x134: {  	[sflag:s0] =	ssyncadd.tile.s32 @!p0 $0x1;
	_ =	shalt  }
.Lfunc_end2:
_tile_overlayer_lowered:
.L_overlay_start_2:
0x135: {  	(tag) =	ssettag $0x2  }
0x136: {  	s0 =	rddreg [dreg:$0x0];
	s2 =	stileid.u32  }
0x137: {  	s1 =	rddreg [dreg:$0x1];
	p0 =	sne.s32 s2, $0x0  }
0x138: {  	s3 =	rddreg [dreg:$0x2];
	[bflag:$0x3] =	sbarrier.arrive $0xFFFF;
	s2 =	simm.s32 @!p0 $0x1C0A  }
0x139: {  	[timem:s3], [sflag:s2] =	dma.local @!p0 [hbm:s0], s1  }
0x13a: {  	s0 =	simm.s32 @!p0 $0xA  }
0x13b: {  	_ =	swait.ge @!p0 [sflag:s0], s1  }
0x13c: {  	s1 =	ssub.s32 @!p0 $0x0, s1;
	[sflag:s0] =	ssyncset.done @!p0 $0x0  }
0x13d: {  	[sflag:s0] =	ssyncadd.s32 @!p0 s1  }
0x13e: {  	[bflag:$0x3] =	sbarrier.arrive $0xFFFF  }
0x13f: {  	_ =	shalt  }

// kernel: kernel.9.cloned.1.call-start
scs
__scs_entry_jumppad:
0x0: {  	(pc) =	sbr.rel $0x88, $3  }
0x1: {  	(tag) =	ssettag $0x0;
	lr =	simm.s32 $0x1  }
0x2: {  	[smem:$0x3F9A] =	sst lr;
	_ =	strace $0xD0000000  }
0x3: {  	_ = 	snop  }
0x4: {  	_ = 	snop  }
0x5: {  	_ = 	snop  }
0x6: {  	_ = 	snop  }
0x7: {  	_ = 	snop  }
__scs_overlays_trampoline_lowered:
0x8: {  	[smem:$0x3FA9] =	sst s0  }
0x9: {  	[smem:$0x3FAA] =	sst s1  }
0xa: {  	[smem:$0x3FAB] =	sst s2  }
0xb: {  	[smem:$0x3FAC] =	sst s3  }
0xc: {  	[smem:$0x3FAD] =	sst s4  }
0xd: {  	[smem:$0x3FAE] =	sst s5  }
0xe: {  	[smem:$0x3FAF] =	sst s6  }
0xf: {  	[smem:$0x3FB0] =	sst s7  }
0x10: {  	[smem:$0x3FB1] =	sst s8  }
0x11: {  	[smem:$0x3FB2] =	sst s9;
	s0 =	simm.s32 @!p0 $0x0  }
0x12: {  	s1 =	sld [smem:$0x3F98];
	s0 =	simm.s32 @p0 $0x1  }
0x13: {  	[smem:$0x3FB3] =	sst s0;
	s0 =	simm.s32 @!p1 $0x0  }
0x14: {  	s2 =	sld [smem:$0x3F97];
	s0 =	simm.s32 @p1 $0x1  }
0x15: {  	[smem:$0x3FB4] =	sst s0;
	s0 =	simm.s32 @!p2 $0x0  }
0x16: {  	s3 =	sld [smem:$0x3FDB];
	s0 =	simm.s32 @p2 $0x1  }
0x17: {  	s4 =	simm.s32 $0x1BF5;
	[smem:$0x3FB6] =	sst s0  }
0x18: {  	s0 =	sld [smem:$0x3F99];
	_ =	swait.ge [sflag:s4], $0x0  }
0x19: {  	s7 =	sld [smem:$0x3F9A]  }
0x1a: {  	s8 =	sadd.s32 $0xFFFFE003, lr  }
0x1b: {  	s9 =	sadd.s32 $0xFFFFFEF7, lr;
	s5 =	simm.s32 $0xFFFFFFFF;
	p2 =	slt.u32 s8, $0xFFFFF086  }
0x1c: {  	p1 =	slt.u32 s9, $0xF7A;
	s5 =	simm.s32 @!p2 $0x0  }
0x1d: {  	s5 =	simm.s32 @p1 $0x1;
	p0 =	seq.s32 s7, s2  }
0x1e: {  	s7 =	smul.u32 @!p0 $0xF7A, s2;
	p2 =	seq.s32 @!p0 s5, $0x0  }
0x1f: {  	s9 =	smul.u32 $0xF7A, s1;
	s8 =	simm.s32 @!p0 $0x1BF5;
	p2 =	por !p2, p0  }
0x20: {  	[sflag:s8] =	ssyncset.s32 @!p0 $0xFFFFF086;
	s6 =	sadd.s32 @!p0 s3, s7;
	s7 =	simm.s32 @!p0 $0x108  }
0x21: {  	s3 =	sadd.s32 s3, s9;
	s6 =	sadd.s32 @!p0 $0x88, s6;
	s7 =	simm.s32 @p2 $0x1082  }
0x22: {  	[simem:s7], [sflag:s8] =	dma.local @!p0 [hbm:s6], $0xF7A  }
0x23: {  	s9 =	sor.u32 $0xD0000000, s2;
	s6 =	simm.s32 $0x108;
	_ =	swait.ge @!p0 [sflag:s8], $0x0  }
0x24: {  	s3 =	sadd.s32 $0x88, s3;
	s6 =	simm.s32 @!p1 $0x1082;
	[sflag:s4] =	ssyncset.s32 $0xFFFFF086  }
0x25: {  	[simem:s6], [sflag:s4] =	dma.local [hbm:s3], $0xF7A  }
0x26: {  	[smem:$0x3F9A] =	sst s1;
	(tag) =	ssettag s2;
	_ =	strace s9  }
0x27: {  	s1 =	sld [smem:$0x3FAA]  }
0x28: {  	s2 =	sld [smem:$0x3FAB]  }
0x29: {  	s4 =	sld [smem:$0x3FAD]  }
0x2a: {  	p0 =	seq.s32 s5, $0x0;
	s5 =	sld [smem:$0x3FAE]  }
0x2b: {  	s6 =	sld [smem:$0x3FAF]  }
0x2c: {  	s7 =	sld [smem:$0x3FB0]  }
0x2d: {  	s3 =	simm.s32 $0x108;
	s8 =	sld [smem:$0x3FB1]  }
0x2e: {  	s3 =	simm.s32 @!p0 $0x1082;
	s9 =	sld [smem:$0x3FB2]  }
0x2f: {  	lr =	sadd.s32 s0, s3;
	s0 =	sld [smem:$0x3FA9]  }
0x30: {  	s3 =	sld [smem:$0x3FAC]  }
0x31: {  	[smem:$0x3FB5] =	sst s10  }
0x32: {  	s10 =	sld [smem:$0x3FB3];
	_ =	sdelay $0x3  }
0x33: {  	p0 =	seq.s32 s10, $0x1;
	s10 =	sld [smem:$0x3FB5];
	_ =	sdelay $0x3  }
0x34: {  	[smem:$0x3FB5] =	sst s10  }
0x35: {  	s10 =	sld [smem:$0x3FB4];
	_ =	sdelay $0x3  }
0x36: {  	p1 =	seq.s32 s10, $0x1;
	s10 =	sld [smem:$0x3FB5];
	_ =	sdelay $0x3  }
0x37: {  	[smem:$0x3FB5] =	sst s10  }
0x38: {  	s10 =	sld [smem:$0x3FB6]  }
0x39: {  	_ = 	snop;
	(pc) =	sbr.ind lr, $3  }
0x3a: {  	_ = 	snop  }
0x3b: {  	_ = 	snop  }
0x3c: {  	p2 =	seq.s32 s10, $0x1;
	s10 =	sld [smem:$0x3FB5]  }
0x3d: {  	_ =	shalt  }
0x3e: {  	_ =	shalt  }
0x3f: {  	_ =	shalt  }
0x40: {  	_ =	shalt  }
0x41: {  	_ =	shalt  }
0x42: {  	_ =	shalt  }
0x43: {  	_ =	shalt  }
0x44: {  	_ =	shalt  }
0x45: {  	_ =	shalt  }
0x46: {  	_ =	shalt  }
0x47: {  	_ =	shalt  }
0x48: {  	_ =	shalt  }
0x49: {  	_ =	shalt  }
0x4a: {  	_ =	shalt  }
0x4b: {  	_ =	shalt  }
0x4c: {  	_ =	shalt  }
0x4d: {  	_ =	shalt  }
0x4e: {  	_ =	shalt  }
0x4f: {  	_ =	shalt  }
0x50: {  	_ =	shalt  }
0x51: {  	_ =	shalt  }
0x52: {  	_ =	shalt  }
0x53: {  	_ =	shalt  }
0x54: {  	_ =	shalt  }
0x55: {  	_ =	shalt  }
0x56: {  	_ =	shalt  }
0x57: {  	_ =	shalt  }
0x58: {  	_ =	shalt  }
0x59: {  	_ =	shalt  }
0x5a: {  	_ =	shalt  }
0x5b: {  	_ =	shalt  }
0x5c: {  	_ =	shalt  }
0x5d: {  	_ =	shalt  }
0x5e: {  	_ =	shalt  }
0x5f: {  	_ =	shalt  }
0x60: {  	_ =	shalt  }
0x61: {  	_ =	shalt  }
0x62: {  	_ =	shalt  }
0x63: {  	_ =	shalt  }
0x64: {  	_ =	shalt  }
0x65: {  	_ =	shalt  }
0x66: {  	_ =	shalt  }
0x67: {  	_ =	shalt  }
0x68: {  	_ =	shalt  }
0x69: {  	_ =	shalt  }
0x6a: {  	_ =	shalt  }
0x6b: {  	_ =	shalt  }
0x6c: {  	_ =	shalt  }
0x6d: {  	_ =	shalt  }
0x6e: {  	_ =	shalt  }
0x6f: {  	_ =	shalt  }
0x70: {  	_ =	shalt  }
0x71: {  	_ =	shalt  }
0x72: {  	_ =	shalt  }
0x73: {  	_ =	shalt  }
0x74: {  	_ =	shalt  }
0x75: {  	_ =	shalt  }
0x76: {  	_ =	shalt  }
0x77: {  	_ =	shalt  }
0x78: {  	_ =	shalt  }
0x79: {  	_ =	shalt  }
0x7a: {  	_ =	shalt  }
0x7b: {  	_ =	shalt  }
0x7c: {  	_ =	shalt  }
0x7d: {  	_ =	shalt  }
0x7e: {  	_ =	shalt  }
0x7f: {  	_ =	shalt  }
0x80: {  	_ =	shalt  }
0x81: {  	_ =	shalt  }
0x82: {  	_ =	shalt  }
0x83: {  	_ =	shalt  }
0x84: {  	_ =	shalt  }
0x85: {  	_ =	shalt  }
0x86: {  	_ =	shalt  }
0x87: {  	_ =	shalt  }
.Lfunc_end0:
.L_simem_size_0:
called_computation.1_lowered:
.L_overlay_start_0:
0x88: {  	s2 =	sld [smem:$0x3FD9]  }
0x89: {  	s3 =	sld [smem:$0x3FFE];
	_ =	sdelay $0x1  }
0x8a: {  	s1 =	srdreg.scid  }
0x8b: {  	s0 =	sand.u32 $0x1, s1  }
0x8c: {  	s17 =	sshll.u32 s0, $0xA;
	s2 =	sadd.s32 s3, s2  }
0x8d: {  	s2 =	sadd.s32 s2, s17  }
0x8e: {  	[smem:$0x3FC1] =	sst s2  }
0x8f: {  	_ = 	snop  }
0x90: {  	s2 =	sld [smem:$0x3FD0];
	(tm) =	ssettm $0x1  }
0x91: {  	s18 =	sld [smem:$0x3FFB];
	_ =	sdelay $0x3  }
0x92: {  	_ =	strace s18  }
0x93: {  	s3 =	sld [smem:$0x3FFC];
	_ =	sdelay $0x3  }
0x94: {  	_ =	strace s3  }
0x95: {  	s3 =	sld [smem:$0x3FFD];
	_ =	sdelay $0x3  }
0x96: {  	_ =	strace s3  }
0x97: {  	_ =	strace $0x8FFFFFFF  }
0x98: {  	s19 =	sld [smem:$0x3FDB];
	_ =	sdelay $0x1  }
0x99: {  	s4 =	simm.s32 $_scs_section_size  }
0x9a: {  	s5 =	simm.s32 $_size__tile_overlayer_lowered;
	s6 =	simm.s32 $_tile_overlayer_lowered  }
0x9b: {  	s22 =	simm.s32 $0x1BFF;
	s21 =	sshll.u32 s6, $0x1;
	s3 =	sadd.s32 s4, s19  }
0x9c: {  	s7 =	simm.s32 $0x0;
	s20 =	sshll.u32 s5, $0x1;
	s5 =	sadd.s32 s21, s3  }
0x9d: {  	[timem:s7], [sflag:s22] =	dma.local [hbm:s5], s20  }
0x9e: {  	_ =	swait.ge [sflag:s22], s20  }
0x9f: {  	s4 =	ssub.s32 $0x0, s20;
	[sflag:s22] =	ssyncset.done $0x0  }
0xa0: {  	[sflag:s22] =	ssyncadd.s32 s4;
	_ =	sdelay $0x1  }
0xa1: {  	s23 =	simm.s32 $0x1B8B  }
0xa2: {  	_ =	swait.ge [sflag:s23], $0x1  }
0xa3: {  	[sflag:s23] =	ssyncset.done $0x0  }
0xa4: {  	s25 =	simm.s32 $0x1B8E;
	s24 =	sld [smem:$0x3FFE];
	[sflag:s23] =	ssyncadd.s32 $0xFFFFFFFF  }
0xa5: {  	s26 =	simm.s32 $execute0_lowered;
	[smem:$0x3FD2] =	sst s25  }
0xa6: {  	s5 =	sshll.u32 s26, $0x1;
	_ =	strace $0x80000049;
	[dreg:$0x1] =	wrdreg $0xFFFFFFFF  }
0xa7: {  	s28 =	simm.s32 $_size_execute0_lowered;
	s3 =	sadd.s32 s3, s5;
	[dreg:$0x0] =	wrdreg $0x0  }
0xa8: {  	s5 =	sshll.u32 s28, $0x1;
	[dreg:$0x2] =	wrdreg s3  }
0xa9: {  	[dreg:$0x3] =	wrdreg s5  }
0xaa: {  	[dreg:$0x4] =	wrdreg $0xC0  }
0xab: {  	_ =	task [dreg:s7], $0x5FFFF  }
0xac: {  	[dreg:$0x1] =	wrdreg $0xFFFFFFFF  }
0xad: {  	[dreg:$0x0] =	wrdreg $0x60  }
0xae: {  	[dreg:$0x2] =	wrdreg s2  }
0xaf: {  	[dreg:$0x3] =	wrdreg s24  }
0xb0: {  	[dreg:$0x4] =	wrdreg $0xA8000  }
0xb1: {  	[dreg:$0x5] =	wrdreg $0x9  }
0xb2: {  	_ =	task.clear_ibuf [dreg:s7], $0x6FFFF;
	_ =	strace $0x90000049  }
0xb3: {  	s29 =	simm.s32 $0x9;
	_ =	strace $0x8000004B  }
0xb4: {  	_ =	swait.ge [sflag:s29], $0x1  }
0xb5: {  	[sflag:s29] =	ssyncadd.s32 $0xFFFFFFFF  }
0xb6: {  	_ =	strace $0x9000004B  }
0xb7: {  	_ =	sfence  }
0xb8: {  	s30 =	sld [smem:$0x0];
	_ =	sdelay $0x2  }
0xb9: {  	s31 =	sshll.u32 s1, $0xD;
	s1 =	sshrl.u32 s1, $0x2  }
0xba: {  	s3 =	sand.u32 $0x4000, s31;
	s1 =	sadd.s32 s1, s30  }
0xbb: {  	s0 =	sor.u32 s3, s0;
	s1 =	sshll.u32 s1, $0x11  }
0xbc: {  	s0 =	sor.u32 s1, s0  }
0xbd: {  	s0 =	sadd.s32 $0x8F2B, s0  }
0xbe: {  	[sflag:s0] =	ssyncadd.remote.s32 $0x1  }
0xbf: {  	_ =	sfence.sel $0xFFFF  }
0xc0: {  	[dreg:$0x0] =	wrdreg $0xFFFFFFFF;
	(pc) =	sbr.abs _section_cstart, $3  }
0xc1: {  	[dreg:$0x1] =	wrdreg $0xFFFFFFFF  }
0xc2: {  	_ =	task.clear_ibuf [dreg:s7], $0x2FFFF;
	_ =	strace $0x9FFFFFFF  }
0xc3: {  	(tm) =	ssettm $0x7FFFFFFF  }
tec
execute0_lowered:
.L_overlay_start_1:
0x0: {  	(tag) =	ssettag $0x1  }
0x1: {  	s0 =	rddreg [dreg:$0x0]  }
0x2: {  	s2 =	rddreg [dreg:$0x1]  }
0x3: {  	s1 =	srdreg.scid;
	s3 =	rddreg [dreg:$0x2]  }
0x4: {  	s12 =	stileid.u32;
	s4 =	simm.s32 $0x0;
	s28 =	simm.s32 $0x80  }
0x5: {  	s29 =	simm.s32 $0x6800;
	s30 =	simm.s32 $0x1;
	s31 =	simm.s32 $0x2  }
0x6: {  	s1 =	sand.u32 $0x1, s1;
	[smem:$0x7FF] =	sst s4;
	s6 =	sadd.s32 $0x2800, s2  }
0x7: {  	s2 =	sadd.s32 $0x54200, s2;
	s10 =	smul.u32 $0x14000, s12;
	s5 =	sshll.u32 s1, $0x4  }
0x8: {  	_ =	strace $0x8000004A;
	s9 =	smul.u32 $0x140000, s1;
	s1 =	ssub.s32 $0x2, s1  }
0x9: {  	s8 =	sor.u32 s12, s5;
	s7 =	sshrl.u32 s1, $0x1;
	s12 =	smul.u32 $0x50000, s12  }
0xa: {  	s16 =	sadd.s32 $0x4000, s10;
	s22 =	sadd.s32 $0x8000, s10;
	s13 =	sadd.s32 $0xC000, s10  }
0xb: {  	s5 =	smul.u32 $0x50, s8;
	s1 =	ssub.s32 s1, s7;
	s14 =	sadd.s32 s9, s10  }
0xc: {  	p0 =	sne.s32 s8, $0x1F;
	s18 =	sadd.s32 s9, s16;
	s23 =	sadd.s32 s9, s22  }
0xd: {  	s10 =	sadd.s32 $0x10000, s10;
	s25 =	sadd.s32 s13, s3;
	s15 =	sshrl.u32 s12, $0x2  }
0xe: {  	s1 =	smax.u32 s1, $0x1;
	s12 =	sshrl.u32 s23, $0x3;
	s26 =	sadd.s32 s10, s3  }
0xf: {  	s11 =	ssub.s32 $0x9C4, s5;
	s8 =	sadd.s32 s15, s3;
	[dreg:$0x5] =	wrdreg s1  }
0x10: {  	s1 =	sshrl.u32 s18, $0x3;
	s7 =	smin.u32 s11, $0x50;
	s17 =	sadd.s32 $0x4000, s8  }
0x11: {  	s11 =	sshrl.u32 s14, $0x3;
	s19 =	sadd.s32 $0x8000, s8;
	[dreg:$0x6] =	wrdreg s17  }
0x12: {  	s20 =	sadd.s32 $0xC000, s8;
	s21 =	sadd.s32 $0x10000, s8;
	[dreg:$0x7] =	wrdreg s19  }
0x13: {  	s1 =	sadd.s32 s2, s1;
	s14 =	sadd.s32 s9, s13;
	[dreg:$0x8] =	wrdreg s20  }
0x14: {  	s9 =	sadd.s32 s9, s10;
	s11 =	sadd.s32 s2, s11;
	[dreg:$0x9] =	wrdreg s21  }
0x15: {  	[dreg:$0xa] =	wrdreg s1;
	s24 =	sshrl.u32 s14, $0x3;
	s1 =	sadd.s32 s22, s3  }
0x16: {  	s9 =	sshrl.u32 s9, $0x3;
	s19 =	sadd.s32 $0xA000, s0;
	s20 =	simm.s32 $0x2800  }
.Ltmp0:
0x17: {  	s21 =	simm.s32 $0x5;
	[dreg:$0x4] =	wrdreg s11;
	(pc) =	sbr.rel .LBB2_1-.Ltmp0, $4  }
0x18: {  	s11 =	sadd.s32 s16, s3;
	s16 =	sadd.s32 s2, s12;
	s17 =	sadd.s32 s2, s24  }
0x19: {  	s18 =	sadd.s32 s2, s9;
	s23 =	sshrl.u32 s1, $0x3;
	s24 =	sshrl.u32 s25, $0x3  }
0x1a: {  	s25 =	sshrl.u32 s26, $0x3;
	s26 =	simm.s32 $0x1400;
	s1 =	simm.s32 $0x3  }
0x1b: {  	v0 =	vimm.f32 $0.0e+00;
	s2 =	simm.s32 $0x4;
	s9 =	simm.s32 $0x0;
	s22 =	sshrl.u32 s11, $0x3  }
.LBB2_9:
0x1c: {  	s10 =	stileid.u32  }
0x1d: {  	[bflag:$0x0] =	sbarrier.arrive $0xFFFF;
	s10 =	sshll.u32 s10, $0x6  }
0x1e: {  	s11 =	sshrl.u32 s8, $0x3;
	s12 =	rddreg [dreg:$0x4];
	s10 =	sor.u32 $0x1C05, s10  }
0x1f: {  	[hbm:s12], [sflag:s10] =	dma.local [spmem:s11], $0x800  }
0x20: {  	_ =	swait.ge [sflag:s21], $0x800  }
0x21: {  	[sflag:s21] =	ssyncset.done $0x0  }
0x22: {  	s14 =	rddreg [dreg:$0xa];
	[sflag:s21] =	ssyncadd.s32 $0xFFFFF800  }
0x23: {  	[hbm:s14], [sflag:s10] =	dma.local [spmem:s22], $0x800  }
0x24: {  	_ =	swait.ge [sflag:s21], $0x800  }
0x25: {  	[sflag:s21] =	ssyncset.done $0x0  }
0x26: {  	[sflag:s21] =	ssyncadd.s32 $0xFFFFF800  }
0x27: {  	[hbm:s16], [sflag:s10] =	dma.local [spmem:s23], $0x800  }
0x28: {  	_ =	swait.ge [sflag:s21], $0x800  }
0x29: {  	[sflag:s21] =	ssyncset.done $0x0  }
0x2a: {  	[sflag:s21] =	ssyncadd.s32 $0xFFFFF800  }
0x2b: {  	[hbm:s17], [sflag:s10] =	dma.local [spmem:s24], $0x800  }
0x2c: {  	_ =	swait.ge [sflag:s21], $0x800  }
0x2d: {  	[sflag:s21] =	ssyncset.done $0x0  }
0x2e: {  	[sflag:s21] =	ssyncadd.s32 $0xFFFFF800  }
0x2f: {  	[hbm:s18], [sflag:s10] =	dma.local [spmem:s25], $0x800  }
0x30: {  	_ =	swait.ge [sflag:s21], $0x800  }
0x31: {  	s9 =	sadd.s32 $0x1, s9;
	s15 =	rddreg [dreg:$0x5]  }
0x32: {  	p1 =	sne.s32 s9, s15  }
.Ltmp1:
0x33: {  	_ = 	snop;
	(pc) =	sbr.rel @!p1 .LBB2_10-.Ltmp1, $3  }
0x34: {  	_ =	sdelay $0x1  }
0x35: {  	[sflag:s21] =	ssyncset.done $0x0  }
0x36: {  	[sflag:s21] =	ssyncadd.s32 $0xFFFFF800  }
.LBB2_1:
0x37: {  	s10 =	simm.s32 $0x0;
	s11 =	simm.s32 $0x200  }
.LBB2_2:
0x38: {  	p1 =	sne.s32 s11, $0xFE00;
	[tilespmem:s10+$0x2870] =	vst v0  }
0x39: {  	[tilespmem:s10+$0x2800] =	vst v0  }
0x3a: {  	[tilespmem:s10+$0x2810] =	vst v0  }
.Ltmp2:
0x3b: {  	[tilespmem:s10+$0x2820] =	vst v0;
	(pc) =	sbr.rel @p1 .LBB2_2-.Ltmp2, $4  }
0x3c: {  	[tilespmem:s10+$0x2830] =	vst v0  }
0x3d: {  	[tilespmem:s10+$0x2840] =	vst v0  }
0x3e: {  	[tilespmem:s10+$0x2850] =	vst v0  }
0x3f: {  	[tilespmem:s10+$0x2860] =	vst v0;
	s10 =	sshra.s32 s11, $0x2;
	s11 =	sadd.s32 $0x200, s11  }
0x40: {  	[tilespmem:s10+$0x2870] =	vst v0  }
0x41: {  	[tilespmem:s10+$0x2800] =	vst v0  }
0x42: {  	[tilespmem:s10+$0x2810] =	vst v0  }
0x43: {  	[tilespmem:s10+$0x2820] =	vst v0  }
0x44: {  	[tilespmem:s10+$0x2830] =	vst v0  }
0x45: {  	[tilespmem:s10+$0x2840] =	vst v0  }
0x46: {  	[tilespmem:s10+$0x2850] =	vst v0  }
0x47: {  	[tilespmem:s10+$0x2860] =	vst v0  }
0x48: {  	[spmem:s8] =	stream.linear.scatter [tilespmem:s20], [sflag:$0x5], $0x4000, $0x38;
	[tilespmem:$0x1E800] =	vst v63  }
0x49: {  	_ =	swait.ge [sflag:s21], $0x4000  }
0x4a: {  	[sflag:s21] =	ssyncset.done $0x0  }
0x4b: {  	s12 =	rddreg [dreg:$0x6];
	[sflag:s21] =	ssyncadd.s32 $0xFFFFC000  }
0x4c: {  	[spmem:s12] =	stream.linear.scatter [tilespmem:s20], [sflag:$0x5], $0x4000, $0x38;
	[tilespmem:$0x1E800] =	vst v63  }
0x4d: {  	_ =	swait.ge [sflag:s21], $0x4000  }
0x4e: {  	[sflag:s21] =	ssyncset.done $0x0  }
0x4f: {  	s13 =	rddreg [dreg:$0x7];
	[sflag:s21] =	ssyncadd.s32 $0xFFFFC000  }
0x50: {  	[spmem:s13] =	stream.linear.scatter [tilespmem:s20], [sflag:$0x5], $0x4000, $0x38;
	[tilespmem:$0x1E800] =	vst v63  }
0x51: {  	_ =	swait.ge [sflag:s21], $0x4000  }
0x52: {  	[sflag:s21] =	ssyncset.done $0x0  }
0x53: {  	s14 =	rddreg [dreg:$0x8];
	[sflag:s21] =	ssyncadd.s32 $0xFFFFC000  }
0x54: {  	[spmem:s14] =	stream.linear.scatter [tilespmem:s20], [sflag:$0x5], $0x4000, $0x38;
	[tilespmem:$0x1E800] =	vst v63  }
0x55: {  	_ =	swait.ge [sflag:s21], $0x4000  }
0x56: {  	[sflag:s21] =	ssyncset.done $0x0  }
0x57: {  	s15 =	rddreg [dreg:$0x9];
	[sflag:s21] =	ssyncadd.s32 $0xFFFFC000  }
0x58: {  	[spmem:s15] =	stream.linear.scatter [tilespmem:s20], [sflag:$0x5], $0x4000, $0x38;
	[tilespmem:$0x1E800] =	vst v63  }
.Ltmp3:
0x59: {  	_ =	swait.ge [sflag:s21], $0x4000;
	(pc) =	sbr.rel .LBB2_4-.Ltmp3, $4  }
0x5a: {  	[sflag:s21] =	ssyncset.done $0x0  }
0x5b: {  	[sflag:s21] =	ssyncadd.s32 $0xFFFFC000  }
0x5c: {  	[bflag:$0x0] =	sbarrier.arrive $0xFFFF  }
0x5d: {  	s10 =	simm.s32 $0x0;
	p2 =	por p0, p0  }
.LBB2_7:
0x5e: {  	s10 =	sshra.s32 s14, $0x2  }
0x5f: {  	[tilespmem:s29], [sflag:$0x2] =	stream.indirect.gather [hbm4b:s6+s28], $0x80, s10, s28, $0xb8;
	[tilespmem:$0x1E800] =	vst v63  }
.LBB2_8:
0x60: {  	_ =	swait.ge [sflag:s30], $0x4000  }
.Ltmp4:
0x61: {  	[sflag:s30] =	ssyncset.done $0x0;
	(pc) =	sbr.rel @!p1 .LBB2_9-.Ltmp4, $4  }
0x62: {  	[sflag:s30] =	ssyncadd.s32 $0xFFFFC000  }
0x63: {  	_ =	swait.ge [sflag:s31], $0x4000  }
0x64: {  	[sflag:s31] =	ssyncset.done $0x0  }
0x65: {  	s10 =	simm.s32 $0x28;
	p2 =	por $0x0, $0x0;
	[sflag:s31] =	ssyncadd.s32 $0xFFFFC000  }
.LBB2_4:
0x66: {  	s11 =	sadd.s32 s5, s10  }
0x67: {  	s11 =	sshll.u32 s11, $0x4  }
0x68: {  	s10 =	ssub.s32 s7, s10;
	s12 =	sadd.s32 s19, s11  }
0x69: {  	[tilespmem:s4], [sflag:$0x5] =	stream.linear.gather [hbm4b:s12+s4], $0x1400, $0x38;
	[tilespmem:$0x1E800] =	vst v63  }
0x6a: {  	p1 =	slt.s32 s10, $0x28;
	_ =	swait.ge [sflag:s21], $0x1400  }
0x6b: {  	s10 =	simm.s32 @!p1 $0x28;
	[sflag:s21] =	ssyncset.done $0x0  }
0x6c: {  	s11 =	sadd.s32 s0, s11;
	s13 =	sshra.s32 s10, $0x1;
	[sflag:s21] =	ssyncadd.s32 $0xFFFFEC00  }
0x6d: {  	[tilespmem:s26], [sflag:$0x5] =	stream.linear.gather [hbm4b:s11+s4], $0x1400, $0x38;
	[tilespmem:$0x1E800] =	vst v63  }
0x6e: {  	p3 =	slt.s32 s13, $0x1;
	_ =	swait.ge [sflag:s21], $0x1400  }
.Ltmp5:
0x6f: {  	[sflag:s21] =	ssyncset.done $0x0;
	(pc) =	sbr.rel @p3 .LBB2_8-.Ltmp5, $4  }
0x70: {  	[sflag:s21] =	ssyncadd.s32 $0xFFFFEC00  }
0x71: {  	[tilespmem:s20], [sflag:$0x1] =	stream.indirect.gather [hbm4b:s6+s28], $0x80, s4, s28, $0xb8;
	[tilespmem:$0x1E800] =	vst v63  }
0x72: {  	p1 =	por p2, p2  }
0x73: {  	[tilespmem:s29], [sflag:$0x2] =	stream.indirect.gather [hbm4b:s6+s28], $0x80, s28, s28, $0xb8;
	[tilespmem:$0x1E800] =	vst v63  }
0x74: {  	_ =	swait.ge [sflag:s30], $0x4000  }
0x75: {  	[sflag:s30] =	ssyncset.done $0x0  }
0x76: {  	s11 =	simm.s32 $0x1400;
	[sflag:s30] =	ssyncadd.s32 $0xFFFFC000  }
0x77: {  	[spmem:s3] =	stream.indirect.scatter.add.f32 [tilespmem:s20], [sflag:$0x3], $0x80, s11, s28, $0xb8;
	[tilespmem:$0x1E800] =	vst v63  }
0x78: {  	s10 =	sadd.s32 $0xFFFFFFFF, s10;
	_ =	swait.ge [sflag:s31], $0x4000  }
0x79: {  	s12 =	simm.s32 $0x2;
	p2 =	sgt.s32 s10, $0x2;
	[sflag:s31] =	ssyncset.done $0x0  }
0x7a: {  	s14 =	smov.u32 s10;
	s11 =	simm.s32 $0x1480;
	[sflag:s31] =	ssyncadd.s32 $0xFFFFC000  }
0x7b: {  	[spmem:s3] =	stream.indirect.scatter.add.f32 [tilespmem:s29], [sflag:$0x4], $0x80, s11, s28, $0xb8;
	[tilespmem:$0x1E800] =	vst v63  }
0x7c: {  	p3 =	sne.s32 s13, $0x1;
	s14 =	smov.u32 @p2 s12;
	_ =	swait.ge [sflag:s1], $0x4000  }
0x7d: {  	s15 =	smov.u32 s10;
	s14 =	sshll.u32 s14, $0x9;
	[sflag:s1] =	ssyncset.done $0x0  }
.Ltmp6:
0x7e: {  	s14 =	sshra.s32 s14, $0x2;
	[sflag:s1] =	ssyncadd.s32 $0xFFFFC000;
	(pc) =	sbr.rel @!p3 .LBB2_7-.Ltmp6, $4  }
0x7f: {  	[tilespmem:s20], [sflag:$0x1] =	stream.indirect.gather [hbm4b:s6+s28], $0x80, s14, s28, $0xb8;
	[tilespmem:$0x1E800] =	vst v63  }
0x80: {  	p2 =	sgt.s32 s10, $0x3;
	s14 =	simm.s32 $0x3;
	_ =	swait.ge [sflag:s2], $0x4000  }
0x81: {  	s15 =	smov.u32 @p2 s14;
	[sflag:s2] =	ssyncset.done $0x0  }
0x82: {  	s13 =	sadd.s32 $0xFFFFFFFF, s13;
	s14 =	sshll.u32 s15, $0x9;
	[sflag:s2] =	ssyncadd.s32 $0xFFFFC000  }
.LBB2_6:
0x83: {  	s14 =	sshra.s32 s14, $0x2;
	s11 =	sadd.s32 $0x100, s11;
	s12 =	sadd.s32 $0x2, s12  }
0x84: {  	[tilespmem:s29], [sflag:$0x2] =	stream.indirect.gather [hbm4b:s6+s28], $0x80, s14, s28, $0xb8;
	[tilespmem:$0x1E800] =	vst v63  }
0x85: {  	p2 =	sne.s32 s13, $0x1;
	s13 =	sadd.s32 $0xFFFFFFFF, s13;
	_ =	swait.ge [sflag:s30], $0x4000  }
0x86: {  	[sflag:s30] =	ssyncset.done $0x0  }
0x87: {  	s14 =	sadd.s32 $0xFFFFFF80, s11;
	[sflag:s30] =	ssyncadd.s32 $0xFFFFC000  }
0x88: {  	[spmem:s3] =	stream.indirect.scatter.add.f32 [tilespmem:s20], [sflag:$0x3], $0x80, s14, s28, $0xb8;
	[tilespmem:$0x1E800] =	vst v63  }
0x89: {  	_ =	swait.ge [sflag:s31], $0x4000  }
0x8a: {  	[sflag:s31] =	ssyncset.done $0x0  }
0x8b: {  	p3 =	slt.s32 s12, s10;
	s14 =	smov.u32 s10;
	[sflag:s31] =	ssyncadd.s32 $0xFFFFC000  }
0x8c: {  	[spmem:s3] =	stream.indirect.scatter.add.f32 [tilespmem:s29], [sflag:$0x4], $0x80, s11, s28, $0xb8;
	[tilespmem:$0x1E800] =	vst v63  }
0x8d: {  	s14 =	smov.u32 @p3 s12;
	_ =	swait.ge [sflag:s1], $0x4000  }
0x8e: {  	s15 =	sadd.s32 $0x1, s12;
	s14 =	sshll.u32 s14, $0x9;
	[sflag:s1] =	ssyncset.done $0x0  }
.Ltmp7:
0x8f: {  	s14 =	sshra.s32 s14, $0x2;
	[sflag:s1] =	ssyncadd.s32 $0xFFFFC000;
	(pc) =	sbr.rel @p2 .LBB2_6-.Ltmp7, $4  }
0x90: {  	[tilespmem:s20], [sflag:$0x1] =	stream.indirect.gather [hbm4b:s6+s28], $0x80, s14, s28, $0xb8;
	[tilespmem:$0x1E800] =	vst v63  }
0x91: {  	p3 =	slt.s32 s15, s10;
	s14 =	smov.u32 s10;
	_ =	swait.ge [sflag:s2], $0x4000  }
0x92: {  	s14 =	smov.u32 @p3 s15;
	[sflag:s2] =	ssyncset.done $0x0  }
0x93: {  	s14 =	sshll.u32 s14, $0x9;
	[sflag:s2] =	ssyncadd.s32 $0xFFFFC000  }
.Ltmp8:
0x94: {  	_ = 	snop;
	(pc) =	sbr.rel .LBB2_7-.Ltmp8, $1  }
0x95: {  	_ =	sdelay $0x3  }
.LBB2_10:
0x96: {  	_ =	sfence.sel $0x180000  }
0x97: {  	[bflag:$0x0] =	sbarrier.arrive $0xFFFF  }
0x98: {  	_ =	strace $0x9000004A  }
0x99: {  	s0 =	stileid.u32;
	[bflag:$0x2] =	sbarrier.arrive $0xFFFF  }
0x9a: {  	p0 =	sne.s32 s0, $0x0;
	s0 =	rddreg [dreg:$0x3]  }
0x9b: {  	s0 =	sadd.s32 @!p0 $0x100000, s0  }
0x9c: {  	[sflag:s0] =	ssyncadd.tile.s32 @!p0 $0x1;
	_ =	shalt  }
.Lfunc_end2:
_tile_overlayer_lowered:
.L_overlay_start_2:
0x9d: {  	(tag) =	ssettag $0x2  }
0x9e: {  	s0 =	rddreg [dreg:$0x0];
	s2 =	stileid.u32  }
0x9f: {  	s1 =	rddreg [dreg:$0x1];
	p0 =	sne.s32 s2, $0x0  }
0xa0: {  	s3 =	rddreg [dreg:$0x2];
	[bflag:$0x3] =	sbarrier.arrive $0xFFFF;
	s2 =	simm.s32 @!p0 $0x1C05  }
0xa1: {  	[timem:s3], [sflag:s2] =	dma.local @!p0 [hbm:s0], s1  }
0xa2: {  	s0 =	simm.s32 @!p0 $0x5  }
0xa3: {  	_ =	swait.ge @!p0 [sflag:s0], s1  }
0xa4: {  	s1 =	ssub.s32 @!p0 $0x0, s1;
	[sflag:s0] =	ssyncset.done @!p0 $0x0  }
0xa5: {  	[sflag:s0] =	ssyncadd.s32 @!p0 s1  }
0xa6: {  	[bflag:$0x3] =	sbarrier.arrive $0xFFFF  }
0xa7: {  	_ =	shalt  }

</sc_bundles>
